<compile_context>
chip_gen: v7x
topology: tpu7x:2x2x1
jax: 0.10.2.dev20260603
libtpu: 0.0.44.dev20260713+nightly
codegen_flags: <defaults>
</compile_context>

<pallas_src>
import functools

import jax
import jax.numpy as jnp
from jax import lax
from jax.experimental import pallas as pl
from jax.experimental.pallas import tpu as pltpu
from jax.experimental.pallas import tpu_sc as plsc

N = 10000
E = 160000
B = 64
DIM = 32
HID = 128
DD = DIM * DIM

NC = 2
NS = 16
NW = NC * NS
CHUNK = 128
NPAD = 10016
EPAD = 163840
CPW = EPAD // (NW * CHUNK)
RPT = NPAD // NS
EH = EPAD // 2
CPWH = EH // (NW * CHUNK)
CNTW = 16
GRP = 8


@functools.cache
def _sc_kernels():
    mesh = plsc.VectorSubcoreMesh(core_axis_name="c", subcore_axis_name="s",
                                  num_cores=NC, num_subcores=NS)
    params = pltpu.CompilerParams(use_tc_tiling_on_sc=False)

    def make_gather(nedge, cpw):
        @functools.partial(
            pl.kernel,
            out_type=jax.ShapeDtypeStruct((nedge, 128), jnp.float32),
            mesh=mesh,
            scratch_types=[
                pltpu.VMEM((cpw, CHUNK), jnp.int32),
                pltpu.VMEM((GRP, CHUNK, DIM), jnp.float32),
                pltpu.SemaphoreType.DMA,
                pltpu.SemaphoreType.DMA,
            ],
            compiler_params=params,
        )
        def sc_gather(table, idx, out, idx_v, rows_v, sem, sem2):
            w = lax.axis_index("s") * NC + lax.axis_index("c")
            base = w * cpw
            pltpu.sync_copy(idx.at[pl.ds(base, cpw)], idx_v)

            def body(j, carry):
                pltpu.async_copy(table.at[idx_v.at[j]], rows_v.at[0],
                                 sem).wait()
                pltpu.sync_copy(rows_v.at[0],
                                out.at[pl.ds((base + j) * CHUNK, CHUNK),
                                       pl.ds(0, DIM)])
                return carry

            lax.fori_loop(0, cpw, body, 0)

        return sc_gather

    def make_scatter(cpw):
        @functools.partial(
            pl.kernel,
            out_type=jax.ShapeDtypeStruct((NC, NPAD, DIM), jnp.float32),
            mesh=mesh,
            scratch_types=[
                pltpu.VMEM((cpw, CHUNK), jnp.int32),
                pltpu.VMEM((GRP, CHUNK, DIM), jnp.float32),
                pltpu.VMEM_SHARED((NPAD, DIM), jnp.float32),
                pltpu.SemaphoreType.DMA,
                pltpu.SemaphoreType.DMA,
            ],
            compiler_params=params,
        )
        def sc_scatter(msg, idx, zeros, out, idx_v, rows_v, acc, sem, sem2):
            cid = lax.axis_index("c")
            sid = lax.axis_index("s")
            w = sid * NC + cid
            pltpu.sync_copy(zeros.at[pl.ds(sid * RPT, RPT)],
                            acc.at[pl.ds(sid * RPT, RPT)])
            pltpu.sync_copy(idx.at[pl.ds(w * cpw, cpw)], idx_v)
            plsc.subcore_barrier()

            def body(j, carry):
                pltpu.sync_copy(
                    msg.at[pl.ds((w * cpw + j) * CHUNK, CHUNK),
                           pl.ds(0, DIM)], rows_v.at[0])
                pltpu.sync_copy(rows_v.at[0], acc.at[idx_v.at[j]], add=True)
                return carry

            lax.fori_loop(0, cpw, body, 0)
            plsc.subcore_barrier()
            pltpu.sync_copy(acc.at[pl.ds(sid * RPT, RPT)],
                            out.at[cid, pl.ds(sid * RPT, RPT)])

        return sc_scatter

    sc_gather = make_gather(EPAD, CPW)
    sc_scatter = make_scatter(CPW)

    @functools.partial(
        pl.kernel,
        out_type=jax.ShapeDtypeStruct((NC, NPAD, CNTW), jnp.float32),
        mesh=mesh,
        scratch_types=[
            pltpu.VMEM((CPW, CHUNK), jnp.int32),
            pltpu.VMEM((CHUNK, CNTW), jnp.float32),
            pltpu.VMEM_SHARED((NPAD, CNTW), jnp.float32),
            pltpu.SemaphoreType.DMA,
        ],
        compiler_params=params,
    )
    def sc_count(ones, idx, zeros, out, idx_v, ones_v, acc, sem):
        cid = lax.axis_index("c")
        sid = lax.axis_index("s")
        w = sid * NC + cid
        pltpu.sync_copy(zeros.at[pl.ds(sid * RPT, RPT)],
                        acc.at[pl.ds(sid * RPT, RPT)])
        pltpu.sync_copy(idx.at[pl.ds(w * CPW, CPW)], idx_v)
        pltpu.sync_copy(ones, ones_v)
        plsc.subcore_barrier()

        def body(j, carry):
            pltpu.sync_copy(ones_v, acc.at[idx_v.at[j]], add=True)
            return carry

        lax.fori_loop(0, CPW, body, 0)
        plsc.subcore_barrier()
        pltpu.sync_copy(acc.at[pl.ds(sid * RPT, RPT)],
                        out.at[cid, pl.ds(sid * RPT, RPT)])

    return sc_gather, sc_scatter, sc_count


def _sc_gather(table, idx):
    return _sc_kernels()[0](table, idx)


def _sc_scatter(msg, idx, zeros):
    return _sc_kernels()[1](msg, idx, zeros)


def _sc_count(ones, idx, zeros):
    return _sc_kernels()[2](ones, idx, zeros)



def _sigmoid(v):
    return jax.nn.sigmoid(v)


def _init_body(x_r, w0_r, b0_r, out_r):
    out_r[...] = jnp.maximum(jnp.dot(x_r[...], w0_r[...]) + b0_r[...], 0.0)


def _tc_init(x_p, w0, b0r):
    return pl.pallas_call(
        _init_body,
        out_shape=jax.ShapeDtypeStruct((NPAD, DIM), jnp.float32),
    )(x_p, w0, b0r)


EBLK = 2048


def _edge_body(ea_r, xj_r, w1_r, b1_r, w2_r, b2m_r, rm_r, sm_r, msg_r):
    f32 = jnp.float32
    bf16 = jnp.bfloat16
    xj = xj_r[:, 0:DIM]
    hid = jnp.maximum(
        lax.dot_general(ea_r[...], w1_r[...], (((0,), (0,)), ((), ())))
        + b1_r[...], 0.0)
    ew = jnp.dot(hid.astype(bf16), w2_r[...], preferred_element_type=f32)
    xr = jnp.dot(xj.astype(bf16), rm_r[...], preferred_element_type=f32)
    msg_r[:, 0:DIM] = (jnp.dot((ew * xr).astype(bf16), sm_r[...],
                               preferred_element_type=f32)
                       + jnp.dot(xj, b2m_r[...]))


def _tc_edge(ea_t, xj, w1, b1r, w2, b2m, rm, sm):
    zero2 = lambda i: (0, 0)
    return pl.pallas_call(
        _edge_body,
        grid=(EPAD // EBLK,),
        in_specs=[
            pl.BlockSpec((2, EBLK), lambda i: (0, i)),
            pl.BlockSpec((EBLK, 128), lambda i: (i, 0)),
            pl.BlockSpec((2, HID), zero2),
            pl.BlockSpec((1, HID), zero2),
            pl.BlockSpec((HID, DD), zero2),
            pl.BlockSpec((DIM, DIM), zero2),
            pl.BlockSpec((DIM, DD), zero2),
            pl.BlockSpec((DD, DIM), zero2),
        ],
        out_specs=pl.BlockSpec((EBLK, 128), lambda i: (i, 0)),
        out_shape=jax.ShapeDtypeStruct((EPAD, 128), jnp.float32),
    )(ea_t, xj, w1, b1r, w2, b2m, rm, sm)


def _node_body(pa_r, cnts_r, out_r, root_r, convb_r, wih_r, whh_r,
               bih_r, bhh_r, hout_r):
    pa = pa_r[...]
    ssum = pa[0] + pa[1]
    c = cnts_r[...]
    cnt = c[0, :, 0:1] + c[1, :, 0:1]
    o = out_r[...]
    agg = ssum / jnp.maximum(cnt, 1.0)
    m = jnp.maximum(jnp.dot(o, root_r[...]) + agg + convb_r[...], 0.0)
    gi = jnp.dot(m, wih_r[...]) + bih_r[...]
    gh = jnp.dot(o, whh_r[...]) + bhh_r[...]
    r = _sigmoid(gi[:, 0:DIM] + gh[:, 0:DIM])
    z = _sigmoid(gi[:, DIM:2 * DIM] + gh[:, DIM:2 * DIM])
    n = jnp.tanh(gi[:, 2 * DIM:3 * DIM] + r * gh[:, 2 * DIM:3 * DIM])
    hout_r[...] = (1.0 - z) * n + z * o


def _tc_node(pa, cnts, out, root, convbr, wih, whh, bihr, bhhr):
    return pl.pallas_call(
        _node_body,
        out_shape=jax.ShapeDtypeStruct((NPAD, DIM), jnp.float32),
    )(pa, cnts, out, root, convbr, wih, whh, bihr, bhhr)


def _s2s_body(out_r, bt_r, wih_r, whh_r, bih_r, bhh_r, w1_r, b1_r, w2_r, b2_r,
              y_r):
    o = out_r[...]
    bt = bt_r[...]
    cols = lax.broadcasted_iota(jnp.int32, (NPAD, B), 1)
    oh = (bt == cols).astype(jnp.float32)
    q_star = jnp.zeros((B, 2 * DIM), jnp.float32)
    hh = jnp.zeros((B, DIM), jnp.float32)
    cc = jnp.zeros((B, DIM), jnp.float32)
    for _ in range(3):
        g = (jnp.dot(q_star, wih_r[...]) + bih_r[...]
             + jnp.dot(hh, whh_r[...]) + bhh_r[...])
        ig = _sigmoid(g[:, 0:DIM])
        fg = _sigmoid(g[:, DIM:2 * DIM])
        gg = jnp.tanh(g[:, 2 * DIM:3 * DIM])
        og = _sigmoid(g[:, 3 * DIM:4 * DIM])
        cc = fg * cc + ig * gg
        hh = og * jnp.tanh(cc)
        q = hh
        qb = jnp.dot(oh, q)
        e = jnp.sum(o * qb, axis=1, keepdims=True)
        me = jnp.where(oh > 0.0, e, -1e30)
        emax = jnp.max(me, axis=0, keepdims=True)
        emax_bc = jnp.sum(oh * emax, axis=1, keepdims=True)
        ee = jnp.exp(e - emax_bc)
        denom = jnp.sum(oh * ee, axis=0, keepdims=True)
        denom_bc = jnp.sum(oh * denom, axis=1, keepdims=True)
        a = ee / (denom_bc + 1e-16)
        r2 = lax.dot_general(oh * a, o, (((0,), (0,)), ((), ())))
        q_star = jnp.concatenate([q, r2], axis=1)
    y = jnp.maximum(jnp.dot(q_star, w1_r[...]) + b1_r[...], 0.0)
    y_r[...] = jnp.dot(y, w2_r[...]) + b2_r[...]


def _tc_s2s(out, bt_p, wih, whh, bihr, bhhr, w1, b1r, w2, b2r):
    return pl.pallas_call(
        _s2s_body,
        out_shape=jax.ShapeDtypeStruct((B, 1), jnp.float32),
    )(out, bt_p, wih, whh, bihr, bhhr, w1, b1r, w2, b2r)



def kernel(x, edge_index, edge_attr, batch, W0, b0, nnW1, nnb1, nnW2, nnb2,
           root, conv_b, gru_Wih, gru_Whh, gru_bih, gru_bhh, lstm_Wih,
           lstm_Whh, lstm_bih, lstm_bhh, W1, b1, W2, b2):
    src = edge_index[0]
    dst = edge_index[1]
    src2d = jnp.pad(src, (0, EPAD - E)).reshape(EPAD // CHUNK, CHUNK)
    dst2d = jnp.pad(dst, (0, EPAD - E), constant_values=N).reshape(
        EPAD // CHUNK, CHUNK)
    ea_t = jnp.pad(edge_attr, ((0, EPAD - E), (0, 0))).T
    x_p = jnp.pad(x, ((0, NPAD - N), (0, 0)))
    bt_p = jnp.pad(batch, (0, NPAD - N), constant_values=B).reshape(NPAD, 1)
    zeros32 = jnp.zeros((NPAD, DIM), jnp.float32)
    zeros16 = jnp.zeros((NPAD, CNTW), jnp.float32)
    ones16 = jnp.ones((CHUNK, CNTW), jnp.float32)
    rm = (jnp.arange(DD)[None, :] // DIM == jnp.arange(DIM)[:, None]
          ).astype(jnp.bfloat16)
    sm = (jnp.arange(DD)[:, None] % DIM == jnp.arange(DIM)[None, :]
          ).astype(jnp.bfloat16)
    nnW2bf = nnW2.astype(jnp.bfloat16)
    b0r = b0.reshape(1, DIM)
    nnb1r = nnb1.reshape(1, HID)
    b2m = nnb2.reshape(DIM, DIM)
    convbr = conv_b.reshape(1, DIM)
    bihr = gru_bih.reshape(1, 3 * DIM)
    bhhr = gru_bhh.reshape(1, 3 * DIM)
    lbih = lstm_bih.reshape(1, 4 * DIM)
    lbhh = lstm_bhh.reshape(1, 4 * DIM)
    b1r = b1.reshape(1, DIM)
    b2r = b2.reshape(1, 1)

    out = _tc_init(x_p, W0, b0r)
    cnts = _sc_count(ones16, dst2d, zeros16)
    for _ in range(3):
        xj = _sc_gather(out, src2d)
        msg = _tc_edge(ea_t, xj, nnW1, nnb1r, nnW2bf, b2m, rm, sm)
        parts = _sc_scatter(msg, dst2d, zeros32)
        out = _tc_node(parts, cnts, out, root, convbr, gru_Wih, gru_Whh,
                       bihr, bhhr)
    y = _tc_s2s(out, bt_p, lstm_Wih, lstm_Whh, lbih, lbhh, W1, b1r, W2, b2r)
    return y.reshape(-1)

# --- scband reference (transcript-rebuilt; emitter-appended) ---
"""Pipeline reference for scband-net-10256381903067 (READ-ONLY COPY).

The authoritative reference and input builder live on the scoring server;
editing this copy changes nothing except your own understanding.
"""

import jax, jax.numpy as jnp
import numpy as np

N = 10000
E = 160000
B = 64
DIM = 32


def _params(key):
    ks = jax.random.split(key, 12)
    s = 0.1
    p = {}
    p["W0"] = jax.random.normal(ks[0], (1, DIM), dtype=jnp.float32) * s
    p["b0"] = jnp.zeros((DIM,), jnp.float32)
    p["nnW1"] = jax.random.normal(ks[1], (2, 128), dtype=jnp.float32) * s
    p["nnb1"] = jnp.zeros((128,), jnp.float32)
    p["nnW2"] = jax.random.normal(ks[2], (128, DIM * DIM), dtype=jnp.float32) * 0.02
    p["nnb2"] = jnp.zeros((DIM * DIM,), jnp.float32)
    p["root"] = jax.random.normal(ks[3], (DIM, DIM), dtype=jnp.float32) * s
    p["conv_b"] = jnp.zeros((DIM,), jnp.float32)
    p["gru_Wih"] = jax.random.normal(ks[4], (DIM, 3 * DIM), dtype=jnp.float32) * s
    p["gru_Whh"] = jax.random.normal(ks[5], (DIM, 3 * DIM), dtype=jnp.float32) * s
    p["gru_bih"] = jnp.zeros((3 * DIM,), jnp.float32)
    p["gru_bhh"] = jnp.zeros((3 * DIM,), jnp.float32)
    p["lstm_Wih"] = jax.random.normal(ks[6], (2 * DIM, 4 * DIM), dtype=jnp.float32) * s
    p["lstm_Whh"] = jax.random.normal(ks[7], (DIM, 4 * DIM), dtype=jnp.float32) * s
    p["lstm_bih"] = jnp.zeros((4 * DIM,), jnp.float32)
    p["lstm_bhh"] = jnp.zeros((4 * DIM,), jnp.float32)
    p["W1"] = jax.random.normal(ks[8], (2 * DIM, DIM), dtype=jnp.float32) * s
    p["b1"] = jnp.zeros((DIM,), jnp.float32)
    p["W2"] = jax.random.normal(ks[9], (DIM, 1), dtype=jnp.float32) * s
    p["b2"] = jnp.zeros((1,), jnp.float32)
    return p


def setup_inputs(seed: int = 0):
    key = jax.random.key(seed)
    k1, k2, k3, k4, kp = jax.random.split(key, 5)
    inp = {}
    inp["x"] = jax.random.normal(k1, (N, 1), dtype=jnp.float32)
    inp["edge_index"] = jax.random.randint(k2, (2, E), 0, N, dtype=jnp.int32)
    inp["edge_attr"] = jax.random.normal(k3, (E, 2), dtype=jnp.float32)
    inp["batch"] = jnp.sort(jax.random.randint(k4, (N,), 0, B, dtype=jnp.int32))
    inp.update(_params(kp))
    return inp


def _forward(x, edge_attr, W0, b0, nnW1, nnb1, nnW2, nnb2, root, conv_b, gru_Wih, gru_Whh, gru_bih, gru_bhh, lstm_Wih, lstm_Whh, lstm_bih, lstm_bhh, W1, b1, W2, b2, edge_index, batch):
    src = edge_index[0]
    dst = edge_index[1]
    out = jax.nn.relu(x @ W0 + b0)
    h = out
    for _ in range(3):
        # NNConv (edge-conditioned conv), aggr='mean'
        ew = (jax.nn.relu(edge_attr @ nnW1 + nnb1) @ nnW2 + nnb2).reshape(E, DIM, DIM)
        xj = jnp.take(out, src, axis=0)
        msg = jnp.einsum('ei,eio->eo', xj, ew)
        ssum = jax.ops.segment_sum(msg, dst, num_segments=N)
        cnt = jax.ops.segment_sum(jnp.ones((E,), jnp.float32), dst, num_segments=N)
        agg = ssum / jnp.clip(cnt, 1.0, None)[:, None]
        m = jax.nn.relu(out @ root + agg + conv_b)
        # single GRU step (seq_len=1)
        gi = m @ gru_Wih + gru_bih
        gh = h @ gru_Whh + gru_bhh
        i_r, i_z, i_n = jnp.split(gi, 3, axis=-1)
        h_r, h_z, h_n = jnp.split(gh, 3, axis=-1)
        r = jax.nn.sigmoid(i_r + h_r)
        z = jax.nn.sigmoid(i_z + h_z)
        n = jnp.tanh(i_n + r * h_n)
        h = (1.0 - z) * n + z * h
        out = h
    # Set2Set, processing_steps=3
    q_star = jnp.zeros((B, 2 * DIM), jnp.float32)
    hh = jnp.zeros((B, DIM), jnp.float32)
    cc = jnp.zeros((B, DIM), jnp.float32)
    for _ in range(3):
        g = q_star @ lstm_Wih + lstm_bih + hh @ lstm_Whh + lstm_bhh
        ig, fg, gg, og = jnp.split(g, 4, axis=-1)
        ig = jax.nn.sigmoid(ig)
        fg = jax.nn.sigmoid(fg)
        gg = jnp.tanh(gg)
        og = jax.nn.sigmoid(og)
        cc = fg * cc + ig * gg
        hh = og * jnp.tanh(cc)
        q = hh
        e = jnp.sum(out * jnp.take(q, batch, axis=0), axis=-1)
        emax = jax.ops.segment_max(e, batch, num_segments=B)
        emax = jnp.where(jnp.isfinite(emax), emax, 0.0)
        ee = jnp.exp(e - jnp.take(emax, batch, axis=0))
        denom = jax.ops.segment_sum(ee, batch, num_segments=B)
        a = ee / (jnp.take(denom, batch, axis=0) + 1e-16)
        r2 = jax.ops.segment_sum(a[:, None] * out, batch, num_segments=B)
        q_star = jnp.concatenate([q, r2], axis=-1)
    y = jax.nn.relu(q_star @ W1 + b1)
    y = y @ W2 + b2
    return y.reshape(-1)


def reference(x, edge_index, edge_attr, batch, W0, b0, nnW1, nnb1, nnW2, nnb2, root, conv_b, gru_Wih, gru_Whh, gru_bih, gru_bhh, lstm_Wih, lstm_Whh, lstm_bih, lstm_bhh, W1, b1, W2, b2):
    return _forward(x, edge_attr, W0, b0, nnW1, nnb1, nnW2, nnb2, root, conv_b, gru_Wih, gru_Whh, gru_bih, gru_bhh, lstm_Wih, lstm_Whh, lstm_bih, lstm_bhh, W1, b1, W2, b2, edge_index, batch)

if __name__ == "__main__":
    import jax
    _d = setup_inputs()
    print(jax.jit(kernel)(*tuple(_d.values())))

</pallas_src>

<mosaic_0001>
#map = affine_map<(d0, d1) -> (0, 0)>
module attributes {stable_mosaic.version = 14 : i64} {
  func.func @sc_gather(%arg0: i32, %arg1: i32, %arg2: memref<10016x32xf32, #tpu.memory_space<hbm>>, %arg3: memref<1280x128xi32, #tpu.memory_space<hbm>>, %arg4: memref<163840x128xf32, #tpu.memory_space<hbm>>, %arg5: memref<40x128xi32, #tpu.memory_space<vmem>>, %arg6: memref<8x128x32xf32, #tpu.memory_space<vmem>>, %arg7: memref<!tpu.dma_semaphore, #tpu.memory_space<semaphore_mem>>, %arg8: memref<!tpu.dma_semaphore, #tpu.memory_space<semaphore_mem>>) attributes {dimension_semantics = [#tpu.dimension_semantics<core_parallel>, #tpu.dimension_semantics<subcore_parallel>], iteration_bounds = array<i64: 2, 16>, scalar_prefetch = 0 : i64, scratch_operands = 4 : i64, tpu.core_type = #tpu.core_type<sc_vector_subcore>, window_params = [{transform_indices = #map}, {transform_indices = #map}, {transform_indices = #map}]} {
    %mul3A = arith.constant 2 : i32
    %mul3A_0 = arith.muli %arg1, %mul3A : i32
    %add3A = arith.addi %mul3A_0, %arg0 : i32
    %mul3A_1 = arith.constant 40 : i32
    %mul3A_2 = arith.muli %add3A, %mul3A_1 : i32
    "tpu.region"() ({
      %run_scoped3A = tpu.sem_alloc : memref<!tpu.dma_semaphore, #tpu.memory_space<semaphore_mem>>
      %dma_start3A = arith.constant 0 : i32
      %dma_start3A_8 = tpu.memref_slice %arg3[%mul3A_2, %dma_start3A] : memref<1280x128xi32, #tpu.memory_space<hbm>> -> memref<40x128xi32, #tpu.memory_space<hbm>>
      %dma_start3A_9 = arith.constant 0 : i32
      %dma_start3A_10 = tpu.memref_slice %arg3[%mul3A_2, %dma_start3A_9] : memref<1280x128xi32, #tpu.memory_space<hbm>> -> memref<40x128xi32, #tpu.memory_space<hbm>>
      tpu.enqueue_dma source(%dma_start3A_10 : memref<40x128xi32, #tpu.memory_space<hbm>>) target(%arg5 : memref<40x128xi32, #tpu.memory_space<vmem>>) target_semaphore(%run_scoped3A : memref<!tpu.dma_semaphore, #tpu.memory_space<semaphore_mem>>)
      %dma_wait3A = arith.constant 0 : i32
      %dma_wait3A_11 = tpu.memref_slice %arg3[%mul3A_2, %dma_wait3A] : memref<1280x128xi32, #tpu.memory_space<hbm>> -> memref<40x128xi32, #tpu.memory_space<hbm>>
      %dma_wait3A_12 = arith.constant 0 : i32
      %dma_wait3A_13 = tpu.memref_slice %arg3[%mul3A_2, %dma_wait3A_12] : memref<1280x128xi32, #tpu.memory_space<hbm>> -> memref<40x128xi32, #tpu.memory_space<hbm>>
      tpu.wait_dma2 semaphore(%run_scoped3A : memref<!tpu.dma_semaphore, #tpu.memory_space<semaphore_mem>>) src(%dma_wait3A_13 : memref<40x128xi32, #tpu.memory_space<hbm>>) dst(%arg5 : memref<40x128xi32, #tpu.memory_space<vmem>>)
      tpu.yield
    }) : () -> ()
    %scan3A = arith.constant 0 : i32
    %scan3A_3 = arith.constant 0 : i32
    %scan3A_4 = arith.constant 40 : i32
    %scan3A_5 = arith.addi %scan3A_3, %scan3A_4 : i32
    %scan3A_6 = arith.constant 1 : i32
    scf.for %scan3A_8 = %scan3A_3 to %scan3A_5 step %scan3A_6  : i32 {
      %dma_start3A = arith.constant 0 : i32
      %dma_start3A_9 = arith.constant 0 : i32
      %dma_start3A_10 = arith.constant 0 : i32
      %dma_start3A_11 = tpu.memref_slice %arg6[%dma_start3A, %dma_start3A_9, %dma_start3A_10] : memref<8x128x32xf32, #tpu.memory_space<vmem>> -> memref<1x128x32xf32, #tpu.memory_space<vmem>>
      %dma_start3A_12 = tpu.memref_squeeze %dma_start3A_11 : memref<1x128x32xf32, #tpu.memory_space<vmem>> -> memref<128x32xf32, #tpu.memory_space<vmem>>
      %dma_start3A_13 = arith.constant 0 : i32
      %dma_start3A_14 = tpu.memref_slice %arg5[%scan3A_8, %dma_start3A_13] : memref<40x128xi32, #tpu.memory_space<vmem>> -> memref<1x128xi32, #tpu.memory_space<vmem>>
      %dma_start3A_15 = tpu.memref_squeeze %dma_start3A_14 : memref<1x128xi32, #tpu.memory_space<vmem>> -> memref<128xi32, #tpu.memory_space<vmem>>
      %dma_start3A_16 = arith.constant 0 : i32
      %dma_start3A_17 = arith.constant 0 : i32
      %dma_start3A_18 = tpu.memref_slice %arg2[%dma_start3A_16, %dma_start3A_17] : memref<10016x32xf32, #tpu.memory_space<hbm>> -> memref<10016x32xf32, #tpu.memory_space<hbm>>
      tpu.enqueue_indirect_dma source(%dma_start3A_18 : memref<10016x32xf32, #tpu.memory_space<hbm>>) target(%dma_start3A_12 : memref<128x32xf32, #tpu.memory_space<vmem>>) offsets(%dma_start3A_15 : memref<128xi32, #tpu.memory_space<vmem>>) semaphore(%arg7 : memref<!tpu.dma_semaphore, #tpu.memory_space<semaphore_mem>>)
      %dma_wait3A = arith.constant 0 : i32
      %dma_wait3A_19 = arith.constant 0 : i32
      %dma_wait3A_20 = arith.constant 0 : i32
      %dma_wait3A_21 = tpu.memref_slice %arg6[%dma_wait3A, %dma_wait3A_19, %dma_wait3A_20] : memref<8x128x32xf32, #tpu.memory_space<vmem>> -> memref<1x128x32xf32, #tpu.memory_space<vmem>>
      %dma_wait3A_22 = tpu.memref_squeeze %dma_wait3A_21 : memref<1x128x32xf32, #tpu.memory_space<vmem>> -> memref<128x32xf32, #tpu.memory_space<vmem>>
      %dma_wait3A_23 = arith.constant 0 : i32
      %dma_wait3A_24 = tpu.memref_slice %arg5[%scan3A_8, %dma_wait3A_23] : memref<40x128xi32, #tpu.memory_space<vmem>> -> memref<1x128xi32, #tpu.memory_space<vmem>>
      %dma_wait3A_25 = tpu.memref_squeeze %dma_wait3A_24 : memref<1x128xi32, #tpu.memory_space<vmem>> -> memref<128xi32, #tpu.memory_space<vmem>>
      %dma_wait3A_26 = arith.constant 0 : i32
      %dma_wait3A_27 = arith.constant 0 : i32
      %dma_wait3A_28 = tpu.memref_slice %arg2[%dma_wait3A_26, %dma_wait3A_27] : memref<10016x32xf32, #tpu.memory_space<hbm>> -> memref<10016x32xf32, #tpu.memory_space<hbm>>
      tpu.wait_indirect_dma semaphore(%arg7 : memref<!tpu.dma_semaphore, #tpu.memory_space<semaphore_mem>>) src(%dma_wait3A_28 : memref<10016x32xf32, #tpu.memory_space<hbm>>) dst(%dma_wait3A_22 : memref<128x32xf32, #tpu.memory_space<vmem>>)
      %add3A_29 = arith.addi %mul3A_2, %scan3A_8 : i32
      %mul3A_30 = arith.constant 128 : i32
      %mul3A_31 = arith.muli %add3A_29, %mul3A_30 : i32
      %run_scoped3A = arith.constant 0 : i32
      "tpu.region"() ({
        %run_scoped3A_32 = tpu.sem_alloc : memref<!tpu.dma_semaphore, #tpu.memory_space<semaphore_mem>>
        %dma_start3A_33 = arith.constant 0 : i32
        %dma_start3A_34 = arith.constant 0 : i32
        %dma_start3A_35 = tpu.memref_slice %arg6[%run_scoped3A, %dma_start3A_33, %dma_start3A_34] : memref<8x128x32xf32, #tpu.memory_space<vmem>> -> memref<1x128x32xf32, #tpu.memory_space<vmem>>
        %dma_start3A_36 = tpu.memref_squeeze %dma_start3A_35 : memref<1x128x32xf32, #tpu.memory_space<vmem>> -> memref<128x32xf32, #tpu.memory_space<vmem>>
        %dma_start3A_37 = arith.constant 0 : i32
        %dma_start3A_38 = tpu.memref_slice %arg4[%mul3A_31, %dma_start3A_37] : memref<163840x128xf32, #tpu.memory_space<hbm>> -> memref<128x32xf32, #tpu.memory_space<hbm>>
        %dma_start3A_39 = arith.constant 0 : i32
        %dma_start3A_40 = tpu.memref_slice %arg4[%mul3A_31, %dma_start3A_39] : memref<163840x128xf32, #tpu.memory_space<hbm>> -> memref<128x32xf32, #tpu.memory_space<hbm>>
        %dma_start3A_41 = arith.constant 0 : i32
        %dma_start3A_42 = arith.constant 0 : i32
        %dma_start3A_43 = tpu.memref_slice %arg6[%run_scoped3A, %dma_start3A_41, %dma_start3A_42] : memref<8x128x32xf32, #tpu.memory_space<vmem>> -> memref<1x128x32xf32, #tpu.memory_space<vmem>>
        %dma_start3A_44 = tpu.memref_squeeze %dma_start3A_43 : memref<1x128x32xf32, #tpu.memory_space<vmem>> -> memref<128x32xf32, #tpu.memory_space<vmem>>
        tpu.enqueue_dma source(%dma_start3A_44 : memref<128x32xf32, #tpu.memory_space<vmem>>) target(%dma_start3A_40 : memref<128x32xf32, #tpu.memory_space<hbm>>) target_semaphore(%run_scoped3A_32 : memref<!tpu.dma_semaphore, #tpu.memory_space<semaphore_mem>>)
        %dma_wait3A_45 = arith.constant 0 : i32
        %dma_wait3A_46 = arith.constant 0 : i32
        %dma_wait3A_47 = tpu.memref_slice %arg6[%run_scoped3A, %dma_wait3A_45, %dma_wait3A_46] : memref<8x128x32xf32, #tpu.memory_space<vmem>> -> memref<1x128x32xf32, #tpu.memory_space<vmem>>
        %dma_wait3A_48 = tpu.memref_squeeze %dma_wait3A_47 : memref<1x128x32xf32, #tpu.memory_space<vmem>> -> memref<128x32xf32, #tpu.memory_space<vmem>>
        %dma_wait3A_49 = arith.constant 0 : i32
        %dma_wait3A_50 = tpu.memref_slice %arg4[%mul3A_31, %dma_wait3A_49] : memref<163840x128xf32, #tpu.memory_space<hbm>> -> memref<128x32xf32, #tpu.memory_space<hbm>>
        %dma_wait3A_51 = arith.constant 0 : i32
        %dma_wait3A_52 = tpu.memref_slice %arg4[%mul3A_31, %dma_wait3A_51] : memref<163840x128xf32, #tpu.memory_space<hbm>> -> memref<128x32xf32, #tpu.memory_space<hbm>>
        %dma_wait3A_53 = arith.constant 0 : i32
        %dma_wait3A_54 = arith.constant 0 : i32
        %dma_wait3A_55 = tpu.memref_slice %arg6[%run_scoped3A, %dma_wait3A_53, %dma_wait3A_54] : memref<8x128x32xf32, #tpu.memory_space<vmem>> -> memref<1x128x32xf32, #tpu.memory_space<vmem>>
        %dma_wait3A_56 = tpu.memref_squeeze %dma_wait3A_55 : memref<1x128x32xf32, #tpu.memory_space<vmem>> -> memref<128x32xf32, #tpu.memory_space<vmem>>
        tpu.wait_dma2 semaphore(%run_scoped3A_32 : memref<!tpu.dma_semaphore, #tpu.memory_space<semaphore_mem>>) src(%dma_wait3A_56 : memref<128x32xf32, #tpu.memory_space<vmem>>) dst(%dma_wait3A_52 : memref<128x32xf32, #tpu.memory_space<hbm>>)
        tpu.yield
      }) : () -> ()
    }
    %scan3A_7 = arith.constant 40 : i32
    return
  }
}

#map = affine_map<(d0, d1) -> (0, 0)>
#map1 = affine_map<(d0, d1) -> (0, 0, 0)>
module attributes {stable_mosaic.version = 14 : i64} {
  func.func @sc_scatter(%arg0: i32, %arg1: i32, %arg2: memref<163840x128xf32, #tpu.memory_space<hbm>>, %arg3: memref<1280x128xi32, #tpu.memory_space<hbm>>, %arg4: memref<10016x32xf32, #tpu.memory_space<hbm>>, %arg5: memref<2x10016x32xf32, #tpu.memory_space<hbm>>, %arg6: memref<40x128xi32, #tpu.memory_space<vmem>>, %arg7: memref<8x128x32xf32, #tpu.memory_space<vmem>>, %arg8: memref<10016x32xf32, #tpu.memory_space<vmem_shared>>, %arg9: memref<!tpu.dma_semaphore, #tpu.memory_space<semaphore_mem>>, %arg10: memref<!tpu.dma_semaphore, #tpu.memory_space<semaphore_mem>>) attributes {dimension_semantics = [#tpu.dimension_semantics<core_parallel>, #tpu.dimension_semantics<subcore_parallel>], iteration_bounds = array<i64: 2, 16>, scalar_prefetch = 0 : i64, scratch_operands = 5 : i64, tpu.core_type = #tpu.core_type<sc_vector_subcore>, window_params = [{transform_indices = #map}, {transform_indices = #map}, {transform_indices = #map}, {transform_indices = #map1}]} {
    %mul3A = arith.constant 2 : i32
    %mul3A_0 = arith.muli %arg1, %mul3A : i32
    %add3A = arith.addi %mul3A_0, %arg0 : i32
    %mul3A_1 = arith.constant 626 : i32
    %mul3A_2 = arith.muli %arg1, %mul3A_1 : i32
    %mul3A_3 = arith.constant 626 : i32
    %mul3A_4 = arith.muli %arg1, %mul3A_3 : i32
    "tpu.region"() ({
      %run_scoped3A = tpu.sem_alloc : memref<!tpu.dma_semaphore, #tpu.memory_space<semaphore_mem>>
      %dma_start3A = arith.constant 0 : i32
      %dma_start3A_17 = tpu.memref_slice %arg8[%mul3A_4, %dma_start3A] : memref<10016x32xf32, #tpu.memory_space<vmem_shared>> -> memref<626x32xf32, #tpu.memory_space<vmem_shared>>
      %dma_start3A_18 = arith.constant 0 : i32
      %dma_start3A_19 = tpu.memref_slice %arg4[%mul3A_2, %dma_start3A_18] : memref<10016x32xf32, #tpu.memory_space<hbm>> -> memref<626x32xf32, #tpu.memory_space<hbm>>
      tpu.enqueue_dma source(%dma_start3A_19 : memref<626x32xf32, #tpu.memory_space<hbm>>) target(%dma_start3A_17 : memref<626x32xf32, #tpu.memory_space<vmem_shared>>) target_semaphore(%run_scoped3A : memref<!tpu.dma_semaphore, #tpu.memory_space<semaphore_mem>>)
      %dma_wait3A = arith.constant 0 : i32
      %dma_wait3A_20 = tpu.memref_slice %arg8[%mul3A_4, %dma_wait3A] : memref<10016x32xf32, #tpu.memory_space<vmem_shared>> -> memref<626x32xf32, #tpu.memory_space<vmem_shared>>
      %dma_wait3A_21 = arith.constant 0 : i32
      %dma_wait3A_22 = tpu.memref_slice %arg4[%mul3A_2, %dma_wait3A_21] : memref<10016x32xf32, #tpu.memory_space<hbm>> -> memref<626x32xf32, #tpu.memory_space<hbm>>
      tpu.wait_dma2 semaphore(%run_scoped3A : memref<!tpu.dma_semaphore, #tpu.memory_space<semaphore_mem>>) src(%dma_wait3A_22 : memref<626x32xf32, #tpu.memory_space<hbm>>) dst(%dma_wait3A_20 : memref<626x32xf32, #tpu.memory_space<vmem_shared>>)
      tpu.yield
    }) : () -> ()
    %mul3A_5 = arith.constant 40 : i32
    %mul3A_6 = arith.muli %add3A, %mul3A_5 : i32
    "tpu.region"() ({
      %run_scoped3A = tpu.sem_alloc : memref<!tpu.dma_semaphore, #tpu.memory_space<semaphore_mem>>
      %dma_start3A = arith.constant 0 : i32
      %dma_start3A_17 = tpu.memref_slice %arg3[%mul3A_6, %dma_start3A] : memref<1280x128xi32, #tpu.memory_space<hbm>> -> memref<40x128xi32, #tpu.memory_space<hbm>>
      %dma_start3A_18 = arith.constant 0 : i32
      %dma_start3A_19 = tpu.memref_slice %arg3[%mul3A_6, %dma_start3A_18] : memref<1280x128xi32, #tpu.memory_space<hbm>> -> memref<40x128xi32, #tpu.memory_space<hbm>>
      tpu.enqueue_dma source(%dma_start3A_19 : memref<40x128xi32, #tpu.memory_space<hbm>>) target(%arg6 : memref<40x128xi32, #tpu.memory_space<vmem>>) target_semaphore(%run_scoped3A : memref<!tpu.dma_semaphore, #tpu.memory_space<semaphore_mem>>)
      %dma_wait3A = arith.constant 0 : i32
      %dma_wait3A_20 = tpu.memref_slice %arg3[%mul3A_6, %dma_wait3A] : memref<1280x128xi32, #tpu.memory_space<hbm>> -> memref<40x128xi32, #tpu.memory_space<hbm>>
      %dma_wait3A_21 = arith.constant 0 : i32
      %dma_wait3A_22 = tpu.memref_slice %arg3[%mul3A_6, %dma_wait3A_21] : memref<1280x128xi32, #tpu.memory_space<hbm>> -> memref<40x128xi32, #tpu.memory_space<hbm>>
      tpu.wait_dma2 semaphore(%run_scoped3A : memref<!tpu.dma_semaphore, #tpu.memory_space<semaphore_mem>>) src(%dma_wait3A_22 : memref<40x128xi32, #tpu.memory_space<hbm>>) dst(%arg6 : memref<40x128xi32, #tpu.memory_space<vmem>>)
      tpu.yield
    }) : () -> ()
    %barrier3A = arith.constant 0 : index
    tpu.barrier barrier_id(%barrier3A)
    %scan3A = arith.constant 0 : i32
    %scan3A_7 = arith.constant 0 : i32
    %scan3A_8 = arith.constant 40 : i32
    %scan3A_9 = arith.addi %scan3A_7, %scan3A_8 : i32
    %scan3A_10 = arith.constant 1 : i32
    scf.for %scan3A_17 = %scan3A_7 to %scan3A_9 step %scan3A_10  : i32 {
      %mul3A_18 = arith.constant 40 : i32
      %mul3A_19 = arith.muli %add3A, %mul3A_18 : i32
      %add3A_20 = arith.addi %mul3A_19, %scan3A_17 : i32
      %mul3A_21 = arith.constant 128 : i32
      %mul3A_22 = arith.muli %add3A_20, %mul3A_21 : i32
      %run_scoped3A = arith.constant 0 : i32
      "tpu.region"() ({
        %run_scoped3A_24 = tpu.sem_alloc : memref<!tpu.dma_semaphore, #tpu.memory_space<semaphore_mem>>
        %dma_start3A = arith.constant 0 : i32
        %dma_start3A_25 = arith.constant 0 : i32
        %dma_start3A_26 = tpu.memref_slice %arg7[%run_scoped3A, %dma_start3A, %dma_start3A_25] : memref<8x128x32xf32, #tpu.memory_space<vmem>> -> memref<1x128x32xf32, #tpu.memory_space<vmem>>
        %dma_start3A_27 = tpu.memref_squeeze %dma_start3A_26 : memref<1x128x32xf32, #tpu.memory_space<vmem>> -> memref<128x32xf32, #tpu.memory_space<vmem>>
        %dma_start3A_28 = arith.constant 0 : i32
        %dma_start3A_29 = tpu.memref_slice %arg2[%mul3A_22, %dma_start3A_28] : memref<163840x128xf32, #tpu.memory_space<hbm>> -> memref<128x32xf32, #tpu.memory_space<hbm>>
        %dma_start3A_30 = arith.constant 0 : i32
        %dma_start3A_31 = arith.constant 0 : i32
        %dma_start3A_32 = tpu.memref_slice %arg7[%run_scoped3A, %dma_start3A_30, %dma_start3A_31] : memref<8x128x32xf32, #tpu.memory_space<vmem>> -> memref<1x128x32xf32, #tpu.memory_space<vmem>>
        %dma_start3A_33 = tpu.memref_squeeze %dma_start3A_32 : memref<1x128x32xf32, #tpu.memory_space<vmem>> -> memref<128x32xf32, #tpu.memory_space<vmem>>
        %dma_start3A_34 = arith.constant 0 : i32
        %dma_start3A_35 = tpu.memref_slice %arg2[%mul3A_22, %dma_start3A_34] : memref<163840x128xf32, #tpu.memory_space<hbm>> -> memref<128x32xf32, #tpu.memory_space<hbm>>
        tpu.enqueue_dma source(%dma_start3A_35 : memref<128x32xf32, #tpu.memory_space<hbm>>) target(%dma_start3A_33 : memref<128x32xf32, #tpu.memory_space<vmem>>) target_semaphore(%run_scoped3A_24 : memref<!tpu.dma_semaphore, #tpu.memory_space<semaphore_mem>>)
        %dma_wait3A = arith.constant 0 : i32
        %dma_wait3A_36 = arith.constant 0 : i32
        %dma_wait3A_37 = tpu.memref_slice %arg7[%run_scoped3A, %dma_wait3A, %dma_wait3A_36] : memref<8x128x32xf32, #tpu.memory_space<vmem>> -> memref<1x128x32xf32, #tpu.memory_space<vmem>>
        %dma_wait3A_38 = tpu.memref_squeeze %dma_wait3A_37 : memref<1x128x32xf32, #tpu.memory_space<vmem>> -> memref<128x32xf32, #tpu.memory_space<vmem>>
        %dma_wait3A_39 = arith.constant 0 : i32
        %dma_wait3A_40 = tpu.memref_slice %arg2[%mul3A_22, %dma_wait3A_39] : memref<163840x128xf32, #tpu.memory_space<hbm>> -> memref<128x32xf32, #tpu.memory_space<hbm>>
        %dma_wait3A_41 = arith.constant 0 : i32
        %dma_wait3A_42 = arith.constant 0 : i32
        %dma_wait3A_43 = tpu.memref_slice %arg7[%run_scoped3A, %dma_wait3A_41, %dma_wait3A_42] : memref<8x128x32xf32, #tpu.memory_space<vmem>> -> memref<1x128x32xf32, #tpu.memory_space<vmem>>
        %dma_wait3A_44 = tpu.memref_squeeze %dma_wait3A_43 : memref<1x128x32xf32, #tpu.memory_space<vmem>> -> memref<128x32xf32, #tpu.memory_space<vmem>>
        %dma_wait3A_45 = arith.constant 0 : i32
        %dma_wait3A_46 = tpu.memref_slice %arg2[%mul3A_22, %dma_wait3A_45] : memref<163840x128xf32, #tpu.memory_space<hbm>> -> memref<128x32xf32, #tpu.memory_space<hbm>>
        tpu.wait_dma2 semaphore(%run_scoped3A_24 : memref<!tpu.dma_semaphore, #tpu.memory_space<semaphore_mem>>) src(%dma_wait3A_46 : memref<128x32xf32, #tpu.memory_space<hbm>>) dst(%dma_wait3A_44 : memref<128x32xf32, #tpu.memory_space<vmem>>)
        tpu.yield
      }) : () -> ()
      %run_scoped3A_23 = arith.constant 0 : i32
      "tpu.region"() ({
        %run_scoped3A_24 = tpu.sem_alloc : memref<!tpu.dma_semaphore, #tpu.memory_space<semaphore_mem>>
        %dma_start3A = arith.constant 0 : i32
        %dma_start3A_25 = arith.constant 0 : i32
        %dma_start3A_26 = tpu.memref_slice %arg7[%run_scoped3A_23, %dma_start3A, %dma_start3A_25] : memref<8x128x32xf32, #tpu.memory_space<vmem>> -> memref<1x128x32xf32, #tpu.memory_space<vmem>>
        %dma_start3A_27 = tpu.memref_squeeze %dma_start3A_26 : memref<1x128x32xf32, #tpu.memory_space<vmem>> -> memref<128x32xf32, #tpu.memory_space<vmem>>
        %dma_start3A_28 = arith.constant 0 : i32
        %dma_start3A_29 = tpu.memref_slice %arg6[%scan3A_17, %dma_start3A_28] : memref<40x128xi32, #tpu.memory_space<vmem>> -> memref<1x128xi32, #tpu.memory_space<vmem>>
        %dma_start3A_30 = tpu.memref_squeeze %dma_start3A_29 : memref<1x128xi32, #tpu.memory_space<vmem>> -> memref<128xi32, #tpu.memory_space<vmem>>
        %dma_start3A_31 = arith.constant 0 : i32
        %dma_start3A_32 = arith.constant 0 : i32
        %dma_start3A_33 = tpu.memref_slice %arg8[%dma_start3A_31, %dma_start3A_32] : memref<10016x32xf32, #tpu.memory_space<vmem_shared>> -> memref<10016x32xf32, #tpu.memory_space<vmem_shared>>
        tpu.enqueue_indirect_dma source(%dma_start3A_27 : memref<128x32xf32, #tpu.memory_space<vmem>>) target(%dma_start3A_33 : memref<10016x32xf32, #tpu.memory_space<vmem_shared>>) offsets(%dma_start3A_30 : memref<128xi32, #tpu.memory_space<vmem>>) semaphore(%run_scoped3A_24 : memref<!tpu.dma_semaphore, #tpu.memory_space<semaphore_mem>>) {add = true}
        %dma_wait3A = arith.constant 0 : i32
        %dma_wait3A_34 = arith.constant 0 : i32
        %dma_wait3A_35 = tpu.memref_slice %arg7[%run_scoped3A_23, %dma_wait3A, %dma_wait3A_34] : memref<8x128x32xf32, #tpu.memory_space<vmem>> -> memref<1x128x32xf32, #tpu.memory_space<vmem>>
        %dma_wait3A_36 = tpu.memref_squeeze %dma_wait3A_35 : memref<1x128x32xf32, #tpu.memory_space<vmem>> -> memref<128x32xf32, #tpu.memory_space<vmem>>
        %dma_wait3A_37 = arith.constant 0 : i32
        %dma_wait3A_38 = tpu.memref_slice %arg6[%scan3A_17, %dma_wait3A_37] : memref<40x128xi32, #tpu.memory_space<vmem>> -> memref<1x128xi32, #tpu.memory_space<vmem>>
        %dma_wait3A_39 = tpu.memref_squeeze %dma_wait3A_38 : memref<1x128xi32, #tpu.memory_space<vmem>> -> memref<128xi32, #tpu.memory_space<vmem>>
        %dma_wait3A_40 = arith.constant 0 : i32
        %dma_wait3A_41 = arith.constant 0 : i32
        %dma_wait3A_42 = tpu.memref_slice %arg8[%dma_wait3A_40, %dma_wait3A_41] : memref<10016x32xf32, #tpu.memory_space<vmem_shared>> -> memref<10016x32xf32, #tpu.memory_space<vmem_shared>>
        tpu.wait_indirect_dma semaphore(%run_scoped3A_24 : memref<!tpu.dma_semaphore, #tpu.memory_space<semaphore_mem>>) src(%dma_wait3A_36 : memref<128x32xf32, #tpu.memory_space<vmem>>) dst(%dma_wait3A_42 : memref<10016x32xf32, #tpu.memory_space<vmem_shared>>)
        tpu.yield
      }) : () -> ()
    }
    %scan3A_11 = arith.constant 40 : i32
    %barrier3A_12 = arith.constant 0 : index
    tpu.barrier barrier_id(%barrier3A_12)
    %mul3A_13 = arith.constant 626 : i32
    %mul3A_14 = arith.muli %arg1, %mul3A_13 : i32
    %mul3A_15 = arith.constant 626 : i32
    %mul3A_16 = arith.muli %arg1, %mul3A_15 : i32
    "tpu.region"() ({
      %run_scoped3A = tpu.sem_alloc : memref<!tpu.dma_semaphore, #tpu.memory_space<semaphore_mem>>
      %dma_start3A = arith.constant 0 : i32
      %dma_start3A_17 = tpu.memref_slice %arg5[%arg0, %mul3A_16, %dma_start3A] : memref<2x10016x32xf32, #tpu.memory_space<hbm>> -> memref<1x626x32xf32, #tpu.memory_space<hbm>>
      %dma_start3A_18 = tpu.memref_squeeze %dma_start3A_17 : memref<1x626x32xf32, #tpu.memory_space<hbm>> -> memref<626x32xf32, #tpu.memory_space<hbm>>
      %dma_start3A_19 = arith.constant 0 : i32
      %dma_start3A_20 = tpu.memref_slice %arg8[%mul3A_14, %dma_start3A_19] : memref<10016x32xf32, #tpu.memory_space<vmem_shared>> -> memref<626x32xf32, #tpu.memory_space<vmem_shared>>
      tpu.enqueue_dma source(%dma_start3A_20 : memref<626x32xf32, #tpu.memory_space<vmem_shared>>) target(%dma_start3A_18 : memref<626x32xf32, #tpu.memory_space<hbm>>) target_semaphore(%run_scoped3A : memref<!tpu.dma_semaphore, #tpu.memory_space<semaphore_mem>>)
      %dma_wait3A = arith.constant 0 : i32
      %dma_wait3A_21 = tpu.memref_slice %arg5[%arg0, %mul3A_16, %dma_wait3A] : memref<2x10016x32xf32, #tpu.memory_space<hbm>> -> memref<1x626x32xf32, #tpu.memory_space<hbm>>
      %dma_wait3A_22 = tpu.memref_squeeze %dma_wait3A_21 : memref<1x626x32xf32, #tpu.memory_space<hbm>> -> memref<626x32xf32, #tpu.memory_space<hbm>>
      %dma_wait3A_23 = arith.constant 0 : i32
      %dma_wait3A_24 = tpu.memref_slice %arg8[%mul3A_14, %dma_wait3A_23] : memref<10016x32xf32, #tpu.memory_space<vmem_shared>> -> memref<626x32xf32, #tpu.memory_space<vmem_shared>>
      tpu.wait_dma2 semaphore(%run_scoped3A : memref<!tpu.dma_semaphore, #tpu.memory_space<semaphore_mem>>) src(%dma_wait3A_24 : memref<626x32xf32, #tpu.memory_space<vmem_shared>>) dst(%dma_wait3A_22 : memref<626x32xf32, #tpu.memory_space<hbm>>)
      tpu.yield
    }) : () -> ()
    return
  }
}

#map = affine_map<(d0, d1) -> (0, 0)>
module attributes {stable_mosaic.version = 14 : i64} {
  func.func @sc_gather(%arg0: i32, %arg1: i32, %arg2: memref<10016x32xf32, #tpu.memory_space<hbm>>, %arg3: memref<1280x128xi32, #tpu.memory_space<hbm>>, %arg4: memref<163840x128xf32, #tpu.memory_space<hbm>>, %arg5: memref<40x128xi32, #tpu.memory_space<vmem>>, %arg6: memref<8x128x32xf32, #tpu.memory_space<vmem>>, %arg7: memref<!tpu.dma_semaphore, #tpu.memory_space<semaphore_mem>>, %arg8: memref<!tpu.dma_semaphore, #tpu.memory_space<semaphore_mem>>) attributes {dimension_semantics = [#tpu.dimension_semantics<core_parallel>, #tpu.dimension_semantics<subcore_parallel>], iteration_bounds = array<i64: 2, 16>, scalar_prefetch = 0 : i64, scratch_operands = 4 : i64, tpu.core_type = #tpu.core_type<sc_vector_subcore>, window_params = [{transform_indices = #map}, {transform_indices = #map}, {transform_indices = #map}]} {
    %mul3A = arith.constant 2 : i32
    %mul3A_0 = arith.muli %arg1, %mul3A : i32
    %add3A = arith.addi %mul3A_0, %arg0 : i32
    %mul3A_1 = arith.constant 40 : i32
    %mul3A_2 = arith.muli %add3A, %mul3A_1 : i32
    "tpu.region"() ({
      %run_scoped3A = tpu.sem_alloc : memref<!tpu.dma_semaphore, #tpu.memory_space<semaphore_mem>>
      %dma_start3A = arith.constant 0 : i32
      %dma_start3A_8 = tpu.memref_slice %arg3[%mul3A_2, %dma_start3A] : memref<1280x128xi32, #tpu.memory_space<hbm>> -> memref<40x128xi32, #tpu.memory_space<hbm>>
      %dma_start3A_9 = arith.constant 0 : i32
      %dma_start3A_10 = tpu.memref_slice %arg3[%mul3A_2, %dma_start3A_9] : memref<1280x128xi32, #tpu.memory_space<hbm>> -> memref<40x128xi32, #tpu.memory_space<hbm>>
      tpu.enqueue_dma source(%dma_start3A_10 : memref<40x128xi32, #tpu.memory_space<hbm>>) target(%arg5 : memref<40x128xi32, #tpu.memory_space<vmem>>) target_semaphore(%run_scoped3A : memref<!tpu.dma_semaphore, #tpu.memory_space<semaphore_mem>>)
      %dma_wait3A = arith.constant 0 : i32
      %dma_wait3A_11 = tpu.memref_slice %arg3[%mul3A_2, %dma_wait3A] : memref<1280x128xi32, #tpu.memory_space<hbm>> -> memref<40x128xi32, #tpu.memory_space<hbm>>
      %dma_wait3A_12 = arith.constant 0 : i32
      %dma_wait3A_13 = tpu.memref_slice %arg3[%mul3A_2, %dma_wait3A_12] : memref<1280x128xi32, #tpu.memory_space<hbm>> -> memref<40x128xi32, #tpu.memory_space<hbm>>
      tpu.wait_dma2 semaphore(%run_scoped3A : memref<!tpu.dma_semaphore, #tpu.memory_space<semaphore_mem>>) src(%dma_wait3A_13 : memref<40x128xi32, #tpu.memory_space<hbm>>) dst(%arg5 : memref<40x128xi32, #tpu.memory_space<vmem>>)
      tpu.yield
    }) : () -> ()
    %scan3A = arith.constant 0 : i32
    %scan3A_3 = arith.constant 0 : i32
    %scan3A_4 = arith.constant 40 : i32
    %scan3A_5 = arith.addi %scan3A_3, %scan3A_4 : i32
    %scan3A_6 = arith.constant 1 : i32
    scf.for %scan3A_8 = %scan3A_3 to %scan3A_5 step %scan3A_6  : i32 {
      %dma_start3A = arith.constant 0 : i32
      %dma_start3A_9 = arith.constant 0 : i32
      %dma_start3A_10 = arith.constant 0 : i32
      %dma_start3A_11 = tpu.memref_slice %arg6[%dma_start3A, %dma_start3A_9, %dma_start3A_10] : memref<8x128x32xf32, #tpu.memory_space<vmem>> -> memref<1x128x32xf32, #tpu.memory_space<vmem>>
      %dma_start3A_12 = tpu.memref_squeeze %dma_start3A_11 : memref<1x128x32xf32, #tpu.memory_space<vmem>> -> memref<128x32xf32, #tpu.memory_space<vmem>>
      %dma_start3A_13 = arith.constant 0 : i32
      %dma_start3A_14 = tpu.memref_slice %arg5[%scan3A_8, %dma_start3A_13] : memref<40x128xi32, #tpu.memory_space<vmem>> -> memref<1x128xi32, #tpu.memory_space<vmem>>
      %dma_start3A_15 = tpu.memref_squeeze %dma_start3A_14 : memref<1x128xi32, #tpu.memory_space<vmem>> -> memref<128xi32, #tpu.memory_space<vmem>>
      %dma_start3A_16 = arith.constant 0 : i32
      %dma_start3A_17 = arith.constant 0 : i32
      %dma_start3A_18 = tpu.memref_slice %arg2[%dma_start3A_16, %dma_start3A_17] : memref<10016x32xf32, #tpu.memory_space<hbm>> -> memref<10016x32xf32, #tpu.memory_space<hbm>>
      tpu.enqueue_indirect_dma source(%dma_start3A_18 : memref<10016x32xf32, #tpu.memory_space<hbm>>) target(%dma_start3A_12 : memref<128x32xf32, #tpu.memory_space<vmem>>) offsets(%dma_start3A_15 : memref<128xi32, #tpu.memory_space<vmem>>) semaphore(%arg7 : memref<!tpu.dma_semaphore, #tpu.memory_space<semaphore_mem>>)
      %dma_wait3A = arith.constant 0 : i32
      %dma_wait3A_19 = arith.constant 0 : i32
      %dma_wait3A_20 = arith.constant 0 : i32
      %dma_wait3A_21 = tpu.memref_slice %arg6[%dma_wait3A, %dma_wait3A_19, %dma_wait3A_20] : memref<8x128x32xf32, #tpu.memory_space<vmem>> -> memref<1x128x32xf32, #tpu.memory_space<vmem>>
      %dma_wait3A_22 = tpu.memref_squeeze %dma_wait3A_21 : memref<1x128x32xf32, #tpu.memory_space<vmem>> -> memref<128x32xf32, #tpu.memory_space<vmem>>
      %dma_wait3A_23 = arith.constant 0 : i32
      %dma_wait3A_24 = tpu.memref_slice %arg5[%scan3A_8, %dma_wait3A_23] : memref<40x128xi32, #tpu.memory_space<vmem>> -> memref<1x128xi32, #tpu.memory_space<vmem>>
      %dma_wait3A_25 = tpu.memref_squeeze %dma_wait3A_24 : memref<1x128xi32, #tpu.memory_space<vmem>> -> memref<128xi32, #tpu.memory_space<vmem>>
      %dma_wait3A_26 = arith.constant 0 : i32
      %dma_wait3A_27 = arith.constant 0 : i32
      %dma_wait3A_28 = tpu.memref_slice %arg2[%dma_wait3A_26, %dma_wait3A_27] : memref<10016x32xf32, #tpu.memory_space<hbm>> -> memref<10016x32xf32, #tpu.memory_space<hbm>>
      tpu.wait_indirect_dma semaphore(%arg7 : memref<!tpu.dma_semaphore, #tpu.memory_space<semaphore_mem>>) src(%dma_wait3A_28 : memref<10016x32xf32, #tpu.memory_space<hbm>>) dst(%dma_wait3A_22 : memref<128x32xf32, #tpu.memory_space<vmem>>)
      %add3A_29 = arith.addi %mul3A_2, %scan3A_8 : i32
      %mul3A_30 = arith.constant 128 : i32
      %mul3A_31 = arith.muli %add3A_29, %mul3A_30 : i32
      %run_scoped3A = arith.constant 0 : i32
      "tpu.region"() ({
        %run_scoped3A_32 = tpu.sem_alloc : memref<!tpu.dma_semaphore, #tpu.memory_space<semaphore_mem>>
        %dma_start3A_33 = arith.constant 0 : i32
        %dma_start3A_34 = arith.constant 0 : i32
        %dma_start3A_35 = tpu.memref_slice %arg6[%run_scoped3A, %dma_start3A_33, %dma_start3A_34] : memref<8x128x32xf32, #tpu.memory_space<vmem>> -> memref<1x128x32xf32, #tpu.memory_space<vmem>>
        %dma_start3A_36 = tpu.memref_squeeze %dma_start3A_35 : memref<1x128x32xf32, #tpu.memory_space<vmem>> -> memref<128x32xf32, #tpu.memory_space<vmem>>
        %dma_start3A_37 = arith.constant 0 : i32
        %dma_start3A_38 = tpu.memref_slice %arg4[%mul3A_31, %dma_start3A_37] : memref<163840x128xf32, #tpu.memory_space<hbm>> -> memref<128x32xf32, #tpu.memory_space<hbm>>
        %dma_start3A_39 = arith.constant 0 : i32
        %dma_start3A_40 = tpu.memref_slice %arg4[%mul3A_31, %dma_start3A_39] : memref<163840x128xf32, #tpu.memory_space<hbm>> -> memref<128x32xf32, #tpu.memory_space<hbm>>
        %dma_start3A_41 = arith.constant 0 : i32
        %dma_start3A_42 = arith.constant 0 : i32
        %dma_start3A_43 = tpu.memref_slice %arg6[%run_scoped3A, %dma_start3A_41, %dma_start3A_42] : memref<8x128x32xf32, #tpu.memory_space<vmem>> -> memref<1x128x32xf32, #tpu.memory_space<vmem>>
        %dma_start3A_44 = tpu.memref_squeeze %dma_start3A_43 : memref<1x128x32xf32, #tpu.memory_space<vmem>> -> memref<128x32xf32, #tpu.memory_space<vmem>>
        tpu.enqueue_dma source(%dma_start3A_44 : memref<128x32xf32, #tpu.memory_space<vmem>>) target(%dma_start3A_40 : memref<128x32xf32, #tpu.memory_space<hbm>>) target_semaphore(%run_scoped3A_32 : memref<!tpu.dma_semaphore, #tpu.memory_space<semaphore_mem>>)
        %dma_wait3A_45 = arith.constant 0 : i32
        %dma_wait3A_46 = arith.constant 0 : i32
        %dma_wait3A_47 = tpu.memref_slice %arg6[%run_scoped3A, %dma_wait3A_45, %dma_wait3A_46] : memref<8x128x32xf32, #tpu.memory_space<vmem>> -> memref<1x128x32xf32, #tpu.memory_space<vmem>>
        %dma_wait3A_48 = tpu.memref_squeeze %dma_wait3A_47 : memref<1x128x32xf32, #tpu.memory_space<vmem>> -> memref<128x32xf32, #tpu.memory_space<vmem>>
        %dma_wait3A_49 = arith.constant 0 : i32
        %dma_wait3A_50 = tpu.memref_slice %arg4[%mul3A_31, %dma_wait3A_49] : memref<163840x128xf32, #tpu.memory_space<hbm>> -> memref<128x32xf32, #tpu.memory_space<hbm>>
        %dma_wait3A_51 = arith.constant 0 : i32
        %dma_wait3A_52 = tpu.memref_slice %arg4[%mul3A_31, %dma_wait3A_51] : memref<163840x128xf32, #tpu.memory_space<hbm>> -> memref<128x32xf32, #tpu.memory_space<hbm>>
        %dma_wait3A_53 = arith.constant 0 : i32
        %dma_wait3A_54 = arith.constant 0 : i32
        %dma_wait3A_55 = tpu.memref_slice %arg6[%run_scoped3A, %dma_wait3A_53, %dma_wait3A_54] : memref<8x128x32xf32, #tpu.memory_space<vmem>> -> memref<1x128x32xf32, #tpu.memory_space<vmem>>
        %dma_wait3A_56 = tpu.memref_squeeze %dma_wait3A_55 : memref<1x128x32xf32, #tpu.memory_space<vmem>> -> memref<128x32xf32, #tpu.memory_space<vmem>>
        tpu.wait_dma2 semaphore(%run_scoped3A_32 : memref<!tpu.dma_semaphore, #tpu.memory_space<semaphore_mem>>) src(%dma_wait3A_56 : memref<128x32xf32, #tpu.memory_space<vmem>>) dst(%dma_wait3A_52 : memref<128x32xf32, #tpu.memory_space<hbm>>)
        tpu.yield
      }) : () -> ()
    }
    %scan3A_7 = arith.constant 40 : i32
    return
  }
}

#map = affine_map<(d0, d1) -> (0, 0)>
#map1 = affine_map<(d0, d1) -> (0, 0, 0)>
module attributes {stable_mosaic.version = 14 : i64} {
  func.func @sc_count(%arg0: i32, %arg1: i32, %arg2: memref<128x16xf32, #tpu.memory_space<hbm>>, %arg3: memref<1280x128xi32, #tpu.memory_space<hbm>>, %arg4: memref<10016x16xf32, #tpu.memory_space<hbm>>, %arg5: memref<2x10016x16xf32, #tpu.memory_space<hbm>>, %arg6: memref<40x128xi32, #tpu.memory_space<vmem>>, %arg7: memref<128x16xf32, #tpu.memory_space<vmem>>, %arg8: memref<10016x16xf32, #tpu.memory_space<vmem_shared>>, %arg9: memref<!tpu.dma_semaphore, #tpu.memory_space<semaphore_mem>>) attributes {dimension_semantics = [#tpu.dimension_semantics<core_parallel>, #tpu.dimension_semantics<subcore_parallel>], iteration_bounds = array<i64: 2, 16>, scalar_prefetch = 0 : i64, scratch_operands = 4 : i64, tpu.core_type = #tpu.core_type<sc_vector_subcore>, window_params = [{transform_indices = #map}, {transform_indices = #map}, {transform_indices = #map}, {transform_indices = #map1}]} {
    %mul3A = arith.constant 2 : i32
    %mul3A_0 = arith.muli %arg1, %mul3A : i32
    %add3A = arith.addi %mul3A_0, %arg0 : i32
    %mul3A_1 = arith.constant 626 : i32
    %mul3A_2 = arith.muli %arg1, %mul3A_1 : i32
    %mul3A_3 = arith.constant 626 : i32
    %mul3A_4 = arith.muli %arg1, %mul3A_3 : i32
    "tpu.region"() ({
      %run_scoped3A = tpu.sem_alloc : memref<!tpu.dma_semaphore, #tpu.memory_space<semaphore_mem>>
      %dma_start3A = arith.constant 0 : i32
      %dma_start3A_17 = tpu.memref_slice %arg8[%mul3A_4, %dma_start3A] : memref<10016x16xf32, #tpu.memory_space<vmem_shared>> -> memref<626x16xf32, #tpu.memory_space<vmem_shared>>
      %dma_start3A_18 = arith.constant 0 : i32
      %dma_start3A_19 = tpu.memref_slice %arg4[%mul3A_2, %dma_start3A_18] : memref<10016x16xf32, #tpu.memory_space<hbm>> -> memref<626x16xf32, #tpu.memory_space<hbm>>
      tpu.enqueue_dma source(%dma_start3A_19 : memref<626x16xf32, #tpu.memory_space<hbm>>) target(%dma_start3A_17 : memref<626x16xf32, #tpu.memory_space<vmem_shared>>) target_semaphore(%run_scoped3A : memref<!tpu.dma_semaphore, #tpu.memory_space<semaphore_mem>>)
      %dma_wait3A = arith.constant 0 : i32
      %dma_wait3A_20 = tpu.memref_slice %arg8[%mul3A_4, %dma_wait3A] : memref<10016x16xf32, #tpu.memory_space<vmem_shared>> -> memref<626x16xf32, #tpu.memory_space<vmem_shared>>
      %dma_wait3A_21 = arith.constant 0 : i32
      %dma_wait3A_22 = tpu.memref_slice %arg4[%mul3A_2, %dma_wait3A_21] : memref<10016x16xf32, #tpu.memory_space<hbm>> -> memref<626x16xf32, #tpu.memory_space<hbm>>
      tpu.wait_dma2 semaphore(%run_scoped3A : memref<!tpu.dma_semaphore, #tpu.memory_space<semaphore_mem>>) src(%dma_wait3A_22 : memref<626x16xf32, #tpu.memory_space<hbm>>) dst(%dma_wait3A_20 : memref<626x16xf32, #tpu.memory_space<vmem_shared>>)
      tpu.yield
    }) : () -> ()
    %mul3A_5 = arith.constant 40 : i32
    %mul3A_6 = arith.muli %add3A, %mul3A_5 : i32
    "tpu.region"() ({
      %run_scoped3A = tpu.sem_alloc : memref<!tpu.dma_semaphore, #tpu.memory_space<semaphore_mem>>
      %dma_start3A = arith.constant 0 : i32
      %dma_start3A_17 = tpu.memref_slice %arg3[%mul3A_6, %dma_start3A] : memref<1280x128xi32, #tpu.memory_space<hbm>> -> memref<40x128xi32, #tpu.memory_space<hbm>>
      %dma_start3A_18 = arith.constant 0 : i32
      %dma_start3A_19 = tpu.memref_slice %arg3[%mul3A_6, %dma_start3A_18] : memref<1280x128xi32, #tpu.memory_space<hbm>> -> memref<40x128xi32, #tpu.memory_space<hbm>>
      tpu.enqueue_dma source(%dma_start3A_19 : memref<40x128xi32, #tpu.memory_space<hbm>>) target(%arg6 : memref<40x128xi32, #tpu.memory_space<vmem>>) target_semaphore(%run_scoped3A : memref<!tpu.dma_semaphore, #tpu.memory_space<semaphore_mem>>)
      %dma_wait3A = arith.constant 0 : i32
      %dma_wait3A_20 = tpu.memref_slice %arg3[%mul3A_6, %dma_wait3A] : memref<1280x128xi32, #tpu.memory_space<hbm>> -> memref<40x128xi32, #tpu.memory_space<hbm>>
      %dma_wait3A_21 = arith.constant 0 : i32
      %dma_wait3A_22 = tpu.memref_slice %arg3[%mul3A_6, %dma_wait3A_21] : memref<1280x128xi32, #tpu.memory_space<hbm>> -> memref<40x128xi32, #tpu.memory_space<hbm>>
      tpu.wait_dma2 semaphore(%run_scoped3A : memref<!tpu.dma_semaphore, #tpu.memory_space<semaphore_mem>>) src(%dma_wait3A_22 : memref<40x128xi32, #tpu.memory_space<hbm>>) dst(%arg6 : memref<40x128xi32, #tpu.memory_space<vmem>>)
      tpu.yield
    }) : () -> ()
    "tpu.region"() ({
      %run_scoped3A = tpu.sem_alloc : memref<!tpu.dma_semaphore, #tpu.memory_space<semaphore_mem>>
      tpu.enqueue_dma source(%arg2 : memref<128x16xf32, #tpu.memory_space<hbm>>) target(%arg7 : memref<128x16xf32, #tpu.memory_space<vmem>>) target_semaphore(%run_scoped3A : memref<!tpu.dma_semaphore, #tpu.memory_space<semaphore_mem>>)
      tpu.wait_dma2 semaphore(%run_scoped3A : memref<!tpu.dma_semaphore, #tpu.memory_space<semaphore_mem>>) src(%arg2 : memref<128x16xf32, #tpu.memory_space<hbm>>) dst(%arg7 : memref<128x16xf32, #tpu.memory_space<vmem>>)
      tpu.yield
    }) : () -> ()
    %barrier3A = arith.constant 0 : index
    tpu.barrier barrier_id(%barrier3A)
    %scan3A = arith.constant 0 : i32
    %scan3A_7 = arith.constant 0 : i32
    %scan3A_8 = arith.constant 40 : i32
    %scan3A_9 = arith.addi %scan3A_7, %scan3A_8 : i32
    %scan3A_10 = arith.constant 1 : i32
    scf.for %scan3A_17 = %scan3A_7 to %scan3A_9 step %scan3A_10  : i32 {
      "tpu.region"() ({
        %run_scoped3A = tpu.sem_alloc : memref<!tpu.dma_semaphore, #tpu.memory_space<semaphore_mem>>
        %dma_start3A = arith.constant 0 : i32
        %dma_start3A_18 = tpu.memref_slice %arg6[%scan3A_17, %dma_start3A] : memref<40x128xi32, #tpu.memory_space<vmem>> -> memref<1x128xi32, #tpu.memory_space<vmem>>
        %dma_start3A_19 = tpu.memref_squeeze %dma_start3A_18 : memref<1x128xi32, #tpu.memory_space<vmem>> -> memref<128xi32, #tpu.memory_space<vmem>>
        %dma_start3A_20 = arith.constant 0 : i32
        %dma_start3A_21 = arith.constant 0 : i32
        %dma_start3A_22 = tpu.memref_slice %arg8[%dma_start3A_20, %dma_start3A_21] : memref<10016x16xf32, #tpu.memory_space<vmem_shared>> -> memref<10016x16xf32, #tpu.memory_space<vmem_shared>>
        tpu.enqueue_indirect_dma source(%arg7 : memref<128x16xf32, #tpu.memory_space<vmem>>) target(%dma_start3A_22 : memref<10016x16xf32, #tpu.memory_space<vmem_shared>>) offsets(%dma_start3A_19 : memref<128xi32, #tpu.memory_space<vmem>>) semaphore(%run_scoped3A : memref<!tpu.dma_semaphore, #tpu.memory_space<semaphore_mem>>) {add = true}
        %dma_wait3A = arith.constant 0 : i32
        %dma_wait3A_23 = tpu.memref_slice %arg6[%scan3A_17, %dma_wait3A] : memref<40x128xi32, #tpu.memory_space<vmem>> -> memref<1x128xi32, #tpu.memory_space<vmem>>
        %dma_wait3A_24 = tpu.memref_squeeze %dma_wait3A_23 : memref<1x128xi32, #tpu.memory_space<vmem>> -> memref<128xi32, #tpu.memory_space<vmem>>
        %dma_wait3A_25 = arith.constant 0 : i32
        %dma_wait3A_26 = arith.constant 0 : i32
        %dma_wait3A_27 = tpu.memref_slice %arg8[%dma_wait3A_25, %dma_wait3A_26] : memref<10016x16xf32, #tpu.memory_space<vmem_shared>> -> memref<10016x16xf32, #tpu.memory_space<vmem_shared>>
        tpu.wait_indirect_dma semaphore(%run_scoped3A : memref<!tpu.dma_semaphore, #tpu.memory_space<semaphore_mem>>) src(%arg7 : memref<128x16xf32, #tpu.memory_space<vmem>>) dst(%dma_wait3A_27 : memref<10016x16xf32, #tpu.memory_space<vmem_shared>>)
        tpu.yield
      }) : () -> ()
    }
    %scan3A_11 = arith.constant 40 : i32
    %barrier3A_12 = arith.constant 0 : index
    tpu.barrier barrier_id(%barrier3A_12)
    %mul3A_13 = arith.constant 626 : i32
    %mul3A_14 = arith.muli %arg1, %mul3A_13 : i32
    %mul3A_15 = arith.constant 626 : i32
    %mul3A_16 = arith.muli %arg1, %mul3A_15 : i32
    "tpu.region"() ({
      %run_scoped3A = tpu.sem_alloc : memref<!tpu.dma_semaphore, #tpu.memory_space<semaphore_mem>>
      %dma_start3A = arith.constant 0 : i32
      %dma_start3A_17 = tpu.memref_slice %arg5[%arg0, %mul3A_16, %dma_start3A] : memref<2x10016x16xf32, #tpu.memory_space<hbm>> -> memref<1x626x16xf32, #tpu.memory_space<hbm>>
      %dma_start3A_18 = tpu.memref_squeeze %dma_start3A_17 : memref<1x626x16xf32, #tpu.memory_space<hbm>> -> memref<626x16xf32, #tpu.memory_space<hbm>>
      %dma_start3A_19 = arith.constant 0 : i32
      %dma_start3A_20 = tpu.memref_slice %arg8[%mul3A_14, %dma_start3A_19] : memref<10016x16xf32, #tpu.memory_space<vmem_shared>> -> memref<626x16xf32, #tpu.memory_space<vmem_shared>>
      tpu.enqueue_dma source(%dma_start3A_20 : memref<626x16xf32, #tpu.memory_space<vmem_shared>>) target(%dma_start3A_18 : memref<626x16xf32, #tpu.memory_space<hbm>>) target_semaphore(%run_scoped3A : memref<!tpu.dma_semaphore, #tpu.memory_space<semaphore_mem>>)
      %dma_wait3A = arith.constant 0 : i32
      %dma_wait3A_21 = tpu.memref_slice %arg5[%arg0, %mul3A_16, %dma_wait3A] : memref<2x10016x16xf32, #tpu.memory_space<hbm>> -> memref<1x626x16xf32, #tpu.memory_space<hbm>>
      %dma_wait3A_22 = tpu.memref_squeeze %dma_wait3A_21 : memref<1x626x16xf32, #tpu.memory_space<hbm>> -> memref<626x16xf32, #tpu.memory_space<hbm>>
      %dma_wait3A_23 = arith.constant 0 : i32
      %dma_wait3A_24 = tpu.memref_slice %arg8[%mul3A_14, %dma_wait3A_23] : memref<10016x16xf32, #tpu.memory_space<vmem_shared>> -> memref<626x16xf32, #tpu.memory_space<vmem_shared>>
      tpu.wait_dma2 semaphore(%run_scoped3A : memref<!tpu.dma_semaphore, #tpu.memory_space<semaphore_mem>>) src(%dma_wait3A_24 : memref<626x16xf32, #tpu.memory_space<vmem_shared>>) dst(%dma_wait3A_22 : memref<626x16xf32, #tpu.memory_space<hbm>>)
      tpu.yield
    }) : () -> ()
    return
  }
}

#map = affine_map<(d0, d1) -> (0, 0)>
#map1 = affine_map<(d0, d1) -> (0, 0, 0)>
module attributes {stable_mosaic.version = 14 : i64} {
  func.func @sc_scatter(%arg0: i32, %arg1: i32, %arg2: memref<163840x128xf32, #tpu.memory_space<hbm>>, %arg3: memref<1280x128xi32, #tpu.memory_space<hbm>>, %arg4: memref<10016x32xf32, #tpu.memory_space<hbm>>, %arg5: memref<2x10016x32xf32, #tpu.memory_space<hbm>>, %arg6: memref<40x128xi32, #tpu.memory_space<vmem>>, %arg7: memref<8x128x32xf32, #tpu.memory_space<vmem>>, %arg8: memref<10016x32xf32, #tpu.memory_space<vmem_shared>>, %arg9: memref<!tpu.dma_semaphore, #tpu.memory_space<semaphore_mem>>, %arg10: memref<!tpu.dma_semaphore, #tpu.memory_space<semaphore_mem>>) attributes {dimension_semantics = [#tpu.dimension_semantics<core_parallel>, #tpu.dimension_semantics<subcore_parallel>], iteration_bounds = array<i64: 2, 16>, scalar_prefetch = 0 : i64, scratch_operands = 5 : i64, tpu.core_type = #tpu.core_type<sc_vector_subcore>, window_params = [{transform_indices = #map}, {transform_indices = #map}, {transform_indices = #map}, {transform_indices = #map1}]} {
    %mul3A = arith.constant 2 : i32
    %mul3A_0 = arith.muli %arg1, %mul3A : i32
    %add3A = arith.addi %mul3A_0, %arg0 : i32
    %mul3A_1 = arith.constant 626 : i32
    %mul3A_2 = arith.muli %arg1, %mul3A_1 : i32
    %mul3A_3 = arith.constant 626 : i32
    %mul3A_4 = arith.muli %arg1, %mul3A_3 : i32
    "tpu.region"() ({
      %run_scoped3A = tpu.sem_alloc : memref<!tpu.dma_semaphore, #tpu.memory_space<semaphore_mem>>
      %dma_start3A = arith.constant 0 : i32
      %dma_start3A_17 = tpu.memref_slice %arg8[%mul3A_4, %dma_start3A] : memref<10016x32xf32, #tpu.memory_space<vmem_shared>> -> memref<626x32xf32, #tpu.memory_space<vmem_shared>>
      %dma_start3A_18 = arith.constant 0 : i32
      %dma_start3A_19 = tpu.memref_slice %arg4[%mul3A_2, %dma_start3A_18] : memref<10016x32xf32, #tpu.memory_space<hbm>> -> memref<626x32xf32, #tpu.memory_space<hbm>>
      tpu.enqueue_dma source(%dma_start3A_19 : memref<626x32xf32, #tpu.memory_space<hbm>>) target(%dma_start3A_17 : memref<626x32xf32, #tpu.memory_space<vmem_shared>>) target_semaphore(%run_scoped3A : memref<!tpu.dma_semaphore, #tpu.memory_space<semaphore_mem>>)
      %dma_wait3A = arith.constant 0 : i32
      %dma_wait3A_20 = tpu.memref_slice %arg8[%mul3A_4, %dma_wait3A] : memref<10016x32xf32, #tpu.memory_space<vmem_shared>> -> memref<626x32xf32, #tpu.memory_space<vmem_shared>>
      %dma_wait3A_21 = arith.constant 0 : i32
      %dma_wait3A_22 = tpu.memref_slice %arg4[%mul3A_2, %dma_wait3A_21] : memref<10016x32xf32, #tpu.memory_space<hbm>> -> memref<626x32xf32, #tpu.memory_space<hbm>>
      tpu.wait_dma2 semaphore(%run_scoped3A : memref<!tpu.dma_semaphore, #tpu.memory_space<semaphore_mem>>) src(%dma_wait3A_22 : memref<626x32xf32, #tpu.memory_space<hbm>>) dst(%dma_wait3A_20 : memref<626x32xf32, #tpu.memory_space<vmem_shared>>)
      tpu.yield
    }) : () -> ()
    %mul3A_5 = arith.constant 40 : i32
    %mul3A_6 = arith.muli %add3A, %mul3A_5 : i32
    "tpu.region"() ({
      %run_scoped3A = tpu.sem_alloc : memref<!tpu.dma_semaphore, #tpu.memory_space<semaphore_mem>>
      %dma_start3A = arith.constant 0 : i32
      %dma_start3A_17 = tpu.memref_slice %arg3[%mul3A_6, %dma_start3A] : memref<1280x128xi32, #tpu.memory_space<hbm>> -> memref<40x128xi32, #tpu.memory_space<hbm>>
      %dma_start3A_18 = arith.constant 0 : i32
      %dma_start3A_19 = tpu.memref_slice %arg3[%mul3A_6, %dma_start3A_18] : memref<1280x128xi32, #tpu.memory_space<hbm>> -> memref<40x128xi32, #tpu.memory_space<hbm>>
      tpu.enqueue_dma source(%dma_start3A_19 : memref<40x128xi32, #tpu.memory_space<hbm>>) target(%arg6 : memref<40x128xi32, #tpu.memory_space<vmem>>) target_semaphore(%run_scoped3A : memref<!tpu.dma_semaphore, #tpu.memory_space<semaphore_mem>>)
      %dma_wait3A = arith.constant 0 : i32
      %dma_wait3A_20 = tpu.memref_slice %arg3[%mul3A_6, %dma_wait3A] : memref<1280x128xi32, #tpu.memory_space<hbm>> -> memref<40x128xi32, #tpu.memory_space<hbm>>
      %dma_wait3A_21 = arith.constant 0 : i32
      %dma_wait3A_22 = tpu.memref_slice %arg3[%mul3A_6, %dma_wait3A_21] : memref<1280x128xi32, #tpu.memory_space<hbm>> -> memref<40x128xi32, #tpu.memory_space<hbm>>
      tpu.wait_dma2 semaphore(%run_scoped3A : memref<!tpu.dma_semaphore, #tpu.memory_space<semaphore_mem>>) src(%dma_wait3A_22 : memref<40x128xi32, #tpu.memory_space<hbm>>) dst(%arg6 : memref<40x128xi32, #tpu.memory_space<vmem>>)
      tpu.yield
    }) : () -> ()
    %barrier3A = arith.constant 0 : index
    tpu.barrier barrier_id(%barrier3A)
    %scan3A = arith.constant 0 : i32
    %scan3A_7 = arith.constant 0 : i32
    %scan3A_8 = arith.constant 40 : i32
    %scan3A_9 = arith.addi %scan3A_7, %scan3A_8 : i32
    %scan3A_10 = arith.constant 1 : i32
    scf.for %scan3A_17 = %scan3A_7 to %scan3A_9 step %scan3A_10  : i32 {
      %mul3A_18 = arith.constant 40 : i32
      %mul3A_19 = arith.muli %add3A, %mul3A_18 : i32
      %add3A_20 = arith.addi %mul3A_19, %scan3A_17 : i32
      %mul3A_21 = arith.constant 128 : i32
      %mul3A_22 = arith.muli %add3A_20, %mul3A_21 : i32
      %run_scoped3A = arith.constant 0 : i32
      "tpu.region"() ({
        %run_scoped3A_24 = tpu.sem_alloc : memref<!tpu.dma_semaphore, #tpu.memory_space<semaphore_mem>>
        %dma_start3A = arith.constant 0 : i32
        %dma_start3A_25 = arith.constant 0 : i32
        %dma_start3A_26 = tpu.memref_slice %arg7[%run_scoped3A, %dma_start3A, %dma_start3A_25] : memref<8x128x32xf32, #tpu.memory_space<vmem>> -> memref<1x128x32xf32, #tpu.memory_space<vmem>>
        %dma_start3A_27 = tpu.memref_squeeze %dma_start3A_26 : memref<1x128x32xf32, #tpu.memory_space<vmem>> -> memref<128x32xf32, #tpu.memory_space<vmem>>
        %dma_start3A_28 = arith.constant 0 : i32
        %dma_start3A_29 = tpu.memref_slice %arg2[%mul3A_22, %dma_start3A_28] : memref<163840x128xf32, #tpu.memory_space<hbm>> -> memref<128x32xf32, #tpu.memory_space<hbm>>
        %dma_start3A_30 = arith.constant 0 : i32
        %dma_start3A_31 = arith.constant 0 : i32
        %dma_start3A_32 = tpu.memref_slice %arg7[%run_scoped3A, %dma_start3A_30, %dma_start3A_31] : memref<8x128x32xf32, #tpu.memory_space<vmem>> -> memref<1x128x32xf32, #tpu.memory_space<vmem>>
        %dma_start3A_33 = tpu.memref_squeeze %dma_start3A_32 : memref<1x128x32xf32, #tpu.memory_space<vmem>> -> memref<128x32xf32, #tpu.memory_space<vmem>>
        %dma_start3A_34 = arith.constant 0 : i32
        %dma_start3A_35 = tpu.memref_slice %arg2[%mul3A_22, %dma_start3A_34] : memref<163840x128xf32, #tpu.memory_space<hbm>> -> memref<128x32xf32, #tpu.memory_space<hbm>>
        tpu.enqueue_dma source(%dma_start3A_35 : memref<128x32xf32, #tpu.memory_space<hbm>>) target(%dma_start3A_33 : memref<128x32xf32, #tpu.memory_space<vmem>>) target_semaphore(%run_scoped3A_24 : memref<!tpu.dma_semaphore, #tpu.memory_space<semaphore_mem>>)
        %dma_wait3A = arith.constant 0 : i32
        %dma_wait3A_36 = arith.constant 0 : i32
        %dma_wait3A_37 = tpu.memref_slice %arg7[%run_scoped3A, %dma_wait3A, %dma_wait3A_36] : memref<8x128x32xf32, #tpu.memory_space<vmem>> -> memref<1x128x32xf32, #tpu.memory_space<vmem>>
        %dma_wait3A_38 = tpu.memref_squeeze %dma_wait3A_37 : memref<1x128x32xf32, #tpu.memory_space<vmem>> -> memref<128x32xf32, #tpu.memory_space<vmem>>
        %dma_wait3A_39 = arith.constant 0 : i32
        %dma_wait3A_40 = tpu.memref_slice %arg2[%mul3A_22, %dma_wait3A_39] : memref<163840x128xf32, #tpu.memory_space<hbm>> -> memref<128x32xf32, #tpu.memory_space<hbm>>
        %dma_wait3A_41 = arith.constant 0 : i32
        %dma_wait3A_42 = arith.constant 0 : i32
        %dma_wait3A_43 = tpu.memref_slice %arg7[%run_scoped3A, %dma_wait3A_41, %dma_wait3A_42] : memref<8x128x32xf32, #tpu.memory_space<vmem>> -> memref<1x128x32xf32, #tpu.memory_space<vmem>>
        %dma_wait3A_44 = tpu.memref_squeeze %dma_wait3A_43 : memref<1x128x32xf32, #tpu.memory_space<vmem>> -> memref<128x32xf32, #tpu.memory_space<vmem>>
        %dma_wait3A_45 = arith.constant 0 : i32
        %dma_wait3A_46 = tpu.memref_slice %arg2[%mul3A_22, %dma_wait3A_45] : memref<163840x128xf32, #tpu.memory_space<hbm>> -> memref<128x32xf32, #tpu.memory_space<hbm>>
        tpu.wait_dma2 semaphore(%run_scoped3A_24 : memref<!tpu.dma_semaphore, #tpu.memory_space<semaphore_mem>>) src(%dma_wait3A_46 : memref<128x32xf32, #tpu.memory_space<hbm>>) dst(%dma_wait3A_44 : memref<128x32xf32, #tpu.memory_space<vmem>>)
        tpu.yield
      }) : () -> ()
      %run_scoped3A_23 = arith.constant 0 : i32
      "tpu.region"() ({
        %run_scoped3A_24 = tpu.sem_alloc : memref<!tpu.dma_semaphore, #tpu.memory_space<semaphore_mem>>
        %dma_start3A = arith.constant 0 : i32
        %dma_start3A_25 = arith.constant 0 : i32
        %dma_start3A_26 = tpu.memref_slice %arg7[%run_scoped3A_23, %dma_start3A, %dma_start3A_25] : memref<8x128x32xf32, #tpu.memory_space<vmem>> -> memref<1x128x32xf32, #tpu.memory_space<vmem>>
        %dma_start3A_27 = tpu.memref_squeeze %dma_start3A_26 : memref<1x128x32xf32, #tpu.memory_space<vmem>> -> memref<128x32xf32, #tpu.memory_space<vmem>>
        %dma_start3A_28 = arith.constant 0 : i32
        %dma_start3A_29 = tpu.memref_slice %arg6[%scan3A_17, %dma_start3A_28] : memref<40x128xi32, #tpu.memory_space<vmem>> -> memref<1x128xi32, #tpu.memory_space<vmem>>
        %dma_start3A_30 = tpu.memref_squeeze %dma_start3A_29 : memref<1x128xi32, #tpu.memory_space<vmem>> -> memref<128xi32, #tpu.memory_space<vmem>>
        %dma_start3A_31 = arith.constant 0 : i32
        %dma_start3A_32 = arith.constant 0 : i32
        %dma_start3A_33 = tpu.memref_slice %arg8[%dma_start3A_31, %dma_start3A_32] : memref<10016x32xf32, #tpu.memory_space<vmem_shared>> -> memref<10016x32xf32, #tpu.memory_space<vmem_shared>>
        tpu.enqueue_indirect_dma source(%dma_start3A_27 : memref<128x32xf32, #tpu.memory_space<vmem>>) target(%dma_start3A_33 : memref<10016x32xf32, #tpu.memory_space<vmem_shared>>) offsets(%dma_start3A_30 : memref<128xi32, #tpu.memory_space<vmem>>) semaphore(%run_scoped3A_24 : memref<!tpu.dma_semaphore, #tpu.memory_space<semaphore_mem>>) {add = true}
        %dma_wait3A = arith.constant 0 : i32
        %dma_wait3A_34 = arith.constant 0 : i32
        %dma_wait3A_35 = tpu.memref_slice %arg7[%run_scoped3A_23, %dma_wait3A, %dma_wait3A_34] : memref<8x128x32xf32, #tpu.memory_space<vmem>> -> memref<1x128x32xf32, #tpu.memory_space<vmem>>
        %dma_wait3A_36 = tpu.memref_squeeze %dma_wait3A_35 : memref<1x128x32xf32, #tpu.memory_space<vmem>> -> memref<128x32xf32, #tpu.memory_space<vmem>>
        %dma_wait3A_37 = arith.constant 0 : i32
        %dma_wait3A_38 = tpu.memref_slice %arg6[%scan3A_17, %dma_wait3A_37] : memref<40x128xi32, #tpu.memory_space<vmem>> -> memref<1x128xi32, #tpu.memory_space<vmem>>
        %dma_wait3A_39 = tpu.memref_squeeze %dma_wait3A_38 : memref<1x128xi32, #tpu.memory_space<vmem>> -> memref<128xi32, #tpu.memory_space<vmem>>
        %dma_wait3A_40 = arith.constant 0 : i32
        %dma_wait3A_41 = arith.constant 0 : i32
        %dma_wait3A_42 = tpu.memref_slice %arg8[%dma_wait3A_40, %dma_wait3A_41] : memref<10016x32xf32, #tpu.memory_space<vmem_shared>> -> memref<10016x32xf32, #tpu.memory_space<vmem_shared>>
        tpu.wait_indirect_dma semaphore(%run_scoped3A_24 : memref<!tpu.dma_semaphore, #tpu.memory_space<semaphore_mem>>) src(%dma_wait3A_36 : memref<128x32xf32, #tpu.memory_space<vmem>>) dst(%dma_wait3A_42 : memref<10016x32xf32, #tpu.memory_space<vmem_shared>>)
        tpu.yield
      }) : () -> ()
    }
    %scan3A_11 = arith.constant 40 : i32
    %barrier3A_12 = arith.constant 0 : index
    tpu.barrier barrier_id(%barrier3A_12)
    %mul3A_13 = arith.constant 626 : i32
    %mul3A_14 = arith.muli %arg1, %mul3A_13 : i32
    %mul3A_15 = arith.constant 626 : i32
    %mul3A_16 = arith.muli %arg1, %mul3A_15 : i32
    "tpu.region"() ({
      %run_scoped3A = tpu.sem_alloc : memref<!tpu.dma_semaphore, #tpu.memory_space<semaphore_mem>>
      %dma_start3A = arith.constant 0 : i32
      %dma_start3A_17 = tpu.memref_slice %arg5[%arg0, %mul3A_16, %dma_start3A] : memref<2x10016x32xf32, #tpu.memory_space<hbm>> -> memref<1x626x32xf32, #tpu.memory_space<hbm>>
      %dma_start3A_18 = tpu.memref_squeeze %dma_start3A_17 : memref<1x626x32xf32, #tpu.memory_space<hbm>> -> memref<626x32xf32, #tpu.memory_space<hbm>>
      %dma_start3A_19 = arith.constant 0 : i32
      %dma_start3A_20 = tpu.memref_slice %arg8[%mul3A_14, %dma_start3A_19] : memref<10016x32xf32, #tpu.memory_space<vmem_shared>> -> memref<626x32xf32, #tpu.memory_space<vmem_shared>>
      tpu.enqueue_dma source(%dma_start3A_20 : memref<626x32xf32, #tpu.memory_space<vmem_shared>>) target(%dma_start3A_18 : memref<626x32xf32, #tpu.memory_space<hbm>>) target_semaphore(%run_scoped3A : memref<!tpu.dma_semaphore, #tpu.memory_space<semaphore_mem>>)
      %dma_wait3A = arith.constant 0 : i32
      %dma_wait3A_21 = tpu.memref_slice %arg5[%arg0, %mul3A_16, %dma_wait3A] : memref<2x10016x32xf32, #tpu.memory_space<hbm>> -> memref<1x626x32xf32, #tpu.memory_space<hbm>>
      %dma_wait3A_22 = tpu.memref_squeeze %dma_wait3A_21 : memref<1x626x32xf32, #tpu.memory_space<hbm>> -> memref<626x32xf32, #tpu.memory_space<hbm>>
      %dma_wait3A_23 = arith.constant 0 : i32
      %dma_wait3A_24 = tpu.memref_slice %arg8[%mul3A_14, %dma_wait3A_23] : memref<10016x32xf32, #tpu.memory_space<vmem_shared>> -> memref<626x32xf32, #tpu.memory_space<vmem_shared>>
      tpu.wait_dma2 semaphore(%run_scoped3A : memref<!tpu.dma_semaphore, #tpu.memory_space<semaphore_mem>>) src(%dma_wait3A_24 : memref<626x32xf32, #tpu.memory_space<vmem_shared>>) dst(%dma_wait3A_22 : memref<626x32xf32, #tpu.memory_space<hbm>>)
      tpu.yield
    }) : () -> ()
    return
  }
}

#map = affine_map<(d0, d1) -> (0, 0)>
module attributes {stable_mosaic.version = 14 : i64} {
  func.func @sc_gather(%arg0: i32, %arg1: i32, %arg2: memref<10016x32xf32, #tpu.memory_space<hbm>>, %arg3: memref<1280x128xi32, #tpu.memory_space<hbm>>, %arg4: memref<163840x128xf32, #tpu.memory_space<hbm>>, %arg5: memref<40x128xi32, #tpu.memory_space<vmem>>, %arg6: memref<8x128x32xf32, #tpu.memory_space<vmem>>, %arg7: memref<!tpu.dma_semaphore, #tpu.memory_space<semaphore_mem>>, %arg8: memref<!tpu.dma_semaphore, #tpu.memory_space<semaphore_mem>>) attributes {dimension_semantics = [#tpu.dimension_semantics<core_parallel>, #tpu.dimension_semantics<subcore_parallel>], iteration_bounds = array<i64: 2, 16>, scalar_prefetch = 0 : i64, scratch_operands = 4 : i64, tpu.core_type = #tpu.core_type<sc_vector_subcore>, window_params = [{transform_indices = #map}, {transform_indices = #map}, {transform_indices = #map}]} {
    %mul3A = arith.constant 2 : i32
    %mul3A_0 = arith.muli %arg1, %mul3A : i32
    %add3A = arith.addi %mul3A_0, %arg0 : i32
    %mul3A_1 = arith.constant 40 : i32
    %mul3A_2 = arith.muli %add3A, %mul3A_1 : i32
    "tpu.region"() ({
      %run_scoped3A = tpu.sem_alloc : memref<!tpu.dma_semaphore, #tpu.memory_space<semaphore_mem>>
      %dma_start3A = arith.constant 0 : i32
      %dma_start3A_8 = tpu.memref_slice %arg3[%mul3A_2, %dma_start3A] : memref<1280x128xi32, #tpu.memory_space<hbm>> -> memref<40x128xi32, #tpu.memory_space<hbm>>
      %dma_start3A_9 = arith.constant 0 : i32
      %dma_start3A_10 = tpu.memref_slice %arg3[%mul3A_2, %dma_start3A_9] : memref<1280x128xi32, #tpu.memory_space<hbm>> -> memref<40x128xi32, #tpu.memory_space<hbm>>
      tpu.enqueue_dma source(%dma_start3A_10 : memref<40x128xi32, #tpu.memory_space<hbm>>) target(%arg5 : memref<40x128xi32, #tpu.memory_space<vmem>>) target_semaphore(%run_scoped3A : memref<!tpu.dma_semaphore, #tpu.memory_space<semaphore_mem>>)
      %dma_wait3A = arith.constant 0 : i32
      %dma_wait3A_11 = tpu.memref_slice %arg3[%mul3A_2, %dma_wait3A] : memref<1280x128xi32, #tpu.memory_space<hbm>> -> memref<40x128xi32, #tpu.memory_space<hbm>>
      %dma_wait3A_12 = arith.constant 0 : i32
      %dma_wait3A_13 = tpu.memref_slice %arg3[%mul3A_2, %dma_wait3A_12] : memref<1280x128xi32, #tpu.memory_space<hbm>> -> memref<40x128xi32, #tpu.memory_space<hbm>>
      tpu.wait_dma2 semaphore(%run_scoped3A : memref<!tpu.dma_semaphore, #tpu.memory_space<semaphore_mem>>) src(%dma_wait3A_13 : memref<40x128xi32, #tpu.memory_space<hbm>>) dst(%arg5 : memref<40x128xi32, #tpu.memory_space<vmem>>)
      tpu.yield
    }) : () -> ()
    %scan3A = arith.constant 0 : i32
    %scan3A_3 = arith.constant 0 : i32
    %scan3A_4 = arith.constant 40 : i32
    %scan3A_5 = arith.addi %scan3A_3, %scan3A_4 : i32
    %scan3A_6 = arith.constant 1 : i32
    scf.for %scan3A_8 = %scan3A_3 to %scan3A_5 step %scan3A_6  : i32 {
      %dma_start3A = arith.constant 0 : i32
      %dma_start3A_9 = arith.constant 0 : i32
      %dma_start3A_10 = arith.constant 0 : i32
      %dma_start3A_11 = tpu.memref_slice %arg6[%dma_start3A, %dma_start3A_9, %dma_start3A_10] : memref<8x128x32xf32, #tpu.memory_space<vmem>> -> memref<1x128x32xf32, #tpu.memory_space<vmem>>
      %dma_start3A_12 = tpu.memref_squeeze %dma_start3A_11 : memref<1x128x32xf32, #tpu.memory_space<vmem>> -> memref<128x32xf32, #tpu.memory_space<vmem>>
      %dma_start3A_13 = arith.constant 0 : i32
      %dma_start3A_14 = tpu.memref_slice %arg5[%scan3A_8, %dma_start3A_13] : memref<40x128xi32, #tpu.memory_space<vmem>> -> memref<1x128xi32, #tpu.memory_space<vmem>>
      %dma_start3A_15 = tpu.memref_squeeze %dma_start3A_14 : memref<1x128xi32, #tpu.memory_space<vmem>> -> memref<128xi32, #tpu.memory_space<vmem>>
      %dma_start3A_16 = arith.constant 0 : i32
      %dma_start3A_17 = arith.constant 0 : i32
      %dma_start3A_18 = tpu.memref_slice %arg2[%dma_start3A_16, %dma_start3A_17] : memref<10016x32xf32, #tpu.memory_space<hbm>> -> memref<10016x32xf32, #tpu.memory_space<hbm>>
      tpu.enqueue_indirect_dma source(%dma_start3A_18 : memref<10016x32xf32, #tpu.memory_space<hbm>>) target(%dma_start3A_12 : memref<128x32xf32, #tpu.memory_space<vmem>>) offsets(%dma_start3A_15 : memref<128xi32, #tpu.memory_space<vmem>>) semaphore(%arg7 : memref<!tpu.dma_semaphore, #tpu.memory_space<semaphore_mem>>)
      %dma_wait3A = arith.constant 0 : i32
      %dma_wait3A_19 = arith.constant 0 : i32
      %dma_wait3A_20 = arith.constant 0 : i32
      %dma_wait3A_21 = tpu.memref_slice %arg6[%dma_wait3A, %dma_wait3A_19, %dma_wait3A_20] : memref<8x128x32xf32, #tpu.memory_space<vmem>> -> memref<1x128x32xf32, #tpu.memory_space<vmem>>
      %dma_wait3A_22 = tpu.memref_squeeze %dma_wait3A_21 : memref<1x128x32xf32, #tpu.memory_space<vmem>> -> memref<128x32xf32, #tpu.memory_space<vmem>>
      %dma_wait3A_23 = arith.constant 0 : i32
      %dma_wait3A_24 = tpu.memref_slice %arg5[%scan3A_8, %dma_wait3A_23] : memref<40x128xi32, #tpu.memory_space<vmem>> -> memref<1x128xi32, #tpu.memory_space<vmem>>
      %dma_wait3A_25 = tpu.memref_squeeze %dma_wait3A_24 : memref<1x128xi32, #tpu.memory_space<vmem>> -> memref<128xi32, #tpu.memory_space<vmem>>
      %dma_wait3A_26 = arith.constant 0 : i32
      %dma_wait3A_27 = arith.constant 0 : i32
      %dma_wait3A_28 = tpu.memref_slice %arg2[%dma_wait3A_26, %dma_wait3A_27] : memref<10016x32xf32, #tpu.memory_space<hbm>> -> memref<10016x32xf32, #tpu.memory_space<hbm>>
      tpu.wait_indirect_dma semaphore(%arg7 : memref<!tpu.dma_semaphore, #tpu.memory_space<semaphore_mem>>) src(%dma_wait3A_28 : memref<10016x32xf32, #tpu.memory_space<hbm>>) dst(%dma_wait3A_22 : memref<128x32xf32, #tpu.memory_space<vmem>>)
      %add3A_29 = arith.addi %mul3A_2, %scan3A_8 : i32
      %mul3A_30 = arith.constant 128 : i32
      %mul3A_31 = arith.muli %add3A_29, %mul3A_30 : i32
      %run_scoped3A = arith.constant 0 : i32
      "tpu.region"() ({
        %run_scoped3A_32 = tpu.sem_alloc : memref<!tpu.dma_semaphore, #tpu.memory_space<semaphore_mem>>
        %dma_start3A_33 = arith.constant 0 : i32
        %dma_start3A_34 = arith.constant 0 : i32
        %dma_start3A_35 = tpu.memref_slice %arg6[%run_scoped3A, %dma_start3A_33, %dma_start3A_34] : memref<8x128x32xf32, #tpu.memory_space<vmem>> -> memref<1x128x32xf32, #tpu.memory_space<vmem>>
        %dma_start3A_36 = tpu.memref_squeeze %dma_start3A_35 : memref<1x128x32xf32, #tpu.memory_space<vmem>> -> memref<128x32xf32, #tpu.memory_space<vmem>>
        %dma_start3A_37 = arith.constant 0 : i32
        %dma_start3A_38 = tpu.memref_slice %arg4[%mul3A_31, %dma_start3A_37] : memref<163840x128xf32, #tpu.memory_space<hbm>> -> memref<128x32xf32, #tpu.memory_space<hbm>>
        %dma_start3A_39 = arith.constant 0 : i32
        %dma_start3A_40 = tpu.memref_slice %arg4[%mul3A_31, %dma_start3A_39] : memref<163840x128xf32, #tpu.memory_space<hbm>> -> memref<128x32xf32, #tpu.memory_space<hbm>>
        %dma_start3A_41 = arith.constant 0 : i32
        %dma_start3A_42 = arith.constant 0 : i32
        %dma_start3A_43 = tpu.memref_slice %arg6[%run_scoped3A, %dma_start3A_41, %dma_start3A_42] : memref<8x128x32xf32, #tpu.memory_space<vmem>> -> memref<1x128x32xf32, #tpu.memory_space<vmem>>
        %dma_start3A_44 = tpu.memref_squeeze %dma_start3A_43 : memref<1x128x32xf32, #tpu.memory_space<vmem>> -> memref<128x32xf32, #tpu.memory_space<vmem>>
        tpu.enqueue_dma source(%dma_start3A_44 : memref<128x32xf32, #tpu.memory_space<vmem>>) target(%dma_start3A_40 : memref<128x32xf32, #tpu.memory_space<hbm>>) target_semaphore(%run_scoped3A_32 : memref<!tpu.dma_semaphore, #tpu.memory_space<semaphore_mem>>)
        %dma_wait3A_45 = arith.constant 0 : i32
        %dma_wait3A_46 = arith.constant 0 : i32
        %dma_wait3A_47 = tpu.memref_slice %arg6[%run_scoped3A, %dma_wait3A_45, %dma_wait3A_46] : memref<8x128x32xf32, #tpu.memory_space<vmem>> -> memref<1x128x32xf32, #tpu.memory_space<vmem>>
        %dma_wait3A_48 = tpu.memref_squeeze %dma_wait3A_47 : memref<1x128x32xf32, #tpu.memory_space<vmem>> -> memref<128x32xf32, #tpu.memory_space<vmem>>
        %dma_wait3A_49 = arith.constant 0 : i32
        %dma_wait3A_50 = tpu.memref_slice %arg4[%mul3A_31, %dma_wait3A_49] : memref<163840x128xf32, #tpu.memory_space<hbm>> -> memref<128x32xf32, #tpu.memory_space<hbm>>
        %dma_wait3A_51 = arith.constant 0 : i32
        %dma_wait3A_52 = tpu.memref_slice %arg4[%mul3A_31, %dma_wait3A_51] : memref<163840x128xf32, #tpu.memory_space<hbm>> -> memref<128x32xf32, #tpu.memory_space<hbm>>
        %dma_wait3A_53 = arith.constant 0 : i32
        %dma_wait3A_54 = arith.constant 0 : i32
        %dma_wait3A_55 = tpu.memref_slice %arg6[%run_scoped3A, %dma_wait3A_53, %dma_wait3A_54] : memref<8x128x32xf32, #tpu.memory_space<vmem>> -> memref<1x128x32xf32, #tpu.memory_space<vmem>>
        %dma_wait3A_56 = tpu.memref_squeeze %dma_wait3A_55 : memref<1x128x32xf32, #tpu.memory_space<vmem>> -> memref<128x32xf32, #tpu.memory_space<vmem>>
        tpu.wait_dma2 semaphore(%run_scoped3A_32 : memref<!tpu.dma_semaphore, #tpu.memory_space<semaphore_mem>>) src(%dma_wait3A_56 : memref<128x32xf32, #tpu.memory_space<vmem>>) dst(%dma_wait3A_52 : memref<128x32xf32, #tpu.memory_space<hbm>>)
        tpu.yield
      }) : () -> ()
    }
    %scan3A_7 = arith.constant 40 : i32
    return
  }
}

#map = affine_map<(d0, d1) -> (0, 0)>
#map1 = affine_map<(d0, d1) -> (0, 0, 0)>
module attributes {stable_mosaic.version = 14 : i64} {
  func.func @sc_scatter(%arg0: i32, %arg1: i32, %arg2: memref<163840x128xf32, #tpu.memory_space<hbm>>, %arg3: memref<1280x128xi32, #tpu.memory_space<hbm>>, %arg4: memref<10016x32xf32, #tpu.memory_space<hbm>>, %arg5: memref<2x10016x32xf32, #tpu.memory_space<hbm>>, %arg6: memref<40x128xi32, #tpu.memory_space<vmem>>, %arg7: memref<8x128x32xf32, #tpu.memory_space<vmem>>, %arg8: memref<10016x32xf32, #tpu.memory_space<vmem_shared>>, %arg9: memref<!tpu.dma_semaphore, #tpu.memory_space<semaphore_mem>>, %arg10: memref<!tpu.dma_semaphore, #tpu.memory_space<semaphore_mem>>) attributes {dimension_semantics = [#tpu.dimension_semantics<core_parallel>, #tpu.dimension_semantics<subcore_parallel>], iteration_bounds = array<i64: 2, 16>, scalar_prefetch = 0 : i64, scratch_operands = 5 : i64, tpu.core_type = #tpu.core_type<sc_vector_subcore>, window_params = [{transform_indices = #map}, {transform_indices = #map}, {transform_indices = #map}, {transform_indices = #map1}]} {
    %mul3A = arith.constant 2 : i32
    %mul3A_0 = arith.muli %arg1, %mul3A : i32
    %add3A = arith.addi %mul3A_0, %arg0 : i32
    %mul3A_1 = arith.constant 626 : i32
    %mul3A_2 = arith.muli %arg1, %mul3A_1 : i32
    %mul3A_3 = arith.constant 626 : i32
    %mul3A_4 = arith.muli %arg1, %mul3A_3 : i32
    "tpu.region"() ({
      %run_scoped3A = tpu.sem_alloc : memref<!tpu.dma_semaphore, #tpu.memory_space<semaphore_mem>>
      %dma_start3A = arith.constant 0 : i32
      %dma_start3A_17 = tpu.memref_slice %arg8[%mul3A_4, %dma_start3A] : memref<10016x32xf32, #tpu.memory_space<vmem_shared>> -> memref<626x32xf32, #tpu.memory_space<vmem_shared>>
      %dma_start3A_18 = arith.constant 0 : i32
      %dma_start3A_19 = tpu.memref_slice %arg4[%mul3A_2, %dma_start3A_18] : memref<10016x32xf32, #tpu.memory_space<hbm>> -> memref<626x32xf32, #tpu.memory_space<hbm>>
      tpu.enqueue_dma source(%dma_start3A_19 : memref<626x32xf32, #tpu.memory_space<hbm>>) target(%dma_start3A_17 : memref<626x32xf32, #tpu.memory_space<vmem_shared>>) target_semaphore(%run_scoped3A : memref<!tpu.dma_semaphore, #tpu.memory_space<semaphore_mem>>)
      %dma_wait3A = arith.constant 0 : i32
      %dma_wait3A_20 = tpu.memref_slice %arg8[%mul3A_4, %dma_wait3A] : memref<10016x32xf32, #tpu.memory_space<vmem_shared>> -> memref<626x32xf32, #tpu.memory_space<vmem_shared>>
      %dma_wait3A_21 = arith.constant 0 : i32
      %dma_wait3A_22 = tpu.memref_slice %arg4[%mul3A_2, %dma_wait3A_21] : memref<10016x32xf32, #tpu.memory_space<hbm>> -> memref<626x32xf32, #tpu.memory_space<hbm>>
      tpu.wait_dma2 semaphore(%run_scoped3A : memref<!tpu.dma_semaphore, #tpu.memory_space<semaphore_mem>>) src(%dma_wait3A_22 : memref<626x32xf32, #tpu.memory_space<hbm>>) dst(%dma_wait3A_20 : memref<626x32xf32, #tpu.memory_space<vmem_shared>>)
      tpu.yield
    }) : () -> ()
    %mul3A_5 = arith.constant 40 : i32
    %mul3A_6 = arith.muli %add3A, %mul3A_5 : i32
    "tpu.region"() ({
      %run_scoped3A = tpu.sem_alloc : memref<!tpu.dma_semaphore, #tpu.memory_space<semaphore_mem>>
      %dma_start3A = arith.constant 0 : i32
      %dma_start3A_17 = tpu.memref_slice %arg3[%mul3A_6, %dma_start3A] : memref<1280x128xi32, #tpu.memory_space<hbm>> -> memref<40x128xi32, #tpu.memory_space<hbm>>
      %dma_start3A_18 = arith.constant 0 : i32
      %dma_start3A_19 = tpu.memref_slice %arg3[%mul3A_6, %dma_start3A_18] : memref<1280x128xi32, #tpu.memory_space<hbm>> -> memref<40x128xi32, #tpu.memory_space<hbm>>
      tpu.enqueue_dma source(%dma_start3A_19 : memref<40x128xi32, #tpu.memory_space<hbm>>) target(%arg6 : memref<40x128xi32, #tpu.memory_space<vmem>>) target_semaphore(%run_scoped3A : memref<!tpu.dma_semaphore, #tpu.memory_space<semaphore_mem>>)
      %dma_wait3A = arith.constant 0 : i32
      %dma_wait3A_20 = tpu.memref_slice %arg3[%mul3A_6, %dma_wait3A] : memref<1280x128xi32, #tpu.memory_space<hbm>> -> memref<40x128xi32, #tpu.memory_space<hbm>>
      %dma_wait3A_21 = arith.constant 0 : i32
      %dma_wait3A_22 = tpu.memref_slice %arg3[%mul3A_6, %dma_wait3A_21] : memref<1280x128xi32, #tpu.memory_space<hbm>> -> memref<40x128xi32, #tpu.memory_space<hbm>>
      tpu.wait_dma2 semaphore(%run_scoped3A : memref<!tpu.dma_semaphore, #tpu.memory_space<semaphore_mem>>) src(%dma_wait3A_22 : memref<40x128xi32, #tpu.memory_space<hbm>>) dst(%arg6 : memref<40x128xi32, #tpu.memory_space<vmem>>)
      tpu.yield
    }) : () -> ()
    %barrier3A = arith.constant 0 : index
    tpu.barrier barrier_id(%barrier3A)
    %scan3A = arith.constant 0 : i32
    %scan3A_7 = arith.constant 0 : i32
    %scan3A_8 = arith.constant 40 : i32
    %scan3A_9 = arith.addi %scan3A_7, %scan3A_8 : i32
    %scan3A_10 = arith.constant 1 : i32
    scf.for %scan3A_17 = %scan3A_7 to %scan3A_9 step %scan3A_10  : i32 {
      %mul3A_18 = arith.constant 40 : i32
      %mul3A_19 = arith.muli %add3A, %mul3A_18 : i32
      %add3A_20 = arith.addi %mul3A_19, %scan3A_17 : i32
      %mul3A_21 = arith.constant 128 : i32
      %mul3A_22 = arith.muli %add3A_20, %mul3A_21 : i32
      %run_scoped3A = arith.constant 0 : i32
      "tpu.region"() ({
        %run_scoped3A_24 = tpu.sem_alloc : memref<!tpu.dma_semaphore, #tpu.memory_space<semaphore_mem>>
        %dma_start3A = arith.constant 0 : i32
        %dma_start3A_25 = arith.constant 0 : i32
        %dma_start3A_26 = tpu.memref_slice %arg7[%run_scoped3A, %dma_start3A, %dma_start3A_25] : memref<8x128x32xf32, #tpu.memory_space<vmem>> -> memref<1x128x32xf32, #tpu.memory_space<vmem>>
        %dma_start3A_27 = tpu.memref_squeeze %dma_start3A_26 : memref<1x128x32xf32, #tpu.memory_space<vmem>> -> memref<128x32xf32, #tpu.memory_space<vmem>>
        %dma_start3A_28 = arith.constant 0 : i32
        %dma_start3A_29 = tpu.memref_slice %arg2[%mul3A_22, %dma_start3A_28] : memref<163840x128xf32, #tpu.memory_space<hbm>> -> memref<128x32xf32, #tpu.memory_space<hbm>>
        %dma_start3A_30 = arith.constant 0 : i32
        %dma_start3A_31 = arith.constant 0 : i32
        %dma_start3A_32 = tpu.memref_slice %arg7[%run_scoped3A, %dma_start3A_30, %dma_start3A_31] : memref<8x128x32xf32, #tpu.memory_space<vmem>> -> memref<1x128x32xf32, #tpu.memory_space<vmem>>
        %dma_start3A_33 = tpu.memref_squeeze %dma_start3A_32 : memref<1x128x32xf32, #tpu.memory_space<vmem>> -> memref<128x32xf32, #tpu.memory_space<vmem>>
        %dma_start3A_34 = arith.constant 0 : i32
        %dma_start3A_35 = tpu.memref_slice %arg2[%mul3A_22, %dma_start3A_34] : memref<163840x128xf32, #tpu.memory_space<hbm>> -> memref<128x32xf32, #tpu.memory_space<hbm>>
        tpu.enqueue_dma source(%dma_start3A_35 : memref<128x32xf32, #tpu.memory_space<hbm>>) target(%dma_start3A_33 : memref<128x32xf32, #tpu.memory_space<vmem>>) target_semaphore(%run_scoped3A_24 : memref<!tpu.dma_semaphore, #tpu.memory_space<semaphore_mem>>)
        %dma_wait3A = arith.constant 0 : i32
        %dma_wait3A_36 = arith.constant 0 : i32
        %dma_wait3A_37 = tpu.memref_slice %arg7[%run_scoped3A, %dma_wait3A, %dma_wait3A_36] : memref<8x128x32xf32, #tpu.memory_space<vmem>> -> memref<1x128x32xf32, #tpu.memory_space<vmem>>
        %dma_wait3A_38 = tpu.memref_squeeze %dma_wait3A_37 : memref<1x128x32xf32, #tpu.memory_space<vmem>> -> memref<128x32xf32, #tpu.memory_space<vmem>>
        %dma_wait3A_39 = arith.constant 0 : i32
        %dma_wait3A_40 = tpu.memref_slice %arg2[%mul3A_22, %dma_wait3A_39] : memref<163840x128xf32, #tpu.memory_space<hbm>> -> memref<128x32xf32, #tpu.memory_space<hbm>>
        %dma_wait3A_41 = arith.constant 0 : i32
        %dma_wait3A_42 = arith.constant 0 : i32
        %dma_wait3A_43 = tpu.memref_slice %arg7[%run_scoped3A, %dma_wait3A_41, %dma_wait3A_42] : memref<8x128x32xf32, #tpu.memory_space<vmem>> -> memref<1x128x32xf32, #tpu.memory_space<vmem>>
        %dma_wait3A_44 = tpu.memref_squeeze %dma_wait3A_43 : memref<1x128x32xf32, #tpu.memory_space<vmem>> -> memref<128x32xf32, #tpu.memory_space<vmem>>
        %dma_wait3A_45 = arith.constant 0 : i32
        %dma_wait3A_46 = tpu.memref_slice %arg2[%mul3A_22, %dma_wait3A_45] : memref<163840x128xf32, #tpu.memory_space<hbm>> -> memref<128x32xf32, #tpu.memory_space<hbm>>
        tpu.wait_dma2 semaphore(%run_scoped3A_24 : memref<!tpu.dma_semaphore, #tpu.memory_space<semaphore_mem>>) src(%dma_wait3A_46 : memref<128x32xf32, #tpu.memory_space<hbm>>) dst(%dma_wait3A_44 : memref<128x32xf32, #tpu.memory_space<vmem>>)
        tpu.yield
      }) : () -> ()
      %run_scoped3A_23 = arith.constant 0 : i32
      "tpu.region"() ({
        %run_scoped3A_24 = tpu.sem_alloc : memref<!tpu.dma_semaphore, #tpu.memory_space<semaphore_mem>>
        %dma_start3A = arith.constant 0 : i32
        %dma_start3A_25 = arith.constant 0 : i32
        %dma_start3A_26 = tpu.memref_slice %arg7[%run_scoped3A_23, %dma_start3A, %dma_start3A_25] : memref<8x128x32xf32, #tpu.memory_space<vmem>> -> memref<1x128x32xf32, #tpu.memory_space<vmem>>
        %dma_start3A_27 = tpu.memref_squeeze %dma_start3A_26 : memref<1x128x32xf32, #tpu.memory_space<vmem>> -> memref<128x32xf32, #tpu.memory_space<vmem>>
        %dma_start3A_28 = arith.constant 0 : i32
        %dma_start3A_29 = tpu.memref_slice %arg6[%scan3A_17, %dma_start3A_28] : memref<40x128xi32, #tpu.memory_space<vmem>> -> memref<1x128xi32, #tpu.memory_space<vmem>>
        %dma_start3A_30 = tpu.memref_squeeze %dma_start3A_29 : memref<1x128xi32, #tpu.memory_space<vmem>> -> memref<128xi32, #tpu.memory_space<vmem>>
        %dma_start3A_31 = arith.constant 0 : i32
        %dma_start3A_32 = arith.constant 0 : i32
        %dma_start3A_33 = tpu.memref_slice %arg8[%dma_start3A_31, %dma_start3A_32] : memref<10016x32xf32, #tpu.memory_space<vmem_shared>> -> memref<10016x32xf32, #tpu.memory_space<vmem_shared>>
        tpu.enqueue_indirect_dma source(%dma_start3A_27 : memref<128x32xf32, #tpu.memory_space<vmem>>) target(%dma_start3A_33 : memref<10016x32xf32, #tpu.memory_space<vmem_shared>>) offsets(%dma_start3A_30 : memref<128xi32, #tpu.memory_space<vmem>>) semaphore(%run_scoped3A_24 : memref<!tpu.dma_semaphore, #tpu.memory_space<semaphore_mem>>) {add = true}
        %dma_wait3A = arith.constant 0 : i32
        %dma_wait3A_34 = arith.constant 0 : i32
        %dma_wait3A_35 = tpu.memref_slice %arg7[%run_scoped3A_23, %dma_wait3A, %dma_wait3A_34] : memref<8x128x32xf32, #tpu.memory_space<vmem>> -> memref<1x128x32xf32, #tpu.memory_space<vmem>>
        %dma_wait3A_36 = tpu.memref_squeeze %dma_wait3A_35 : memref<1x128x32xf32, #tpu.memory_space<vmem>> -> memref<128x32xf32, #tpu.memory_space<vmem>>
        %dma_wait3A_37 = arith.constant 0 : i32
        %dma_wait3A_38 = tpu.memref_slice %arg6[%scan3A_17, %dma_wait3A_37] : memref<40x128xi32, #tpu.memory_space<vmem>> -> memref<1x128xi32, #tpu.memory_space<vmem>>
        %dma_wait3A_39 = tpu.memref_squeeze %dma_wait3A_38 : memref<1x128xi32, #tpu.memory_space<vmem>> -> memref<128xi32, #tpu.memory_space<vmem>>
        %dma_wait3A_40 = arith.constant 0 : i32
        %dma_wait3A_41 = arith.constant 0 : i32
        %dma_wait3A_42 = tpu.memref_slice %arg8[%dma_wait3A_40, %dma_wait3A_41] : memref<10016x32xf32, #tpu.memory_space<vmem_shared>> -> memref<10016x32xf32, #tpu.memory_space<vmem_shared>>
        tpu.wait_indirect_dma semaphore(%run_scoped3A_24 : memref<!tpu.dma_semaphore, #tpu.memory_space<semaphore_mem>>) src(%dma_wait3A_36 : memref<128x32xf32, #tpu.memory_space<vmem>>) dst(%dma_wait3A_42 : memref<10016x32xf32, #tpu.memory_space<vmem_shared>>)
        tpu.yield
      }) : () -> ()
    }
    %scan3A_11 = arith.constant 40 : i32
    %barrier3A_12 = arith.constant 0 : index
    tpu.barrier barrier_id(%barrier3A_12)
    %mul3A_13 = arith.constant 626 : i32
    %mul3A_14 = arith.muli %arg1, %mul3A_13 : i32
    %mul3A_15 = arith.constant 626 : i32
    %mul3A_16 = arith.muli %arg1, %mul3A_15 : i32
    "tpu.region"() ({
      %run_scoped3A = tpu.sem_alloc : memref<!tpu.dma_semaphore, #tpu.memory_space<semaphore_mem>>
      %dma_start3A = arith.constant 0 : i32
      %dma_start3A_17 = tpu.memref_slice %arg5[%arg0, %mul3A_16, %dma_start3A] : memref<2x10016x32xf32, #tpu.memory_space<hbm>> -> memref<1x626x32xf32, #tpu.memory_space<hbm>>
      %dma_start3A_18 = tpu.memref_squeeze %dma_start3A_17 : memref<1x626x32xf32, #tpu.memory_space<hbm>> -> memref<626x32xf32, #tpu.memory_space<hbm>>
      %dma_start3A_19 = arith.constant 0 : i32
      %dma_start3A_20 = tpu.memref_slice %arg8[%mul3A_14, %dma_start3A_19] : memref<10016x32xf32, #tpu.memory_space<vmem_shared>> -> memref<626x32xf32, #tpu.memory_space<vmem_shared>>
      tpu.enqueue_dma source(%dma_start3A_20 : memref<626x32xf32, #tpu.memory_space<vmem_shared>>) target(%dma_start3A_18 : memref<626x32xf32, #tpu.memory_space<hbm>>) target_semaphore(%run_scoped3A : memref<!tpu.dma_semaphore, #tpu.memory_space<semaphore_mem>>)
      %dma_wait3A = arith.constant 0 : i32
      %dma_wait3A_21 = tpu.memref_slice %arg5[%arg0, %mul3A_16, %dma_wait3A] : memref<2x10016x32xf32, #tpu.memory_space<hbm>> -> memref<1x626x32xf32, #tpu.memory_space<hbm>>
      %dma_wait3A_22 = tpu.memref_squeeze %dma_wait3A_21 : memref<1x626x32xf32, #tpu.memory_space<hbm>> -> memref<626x32xf32, #tpu.memory_space<hbm>>
      %dma_wait3A_23 = arith.constant 0 : i32
      %dma_wait3A_24 = tpu.memref_slice %arg8[%mul3A_14, %dma_wait3A_23] : memref<10016x32xf32, #tpu.memory_space<vmem_shared>> -> memref<626x32xf32, #tpu.memory_space<vmem_shared>>
      tpu.wait_dma2 semaphore(%run_scoped3A : memref<!tpu.dma_semaphore, #tpu.memory_space<semaphore_mem>>) src(%dma_wait3A_24 : memref<626x32xf32, #tpu.memory_space<vmem_shared>>) dst(%dma_wait3A_22 : memref<626x32xf32, #tpu.memory_space<hbm>>)
      tpu.yield
    }) : () -> ()
    return
  }
}

module attributes {stable_mosaic.version = 14 : i64} {
  func.func @_init_body(%arg0: memref<10016x1xf32, #tpu.memory_space<vmem>>, %arg1: memref<1x32xf32, #tpu.memory_space<vmem>>, %arg2: memref<1x32xf32, #tpu.memory_space<vmem>>, %arg3: memref<10016x32xf32, #tpu.memory_space<vmem>>) attributes {dimension_semantics = [], scalar_prefetch = 0 : i64, scratch_operands = 0 : i64, tpu.core_type = #tpu.core_type<tc>} {
    %get3A = arith.constant 0 : index
    %get3A_0 = arith.constant 0 : index
    %get3A_1 = vector.load %arg0[%get3A, %get3A_0] : memref<10016x1xf32, #tpu.memory_space<vmem>>, vector<10016x1xf32>
    %get3A_2 = arith.constant 0 : index
    %get3A_3 = arith.constant 0 : index
    %get3A_4 = vector.load %arg1[%get3A_2, %get3A_3] : memref<1x32xf32, #tpu.memory_space<vmem>>, vector<1x32xf32>
    %dot_general3A = arith.constant dense<0.000000e+00> : vector<10016x32xf32>
    %dot_general3A_5 = tpu.matmul %get3A_1, %get3A_4, %dot_general3A {dimension_numbers = #tpu.dot_dimension_numbers<[1], [0], [0], [1], [0, 0, 1, 1], [], []>, transpose_lhs_hint = false} : vector<10016x1xf32>, vector<1x32xf32>, vector<10016x32xf32> -> vector<10016x32xf32>
    %get3A_6 = arith.constant 0 : index
    %get3A_7 = arith.constant 0 : index
    %get3A_8 = vector.load %arg2[%get3A_6, %get3A_7] : memref<1x32xf32, #tpu.memory_space<vmem>>, vector<1x32xf32>
    %add3A = vector.broadcast %get3A_8 : vector<1x32xf32> to vector<10016x32xf32>
    %add3A_9 = arith.addf %dot_general3A_5, %add3A : vector<10016x32xf32>
    %max3A = arith.constant 0.000000e+00 : f32
    %max3A_10 = vector.broadcast %max3A : f32 to vector<10016x32xf32>
    %max3A_11 = arith.maximumf %add3A_9, %max3A_10 : vector<10016x32xf32>
    %swap3A = arith.constant 0 : index
    %swap3A_12 = arith.constant 0 : index
    %swap3A_13 = vector.load %arg3[%swap3A, %swap3A_12] : memref<10016x32xf32, #tpu.memory_space<vmem>>, vector<10016x32xf32>
    tpu.vector_store %arg3[%swap3A, %swap3A_12], %max3A_11 {strides = array<i32>} : memref<10016x32xf32, #tpu.memory_space<vmem>>, vector<10016x32xf32>,
    return
  }
}

module attributes {stable_mosaic.version = 14 : i64} {
  func.func @_edge_body(%arg0: i32, %arg1: memref<2x2048xf32, #tpu.memory_space<vmem>>, %arg2: memref<2048x128xf32, #tpu.memory_space<vmem>>, %arg3: memref<2x128xf32, #tpu.memory_space<vmem>>, %arg4: memref<1x128xf32, #tpu.memory_space<vmem>>, %arg5: memref<128x1024xbf16, #tpu.memory_space<vmem>>, %arg6: memref<32x32xf32, #tpu.memory_space<vmem>>, %arg7: memref<32x1024xbf16, #tpu.memory_space<vmem>>, %arg8: memref<1024x32xbf16, #tpu.memory_space<vmem>>, %arg9: memref<2048x128xf32, #tpu.memory_space<vmem>>) attributes {dimension_semantics = [#tpu.dimension_semantics<arbitrary>], iteration_bounds = array<i64: 80>, scalar_prefetch = 0 : i64, scratch_operands = 0 : i64, tpu.core_type = #tpu.core_type<tc>, window_params = [{transform_indices = @transform_0, window_bounds = array<i64: 2, 2048>}, {transform_indices = @transform_1, window_bounds = array<i64: 2048, 128>}, {pipeline_mode = #tpu.pipeline_mode<synchronous>, transform_indices = @transform_2, window_bounds = array<i64: 2, 128>}, {pipeline_mode = #tpu.pipeline_mode<synchronous>, transform_indices = @transform_3, window_bounds = array<i64: 1, 128>}, {pipeline_mode = #tpu.pipeline_mode<synchronous>, transform_indices = @transform_4, window_bounds = array<i64: 128, 1024>}, {pipeline_mode = #tpu.pipeline_mode<synchronous>, transform_indices = @transform_5, window_bounds = array<i64: 32, 32>}, {pipeline_mode = #tpu.pipeline_mode<synchronous>, transform_indices = @transform_6, window_bounds = array<i64: 32, 1024>}, {pipeline_mode = #tpu.pipeline_mode<synchronous>, transform_indices = @transform_7, window_bounds = array<i64: 1024, 32>}, {transform_indices = @transform_8, window_bounds = array<i64: 2048, 128>}]} {
    %get3A = arith.constant 0 : index
    %get3A_0 = arith.constant 0 : index
    %get3A_1 = vector.load %arg2[%get3A, %get3A_0] : memref<2048x128xf32, #tpu.memory_space<vmem>>, vector<2048x32xf32>
    %get3A_2 = arith.constant 0 : index
    %get3A_3 = arith.constant 0 : index
    %get3A_4 = vector.load %arg1[%get3A_2, %get3A_3] : memref<2x2048xf32, #tpu.memory_space<vmem>>, vector<2x2048xf32>
    %get3A_5 = arith.constant 0 : index
    %get3A_6 = arith.constant 0 : index
    %get3A_7 = vector.load %arg3[%get3A_5, %get3A_6] : memref<2x128xf32, #tpu.memory_space<vmem>>, vector<2x128xf32>
    %dot_general3A = arith.constant dense<0.000000e+00> : vector<2048x128xf32>
    %dot_general3A_8 = tpu.matmul %get3A_4, %get3A_7, %dot_general3A {dimension_numbers = #tpu.dot_dimension_numbers<[0], [0], [1], [1], [0, 1, 1, 1], [], []>, transpose_lhs_hint = false} : vector<2x2048xf32>, vector<2x128xf32>, vector<2048x128xf32> -> vector<2048x128xf32>
    %get3A_9 = arith.constant 0 : index
    %get3A_10 = arith.constant 0 : index
    %get3A_11 = vector.load %arg4[%get3A_9, %get3A_10] : memref<1x128xf32, #tpu.memory_space<vmem>>, vector<1x128xf32>
    %add3A = vector.broadcast %get3A_11 : vector<1x128xf32> to vector<2048x128xf32>
    %add3A_12 = arith.addf %dot_general3A_8, %add3A : vector<2048x128xf32>
    %max3A = arith.constant 0.000000e+00 : f32
    %max3A_13 = vector.broadcast %max3A : f32 to vector<2048x128xf32>
    %max3A_14 = arith.maximumf %add3A_12, %max3A_13 : vector<2048x128xf32>
    %convert_element_type3A = arith.truncf %max3A_14 : vector<2048x128xf32> to vector<2048x128xbf16>
    %get3A_15 = arith.constant 0 : index
    %get3A_16 = arith.constant 0 : index
    %get3A_17 = vector.load %arg5[%get3A_15, %get3A_16] : memref<128x1024xbf16, #tpu.memory_space<vmem>>, vector<128x1024xbf16>
    %dot_general3A_18 = arith.constant dense<0.000000e+00> : vector<2048x1024xf32>
    %dot_general3A_19 = tpu.matmul %convert_element_type3A, %get3A_17, %dot_general3A_18 {dimension_numbers = #tpu.dot_dimension_numbers<[1], [0], [0], [1], [0, 0, 1, 1], [], []>, transpose_lhs_hint = false} : vector<2048x128xbf16>, vector<128x1024xbf16>, vector<2048x1024xf32> -> vector<2048x1024xf32>
    %convert_element_type3A_20 = arith.truncf %get3A_1 : vector<2048x32xf32> to vector<2048x32xbf16>
    %get3A_21 = arith.constant 0 : index
    %get3A_22 = arith.constant 0 : index
    %get3A_23 = vector.load %arg7[%get3A_21, %get3A_22] : memref<32x1024xbf16, #tpu.memory_space<vmem>>, vector<32x1024xbf16>
    %dot_general3A_24 = arith.constant dense<0.000000e+00> : vector<2048x1024xf32>
    %dot_general3A_25 = tpu.matmul %convert_element_type3A_20, %get3A_23, %dot_general3A_24 {dimension_numbers = #tpu.dot_dimension_numbers<[1], [0], [0], [1], [0, 0, 1, 1], [], []>, transpose_lhs_hint = false} : vector<2048x32xbf16>, vector<32x1024xbf16>, vector<2048x1024xf32> -> vector<2048x1024xf32>
    %mul3A = arith.mulf %dot_general3A_19, %dot_general3A_25 : vector<2048x1024xf32>
    %convert_element_type3A_26 = arith.truncf %mul3A : vector<2048x1024xf32> to vector<2048x1024xbf16>
    %get3A_27 = arith.constant 0 : index
    %get3A_28 = arith.constant 0 : index
    %get3A_29 = vector.load %arg8[%get3A_27, %get3A_28] : memref<1024x32xbf16, #tpu.memory_space<vmem>>, vector<1024x32xbf16>
    %dot_general3A_30 = arith.constant dense<0.000000e+00> : vector<2048x32xf32>
    %dot_general3A_31 = tpu.matmul %convert_element_type3A_26, %get3A_29, %dot_general3A_30 {dimension_numbers = #tpu.dot_dimension_numbers<[1], [0], [0], [1], [0, 0, 1, 1], [], []>, transpose_lhs_hint = false} : vector<2048x1024xbf16>, vector<1024x32xbf16>, vector<2048x32xf32> -> vector<2048x32xf32>
    %get3A_32 = arith.constant 0 : index
    %get3A_33 = arith.constant 0 : index
    %get3A_34 = vector.load %arg6[%get3A_32, %get3A_33] : memref<32x32xf32, #tpu.memory_space<vmem>>, vector<32x32xf32>
    %dot_general3A_35 = arith.constant dense<0.000000e+00> : vector<2048x32xf32>
    %dot_general3A_36 = tpu.matmul %get3A_1, %get3A_34, %dot_general3A_35 {dimension_numbers = #tpu.dot_dimension_numbers<[1], [0], [0], [1], [0, 0, 1, 1], [], []>, transpose_lhs_hint = false} : vector<2048x32xf32>, vector<32x32xf32>, vector<2048x32xf32> -> vector<2048x32xf32>
    %add3A_37 = arith.addf %dot_general3A_31, %dot_general3A_36 : vector<2048x32xf32>
    %swap3A = arith.constant 0 : index
    %swap3A_38 = arith.constant 0 : index
    %swap3A_39 = vector.load %arg9[%swap3A, %swap3A_38] : memref<2048x128xf32, #tpu.memory_space<vmem>>, vector<2048x32xf32>
    tpu.vector_store %arg9[%swap3A, %swap3A_38], %add3A_37 {strides = array<i32>} : memref<2048x128xf32, #tpu.memory_space<vmem>>, vector<2048x32xf32>,
    return
  }
  func.func @transform_0(%arg0: i32) -> (i32, i32) {
    %c0_i32 = arith.constant 0 : i32
    %c0_i32_0 = arith.constant 0 : i32
    return %c0_i32, %arg0 : i32, i32
  }
  func.func @transform_1(%arg0: i32) -> (i32, i32) {
    %c0_i32 = arith.constant 0 : i32
    %c0_i32_0 = arith.constant 0 : i32
    return %arg0, %c0_i32 : i32, i32
  }
  func.func @transform_2(%arg0: i32) -> (i32, i32) {
    %c0_i32 = arith.constant 0 : i32
    %c0_i32_0 = arith.constant 0 : i32
    %c0_i32_1 = arith.constant 0 : i32
    return %c0_i32, %c0_i32_0 : i32, i32
  }
  func.func @transform_3(%arg0: i32) -> (i32, i32) {
    %c0_i32 = arith.constant 0 : i32
    %c0_i32_0 = arith.constant 0 : i32
    %c0_i32_1 = arith.constant 0 : i32
    return %c0_i32, %c0_i32_0 : i32, i32
  }
  func.func @transform_4(%arg0: i32) -> (i32, i32) {
    %c0_i32 = arith.constant 0 : i32
    %c0_i32_0 = arith.constant 0 : i32
    %c0_i32_1 = arith.constant 0 : i32
    return %c0_i32, %c0_i32_0 : i32, i32
  }
  func.func @transform_5(%arg0: i32) -> (i32, i32) {
    %c0_i32 = arith.constant 0 : i32
    %c0_i32_0 = arith.constant 0 : i32
    %c0_i32_1 = arith.constant 0 : i32
    return %c0_i32, %c0_i32_0 : i32, i32
  }
  func.func @transform_6(%arg0: i32) -> (i32, i32) {
    %c0_i32 = arith.constant 0 : i32
    %c0_i32_0 = arith.constant 0 : i32
    %c0_i32_1 = arith.constant 0 : i32
    return %c0_i32, %c0_i32_0 : i32, i32
  }
  func.func @transform_7(%arg0: i32) -> (i32, i32) {
    %c0_i32 = arith.constant 0 : i32
    %c0_i32_0 = arith.constant 0 : i32
    %c0_i32_1 = arith.constant 0 : i32
    return %c0_i32, %c0_i32_0 : i32, i32
  }
  func.func @transform_8(%arg0: i32) -> (i32, i32) {
    %c0_i32 = arith.constant 0 : i32
    %c0_i32_0 = arith.constant 0 : i32
    return %arg0, %c0_i32 : i32, i32
  }
}

module attributes {stable_mosaic.version = 14 : i64} {
  func.func @_node_body(%arg0: memref<2x10016x32xf32, #tpu.memory_space<vmem>>, %arg1: memref<2x10016x16xf32, #tpu.memory_space<vmem>>, %arg2: memref<10016x32xf32, #tpu.memory_space<vmem>>, %arg3: memref<32x32xf32, #tpu.memory_space<vmem>>, %arg4: memref<1x32xf32, #tpu.memory_space<vmem>>, %arg5: memref<32x96xf32, #tpu.memory_space<vmem>>, %arg6: memref<32x96xf32, #tpu.memory_space<vmem>>, %arg7: memref<1x96xf32, #tpu.memory_space<vmem>>, %arg8: memref<1x96xf32, #tpu.memory_space<vmem>>, %arg9: memref<10016x32xf32, #tpu.memory_space<vmem>>) attributes {dimension_semantics = [], scalar_prefetch = 0 : i64, scratch_operands = 0 : i64, tpu.core_type = #tpu.core_type<tc>} {
    %get3A = arith.constant 0 : index
    %get3A_0 = arith.constant 0 : index
    %get3A_1 = arith.constant 0 : index
    %get3A_2 = vector.load %arg0[%get3A, %get3A_0, %get3A_1] : memref<2x10016x32xf32, #tpu.memory_space<vmem>>, vector<2x10016x32xf32>
    %slice3A = vector.extract_strided_slice %get3A_2 {offsets = [0, 0, 0], sizes = [1, 10016, 32], strides = [1, 1, 1]} : vector<2x10016x32xf32> to vector<1x10016x32xf32>
    %squeeze3A = vector.shape_cast %slice3A : vector<1x10016x32xf32> to vector<10016x32xf32>
    %slice3A_3 = vector.extract_strided_slice %get3A_2 {offsets = [1, 0, 0], sizes = [1, 10016, 32], strides = [1, 1, 1]} : vector<2x10016x32xf32> to vector<1x10016x32xf32>
    %squeeze3A_4 = vector.shape_cast %slice3A_3 : vector<1x10016x32xf32> to vector<10016x32xf32>
    %add3A = arith.addf %squeeze3A, %squeeze3A_4 : vector<10016x32xf32>
    %get3A_5 = arith.constant 0 : index
    %get3A_6 = arith.constant 0 : index
    %get3A_7 = arith.constant 0 : index
    %get3A_8 = vector.load %arg1[%get3A_5, %get3A_6, %get3A_7] : memref<2x10016x16xf32, #tpu.memory_space<vmem>>, vector<2x10016x16xf32>
    %slice3A_9 = vector.extract_strided_slice %get3A_8 {offsets = [0, 0, 0], sizes = [1, 10016, 1], strides = [1, 1, 1]} : vector<2x10016x16xf32> to vector<1x10016x1xf32>
    %squeeze3A_10 = vector.shape_cast %slice3A_9 : vector<1x10016x1xf32> to vector<10016x1xf32>
    %slice3A_11 = vector.extract_strided_slice %get3A_8 {offsets = [1, 0, 0], sizes = [1, 10016, 1], strides = [1, 1, 1]} : vector<2x10016x16xf32> to vector<1x10016x1xf32>
    %squeeze3A_12 = vector.shape_cast %slice3A_11 : vector<1x10016x1xf32> to vector<10016x1xf32>
    %add3A_13 = arith.addf %squeeze3A_10, %squeeze3A_12 : vector<10016x1xf32>
    %get3A_14 = arith.constant 0 : index
    %get3A_15 = arith.constant 0 : index
    %get3A_16 = vector.load %arg2[%get3A_14, %get3A_15] : memref<10016x32xf32, #tpu.memory_space<vmem>>, vector<10016x32xf32>
    %max3A = arith.constant 1.000000e+00 : f32
    %max3A_17 = vector.broadcast %max3A : f32 to vector<10016x1xf32>
    %max3A_18 = arith.maximumf %add3A_13, %max3A_17 : vector<10016x1xf32>
    %div3A = vector.broadcast %max3A_18 : vector<10016x1xf32> to vector<10016x32xf32>
    %div3A_19 = arith.divf %add3A, %div3A : vector<10016x32xf32>
    %get3A_20 = arith.constant 0 : index
    %get3A_21 = arith.constant 0 : index
    %get3A_22 = vector.load %arg3[%get3A_20, %get3A_21] : memref<32x32xf32, #tpu.memory_space<vmem>>, vector<32x32xf32>
    %dot_general3A = arith.constant dense<0.000000e+00> : vector<10016x32xf32>
    %dot_general3A_23 = tpu.matmul %get3A_16, %get3A_22, %dot_general3A {dimension_numbers = #tpu.dot_dimension_numbers<[1], [0], [0], [1], [0, 0, 1, 1], [], []>, transpose_lhs_hint = false} : vector<10016x32xf32>, vector<32x32xf32>, vector<10016x32xf32> -> vector<10016x32xf32>
    %add3A_24 = arith.addf %dot_general3A_23, %div3A_19 : vector<10016x32xf32>
    %get3A_25 = arith.constant 0 : index
    %get3A_26 = arith.constant 0 : index
    %get3A_27 = vector.load %arg4[%get3A_25, %get3A_26] : memref<1x32xf32, #tpu.memory_space<vmem>>, vector<1x32xf32>
    %add3A_28 = vector.broadcast %get3A_27 : vector<1x32xf32> to vector<10016x32xf32>
    %add3A_29 = arith.addf %add3A_24, %add3A_28 : vector<10016x32xf32>
    %max3A_30 = arith.constant 0.000000e+00 : f32
    %max3A_31 = vector.broadcast %max3A_30 : f32 to vector<10016x32xf32>
    %max3A_32 = arith.maximumf %add3A_29, %max3A_31 : vector<10016x32xf32>
    %get3A_33 = arith.constant 0 : index
    %get3A_34 = arith.constant 0 : index
    %get3A_35 = vector.load %arg5[%get3A_33, %get3A_34] : memref<32x96xf32, #tpu.memory_space<vmem>>, vector<32x96xf32>
    %dot_general3A_36 = arith.constant dense<0.000000e+00> : vector<10016x96xf32>
    %dot_general3A_37 = tpu.matmul %max3A_32, %get3A_35, %dot_general3A_36 {dimension_numbers = #tpu.dot_dimension_numbers<[1], [0], [0], [1], [0, 0, 1, 1], [], []>, transpose_lhs_hint = false} : vector<10016x32xf32>, vector<32x96xf32>, vector<10016x96xf32> -> vector<10016x96xf32>
    %get3A_38 = arith.constant 0 : index
    %get3A_39 = arith.constant 0 : index
    %get3A_40 = vector.load %arg7[%get3A_38, %get3A_39] : memref<1x96xf32, #tpu.memory_space<vmem>>, vector<1x96xf32>
    %add3A_41 = vector.broadcast %get3A_40 : vector<1x96xf32> to vector<10016x96xf32>
    %add3A_42 = arith.addf %dot_general3A_37, %add3A_41 : vector<10016x96xf32>
    %get3A_43 = arith.constant 0 : index
    %get3A_44 = arith.constant 0 : index
    %get3A_45 = vector.load %arg6[%get3A_43, %get3A_44] : memref<32x96xf32, #tpu.memory_space<vmem>>, vector<32x96xf32>
    %dot_general3A_46 = arith.constant dense<0.000000e+00> : vector<10016x96xf32>
    %dot_general3A_47 = tpu.matmul %get3A_16, %get3A_45, %dot_general3A_46 {dimension_numbers = #tpu.dot_dimension_numbers<[1], [0], [0], [1], [0, 0, 1, 1], [], []>, transpose_lhs_hint = false} : vector<10016x32xf32>, vector<32x96xf32>, vector<10016x96xf32> -> vector<10016x96xf32>
    %get3A_48 = arith.constant 0 : index
    %get3A_49 = arith.constant 0 : index
    %get3A_50 = vector.load %arg8[%get3A_48, %get3A_49] : memref<1x96xf32, #tpu.memory_space<vmem>>, vector<1x96xf32>
    %add3A_51 = vector.broadcast %get3A_50 : vector<1x96xf32> to vector<10016x96xf32>
    %add3A_52 = arith.addf %dot_general3A_47, %add3A_51 : vector<10016x96xf32>
    %slice3A_53 = vector.extract_strided_slice %add3A_42 {offsets = [0, 0], sizes = [10016, 32], strides = [1, 1]} : vector<10016x96xf32> to vector<10016x32xf32>
    %slice3A_54 = vector.extract_strided_slice %add3A_52 {offsets = [0, 0], sizes = [10016, 32], strides = [1, 1]} : vector<10016x96xf32> to vector<10016x32xf32>
    %add3A_55 = arith.addf %slice3A_53, %slice3A_54 : vector<10016x32xf32>
    %logistic3A = arith.negf %add3A_55 : vector<10016x32xf32>
    %logistic3A_56 = math.exp %logistic3A : vector<10016x32xf32>
    %logistic3A_57 = arith.constant 1.000000e+00 : f32
    %logistic3A_58 = vector.broadcast %logistic3A_57 : f32 to vector<10016x32xf32>
    %logistic3A_59 = arith.addf %logistic3A_58, %logistic3A_56 : vector<10016x32xf32>
    %logistic3A_60 = arith.divf %logistic3A_58, %logistic3A_59 : vector<10016x32xf32>
    %slice3A_61 = vector.extract_strided_slice %add3A_42 {offsets = [0, 32], sizes = [10016, 32], strides = [1, 1]} : vector<10016x96xf32> to vector<10016x32xf32>
    %slice3A_62 = vector.extract_strided_slice %add3A_52 {offsets = [0, 32], sizes = [10016, 32], strides = [1, 1]} : vector<10016x96xf32> to vector<10016x32xf32>
    %add3A_63 = arith.addf %slice3A_61, %slice3A_62 : vector<10016x32xf32>
    %logistic3A_64 = arith.negf %add3A_63 : vector<10016x32xf32>
    %logistic3A_65 = math.exp %logistic3A_64 : vector<10016x32xf32>
    %logistic3A_66 = arith.constant 1.000000e+00 : f32
    %logistic3A_67 = vector.broadcast %logistic3A_66 : f32 to vector<10016x32xf32>
    %logistic3A_68 = arith.addf %logistic3A_67, %logistic3A_65 : vector<10016x32xf32>
    %logistic3A_69 = arith.divf %logistic3A_67, %logistic3A_68 : vector<10016x32xf32>
    %slice3A_70 = vector.extract_strided_slice %add3A_42 {offsets = [0, 64], sizes = [10016, 32], strides = [1, 1]} : vector<10016x96xf32> to vector<10016x32xf32>
    %slice3A_71 = vector.extract_strided_slice %add3A_52 {offsets = [0, 64], sizes = [10016, 32], strides = [1, 1]} : vector<10016x96xf32> to vector<10016x32xf32>
    %mul3A = arith.mulf %logistic3A_60, %slice3A_71 : vector<10016x32xf32>
    %add3A_72 = arith.addf %slice3A_70, %mul3A : vector<10016x32xf32>
    %tanh3A = math.tanh %add3A_72 : vector<10016x32xf32>
    %sub3A = arith.constant 1.000000e+00 : f32
    %sub3A_73 = vector.broadcast %sub3A : f32 to vector<10016x32xf32>
    %sub3A_74 = arith.subf %sub3A_73, %logistic3A_69 : vector<10016x32xf32>
    %mul3A_75 = arith.mulf %sub3A_74, %tanh3A : vector<10016x32xf32>
    %mul3A_76 = arith.mulf %logistic3A_69, %get3A_16 : vector<10016x32xf32>
    %add3A_77 = arith.addf %mul3A_75, %mul3A_76 : vector<10016x32xf32>
    %swap3A = arith.constant 0 : index
    %swap3A_78 = arith.constant 0 : index
    %swap3A_79 = vector.load %arg9[%swap3A, %swap3A_78] : memref<10016x32xf32, #tpu.memory_space<vmem>>, vector<10016x32xf32>
    tpu.vector_store %arg9[%swap3A, %swap3A_78], %add3A_77 {strides = array<i32>} : memref<10016x32xf32, #tpu.memory_space<vmem>>, vector<10016x32xf32>,
    return
  }
}

module attributes {stable_mosaic.version = 14 : i64} {
  func.func @_s2s_body(%arg0: memref<10016x32xf32, #tpu.memory_space<vmem>>, %arg1: memref<10016x1xi32, #tpu.memory_space<vmem>>, %arg2: memref<64x128xf32, #tpu.memory_space<vmem>>, %arg3: memref<32x128xf32, #tpu.memory_space<vmem>>, %arg4: memref<1x128xf32, #tpu.memory_space<vmem>>, %arg5: memref<1x128xf32, #tpu.memory_space<vmem>>, %arg6: memref<64x32xf32, #tpu.memory_space<vmem>>, %arg7: memref<1x32xf32, #tpu.memory_space<vmem>>, %arg8: memref<32x1xf32, #tpu.memory_space<vmem>>, %arg9: memref<1x1xf32, #tpu.memory_space<vmem>>, %arg10: memref<64x1xf32, #tpu.memory_space<vmem>>) attributes {dimension_semantics = [], scalar_prefetch = 0 : i64, scratch_operands = 0 : i64, tpu.core_type = #tpu.core_type<tc>} {
    %get3A = arith.constant 0 : index
    %get3A_0 = arith.constant 0 : index
    %get3A_1 = vector.load %arg0[%get3A, %get3A_0] : memref<10016x32xf32, #tpu.memory_space<vmem>>, vector<10016x32xf32>
    %get3A_2 = arith.constant 0 : index
    %get3A_3 = arith.constant 0 : index
    %get3A_4 = vector.load %arg1[%get3A_2, %get3A_3] : memref<10016x1xi32, #tpu.memory_space<vmem>>, vector<10016x1xi32>
    %iota3A = tpu.iota {dimensions = array<i32: 1>} : vector<10016x64xi32>
    %eq3A = vector.broadcast %get3A_4 : vector<10016x1xi32> to vector<10016x64xi32>
    %eq3A_5 = arith.cmpi eq, %eq3A, %iota3A : vector<10016x64xi32>
    %convert_element_type3A = arith.extui %eq3A_5 : vector<10016x64xi1> to vector<10016x64xi32>
    %convert_element_type3A_6 = arith.sitofp %convert_element_type3A : vector<10016x64xi32> to vector<10016x64xf32>
    %broadcast_in_dim3A = arith.constant 0.000000e+00 : f32
    %broadcast_in_dim3A_7 = vector.broadcast %broadcast_in_dim3A : f32 to vector<64x64xf32>
    %broadcast_in_dim3A_8 = arith.constant 0.000000e+00 : f32
    %broadcast_in_dim3A_9 = vector.broadcast %broadcast_in_dim3A_8 : f32 to vector<64x32xf32>
    %broadcast_in_dim3A_10 = arith.constant 0.000000e+00 : f32
    %broadcast_in_dim3A_11 = vector.broadcast %broadcast_in_dim3A_10 : f32 to vector<64x32xf32>
    %get3A_12 = arith.constant 0 : index
    %get3A_13 = arith.constant 0 : index
    %get3A_14 = vector.load %arg2[%get3A_12, %get3A_13] : memref<64x128xf32, #tpu.memory_space<vmem>>, vector<64x128xf32>
    %dot_general3A = arith.constant dense<0.000000e+00> : vector<64x128xf32>
    %dot_general3A_15 = tpu.matmul %broadcast_in_dim3A_7, %get3A_14, %dot_general3A {dimension_numbers = #tpu.dot_dimension_numbers<[1], [0], [0], [1], [0, 0, 1, 1], [], []>, transpose_lhs_hint = false} : vector<64x64xf32>, vector<64x128xf32>, vector<64x128xf32> -> vector<64x128xf32>
    %get3A_16 = arith.constant 0 : index
    %get3A_17 = arith.constant 0 : index
    %get3A_18 = vector.load %arg4[%get3A_16, %get3A_17] : memref<1x128xf32, #tpu.memory_space<vmem>>, vector<1x128xf32>
    %add3A = vector.broadcast %get3A_18 : vector<1x128xf32> to vector<64x128xf32>
    %add3A_19 = arith.addf %dot_general3A_15, %add3A : vector<64x128xf32>
    %get3A_20 = arith.constant 0 : index
    %get3A_21 = arith.constant 0 : index
    %get3A_22 = vector.load %arg3[%get3A_20, %get3A_21] : memref<32x128xf32, #tpu.memory_space<vmem>>, vector<32x128xf32>
    %dot_general3A_23 = arith.constant dense<0.000000e+00> : vector<64x128xf32>
    %dot_general3A_24 = tpu.matmul %broadcast_in_dim3A_9, %get3A_22, %dot_general3A_23 {dimension_numbers = #tpu.dot_dimension_numbers<[1], [0], [0], [1], [0, 0, 1, 1], [], []>, transpose_lhs_hint = false} : vector<64x32xf32>, vector<32x128xf32>, vector<64x128xf32> -> vector<64x128xf32>
    %add3A_25 = arith.addf %add3A_19, %dot_general3A_24 : vector<64x128xf32>
    %get3A_26 = arith.constant 0 : index
    %get3A_27 = arith.constant 0 : index
    %get3A_28 = vector.load %arg5[%get3A_26, %get3A_27] : memref<1x128xf32, #tpu.memory_space<vmem>>, vector<1x128xf32>
    %add3A_29 = vector.broadcast %get3A_28 : vector<1x128xf32> to vector<64x128xf32>
    %add3A_30 = arith.addf %add3A_25, %add3A_29 : vector<64x128xf32>
    %slice3A = vector.extract_strided_slice %add3A_30 {offsets = [0, 0], sizes = [64, 32], strides = [1, 1]} : vector<64x128xf32> to vector<64x32xf32>
    %logistic3A = arith.negf %slice3A : vector<64x32xf32>
    %logistic3A_31 = math.exp %logistic3A : vector<64x32xf32>
    %logistic3A_32 = arith.constant 1.000000e+00 : f32
    %logistic3A_33 = vector.broadcast %logistic3A_32 : f32 to vector<64x32xf32>
    %logistic3A_34 = arith.addf %logistic3A_33, %logistic3A_31 : vector<64x32xf32>
    %logistic3A_35 = arith.divf %logistic3A_33, %logistic3A_34 : vector<64x32xf32>
    %slice3A_36 = vector.extract_strided_slice %add3A_30 {offsets = [0, 32], sizes = [64, 32], strides = [1, 1]} : vector<64x128xf32> to vector<64x32xf32>
    %logistic3A_37 = arith.negf %slice3A_36 : vector<64x32xf32>
    %logistic3A_38 = math.exp %logistic3A_37 : vector<64x32xf32>
    %logistic3A_39 = arith.constant 1.000000e+00 : f32
    %logistic3A_40 = vector.broadcast %logistic3A_39 : f32 to vector<64x32xf32>
    %logistic3A_41 = arith.addf %logistic3A_40, %logistic3A_38 : vector<64x32xf32>
    %logistic3A_42 = arith.divf %logistic3A_40, %logistic3A_41 : vector<64x32xf32>
    %slice3A_43 = vector.extract_strided_slice %add3A_30 {offsets = [0, 64], sizes = [64, 32], strides = [1, 1]} : vector<64x128xf32> to vector<64x32xf32>
    %tanh3A = math.tanh %slice3A_43 : vector<64x32xf32>
    %slice3A_44 = vector.extract_strided_slice %add3A_30 {offsets = [0, 96], sizes = [64, 32], strides = [1, 1]} : vector<64x128xf32> to vector<64x32xf32>
    %logistic3A_45 = arith.negf %slice3A_44 : vector<64x32xf32>
    %logistic3A_46 = math.exp %logistic3A_45 : vector<64x32xf32>
    %logistic3A_47 = arith.constant 1.000000e+00 : f32
    %logistic3A_48 = vector.broadcast %logistic3A_47 : f32 to vector<64x32xf32>
    %logistic3A_49 = arith.addf %logistic3A_48, %logistic3A_46 : vector<64x32xf32>
    %logistic3A_50 = arith.divf %logistic3A_48, %logistic3A_49 : vector<64x32xf32>
    %mul3A = arith.mulf %logistic3A_42, %broadcast_in_dim3A_11 : vector<64x32xf32>
    %mul3A_51 = arith.mulf %logistic3A_35, %tanh3A : vector<64x32xf32>
    %add3A_52 = arith.addf %mul3A, %mul3A_51 : vector<64x32xf32>
    %tanh3A_53 = math.tanh %add3A_52 : vector<64x32xf32>
    %mul3A_54 = arith.mulf %logistic3A_50, %tanh3A_53 : vector<64x32xf32>
    %dot_general3A_55 = arith.constant dense<0.000000e+00> : vector<10016x32xf32>
    %dot_general3A_56 = tpu.matmul %convert_element_type3A_6, %mul3A_54, %dot_general3A_55 {dimension_numbers = #tpu.dot_dimension_numbers<[1], [0], [0], [1], [0, 0, 1, 1], [], []>, transpose_lhs_hint = false} : vector<10016x64xf32>, vector<64x32xf32>, vector<10016x32xf32> -> vector<10016x32xf32>
    %mul3A_57 = arith.mulf %get3A_1, %dot_general3A_56 : vector<10016x32xf32>
    %reduce_sum3A = arith.constant dense<0.000000e+00> : vector<10016xf32>
    %reduce_sum3A_58 = vector.multi_reduction <add>, %mul3A_57, %reduce_sum3A [1] : vector<10016x32xf32> to vector<10016xf32>
    %broadcast_in_dim3A_59 = vector.shape_cast %reduce_sum3A_58 : vector<10016xf32> to vector<10016x1xf32>
    %gt3A = arith.constant 0.000000e+00 : f32
    %gt3A_60 = vector.broadcast %gt3A : f32 to vector<10016x64xf32>
    %gt3A_61 = arith.cmpf ogt, %convert_element_type3A_6, %gt3A_60 : vector<10016x64xf32>
    %jit3A = arith.constant -1.000000e+30 : f32
    %broadcast_in_dim3A_62 = vector.shape_cast %broadcast_in_dim3A_59 : vector<10016x1xf32> to vector<10016x1xf32>
    %broadcast_in_dim3A_63 = vector.broadcast %broadcast_in_dim3A_62 : vector<10016x1xf32> to vector<10016x64xf32>
    %broadcast_in_dim3A_64 = vector.broadcast %jit3A : f32 to vector<10016x64xf32>
    %select_n3A = arith.select %gt3A_61, %broadcast_in_dim3A_63, %broadcast_in_dim3A_64 : vector<10016x64xi1>, vector<10016x64xf32>
    %reduce_max3A = arith.constant dense<0xFF800000> : vector<64xf32>
    %reduce_max3A_65 = vector.multi_reduction <maximumf>, %select_n3A, %reduce_max3A [0] : vector<10016x64xf32> to vector<64xf32>
    %broadcast_in_dim3A_66 = vector.shape_cast %reduce_max3A_65 : vector<64xf32> to vector<1x64xf32>
    %mul3A_67 = vector.broadcast %broadcast_in_dim3A_66 : vector<1x64xf32> to vector<10016x64xf32>
    %mul3A_68 = arith.mulf %convert_element_type3A_6, %mul3A_67 : vector<10016x64xf32>
    %reduce_sum3A_69 = arith.constant dense<0.000000e+00> : vector<10016xf32>
    %reduce_sum3A_70 = vector.multi_reduction <add>, %mul3A_68, %reduce_sum3A_69 [1] : vector<10016x64xf32> to vector<10016xf32>
    %broadcast_in_dim3A_71 = vector.shape_cast %reduce_sum3A_70 : vector<10016xf32> to vector<10016x1xf32>
    %sub3A = arith.subf %broadcast_in_dim3A_59, %broadcast_in_dim3A_71 : vector<10016x1xf32>
    %exp3A = math.exp %sub3A : vector<10016x1xf32>
    %mul3A_72 = vector.broadcast %exp3A : vector<10016x1xf32> to vector<10016x64xf32>
    %mul3A_73 = arith.mulf %convert_element_type3A_6, %mul3A_72 : vector<10016x64xf32>
    %reduce_sum3A_74 = arith.constant dense<0.000000e+00> : vector<64xf32>
    %reduce_sum3A_75 = vector.multi_reduction <add>, %mul3A_73, %reduce_sum3A_74 [0] : vector<10016x64xf32> to vector<64xf32>
    %broadcast_in_dim3A_76 = vector.shape_cast %reduce_sum3A_75 : vector<64xf32> to vector<1x64xf32>
    %mul3A_77 = vector.broadcast %broadcast_in_dim3A_76 : vector<1x64xf32> to vector<10016x64xf32>
    %mul3A_78 = arith.mulf %convert_element_type3A_6, %mul3A_77 : vector<10016x64xf32>
    %reduce_sum3A_79 = arith.constant dense<0.000000e+00> : vector<10016xf32>
    %reduce_sum3A_80 = vector.multi_reduction <add>, %mul3A_78, %reduce_sum3A_79 [1] : vector<10016x64xf32> to vector<10016xf32>
    %broadcast_in_dim3A_81 = vector.shape_cast %reduce_sum3A_80 : vector<10016xf32> to vector<10016x1xf32>
    %add3A_82 = arith.constant 1.000000e-16 : f32
    %add3A_83 = vector.broadcast %add3A_82 : f32 to vector<10016x1xf32>
    %add3A_84 = arith.addf %broadcast_in_dim3A_81, %add3A_83 : vector<10016x1xf32>
    %div3A = arith.divf %exp3A, %add3A_84 : vector<10016x1xf32>
    %mul3A_85 = vector.broadcast %div3A : vector<10016x1xf32> to vector<10016x64xf32>
    %mul3A_86 = arith.mulf %convert_element_type3A_6, %mul3A_85 : vector<10016x64xf32>
    %dot_general3A_87 = arith.constant dense<0.000000e+00> : vector<64x32xf32>
    %dot_general3A_88 = tpu.matmul %mul3A_86, %get3A_1, %dot_general3A_87 {dimension_numbers = #tpu.dot_dimension_numbers<[0], [0], [1], [1], [0, 1, 1, 1], [], []>, transpose_lhs_hint = false} : vector<10016x64xf32>, vector<10016x32xf32>, vector<64x32xf32> -> vector<64x32xf32>
    %concatenate3A = tpu.concatenate %mul3A_54, %dot_general3A_88 in 1 : vector<64x32xf32>, vector<64x32xf32> -> vector<64x64xf32>
    %get3A_89 = arith.constant 0 : index
    %get3A_90 = arith.constant 0 : index
    %get3A_91 = vector.load %arg2[%get3A_89, %get3A_90] : memref<64x128xf32, #tpu.memory_space<vmem>>, vector<64x128xf32>
    %dot_general3A_92 = arith.constant dense<0.000000e+00> : vector<64x128xf32>
    %dot_general3A_93 = tpu.matmul %concatenate3A, %get3A_91, %dot_general3A_92 {dimension_numbers = #tpu.dot_dimension_numbers<[1], [0], [0], [1], [0, 0, 1, 1], [], []>, transpose_lhs_hint = false} : vector<64x64xf32>, vector<64x128xf32>, vector<64x128xf32> -> vector<64x128xf32>
    %get3A_94 = arith.constant 0 : index
    %get3A_95 = arith.constant 0 : index
    %get3A_96 = vector.load %arg4[%get3A_94, %get3A_95] : memref<1x128xf32, #tpu.memory_space<vmem>>, vector<1x128xf32>
    %add3A_97 = vector.broadcast %get3A_96 : vector<1x128xf32> to vector<64x128xf32>
    %add3A_98 = arith.addf %dot_general3A_93, %add3A_97 : vector<64x128xf32>
    %get3A_99 = arith.constant 0 : index
    %get3A_100 = arith.constant 0 : index
    %get3A_101 = vector.load %arg3[%get3A_99, %get3A_100] : memref<32x128xf32, #tpu.memory_space<vmem>>, vector<32x128xf32>
    %dot_general3A_102 = arith.constant dense<0.000000e+00> : vector<64x128xf32>
    %dot_general3A_103 = tpu.matmul %mul3A_54, %get3A_101, %dot_general3A_102 {dimension_numbers = #tpu.dot_dimension_numbers<[1], [0], [0], [1], [0, 0, 1, 1], [], []>, transpose_lhs_hint = false} : vector<64x32xf32>, vector<32x128xf32>, vector<64x128xf32> -> vector<64x128xf32>
    %add3A_104 = arith.addf %add3A_98, %dot_general3A_103 : vector<64x128xf32>
    %get3A_105 = arith.constant 0 : index
    %get3A_106 = arith.constant 0 : index
    %get3A_107 = vector.load %arg5[%get3A_105, %get3A_106] : memref<1x128xf32, #tpu.memory_space<vmem>>, vector<1x128xf32>
    %add3A_108 = vector.broadcast %get3A_107 : vector<1x128xf32> to vector<64x128xf32>
    %add3A_109 = arith.addf %add3A_104, %add3A_108 : vector<64x128xf32>
    %slice3A_110 = vector.extract_strided_slice %add3A_109 {offsets = [0, 0], sizes = [64, 32], strides = [1, 1]} : vector<64x128xf32> to vector<64x32xf32>
    %logistic3A_111 = arith.negf %slice3A_110 : vector<64x32xf32>
    %logistic3A_112 = math.exp %logistic3A_111 : vector<64x32xf32>
    %logistic3A_113 = arith.constant 1.000000e+00 : f32
    %logistic3A_114 = vector.broadcast %logistic3A_113 : f32 to vector<64x32xf32>
    %logistic3A_115 = arith.addf %logistic3A_114, %logistic3A_112 : vector<64x32xf32>
    %logistic3A_116 = arith.divf %logistic3A_114, %logistic3A_115 : vector<64x32xf32>
    %slice3A_117 = vector.extract_strided_slice %add3A_109 {offsets = [0, 32], sizes = [64, 32], strides = [1, 1]} : vector<64x128xf32> to vector<64x32xf32>
    %logistic3A_118 = arith.negf %slice3A_117 : vector<64x32xf32>
    %logistic3A_119 = math.exp %logistic3A_118 : vector<64x32xf32>
    %logistic3A_120 = arith.constant 1.000000e+00 : f32
    %logistic3A_121 = vector.broadcast %logistic3A_120 : f32 to vector<64x32xf32>
    %logistic3A_122 = arith.addf %logistic3A_121, %logistic3A_119 : vector<64x32xf32>
    %logistic3A_123 = arith.divf %logistic3A_121, %logistic3A_122 : vector<64x32xf32>
    %slice3A_124 = vector.extract_strided_slice %add3A_109 {offsets = [0, 64], sizes = [64, 32], strides = [1, 1]} : vector<64x128xf32> to vector<64x32xf32>
    %tanh3A_125 = math.tanh %slice3A_124 : vector<64x32xf32>
    %slice3A_126 = vector.extract_strided_slice %add3A_109 {offsets = [0, 96], sizes = [64, 32], strides = [1, 1]} : vector<64x128xf32> to vector<64x32xf32>
    %logistic3A_127 = arith.negf %slice3A_126 : vector<64x32xf32>
    %logistic3A_128 = math.exp %logistic3A_127 : vector<64x32xf32>
    %logistic3A_129 = arith.constant 1.000000e+00 : f32
    %logistic3A_130 = vector.broadcast %logistic3A_129 : f32 to vector<64x32xf32>
    %logistic3A_131 = arith.addf %logistic3A_130, %logistic3A_128 : vector<64x32xf32>
    %logistic3A_132 = arith.divf %logistic3A_130, %logistic3A_131 : vector<64x32xf32>
    %mul3A_133 = arith.mulf %logistic3A_123, %add3A_52 : vector<64x32xf32>
    %mul3A_134 = arith.mulf %logistic3A_116, %tanh3A_125 : vector<64x32xf32>
    %add3A_135 = arith.addf %mul3A_133, %mul3A_134 : vector<64x32xf32>
    %tanh3A_136 = math.tanh %add3A_135 : vector<64x32xf32>
    %mul3A_137 = arith.mulf %logistic3A_132, %tanh3A_136 : vector<64x32xf32>
    %dot_general3A_138 = arith.constant dense<0.000000e+00> : vector<10016x32xf32>
    %dot_general3A_139 = tpu.matmul %convert_element_type3A_6, %mul3A_137, %dot_general3A_138 {dimension_numbers = #tpu.dot_dimension_numbers<[1], [0], [0], [1], [0, 0, 1, 1], [], []>, transpose_lhs_hint = false} : vector<10016x64xf32>, vector<64x32xf32>, vector<10016x32xf32> -> vector<10016x32xf32>
    %mul3A_140 = arith.mulf %get3A_1, %dot_general3A_139 : vector<10016x32xf32>
    %reduce_sum3A_141 = arith.constant dense<0.000000e+00> : vector<10016xf32>
    %reduce_sum3A_142 = vector.multi_reduction <add>, %mul3A_140, %reduce_sum3A_141 [1] : vector<10016x32xf32> to vector<10016xf32>
    %broadcast_in_dim3A_143 = vector.shape_cast %reduce_sum3A_142 : vector<10016xf32> to vector<10016x1xf32>
    %gt3A_144 = arith.constant 0.000000e+00 : f32
    %gt3A_145 = vector.broadcast %gt3A_144 : f32 to vector<10016x64xf32>
    %gt3A_146 = arith.cmpf ogt, %convert_element_type3A_6, %gt3A_145 : vector<10016x64xf32>
    %jit3A_147 = arith.constant -1.000000e+30 : f32
    %broadcast_in_dim3A_148 = vector.shape_cast %broadcast_in_dim3A_143 : vector<10016x1xf32> to vector<10016x1xf32>
    %broadcast_in_dim3A_149 = vector.broadcast %broadcast_in_dim3A_148 : vector<10016x1xf32> to vector<10016x64xf32>
    %broadcast_in_dim3A_150 = vector.broadcast %jit3A_147 : f32 to vector<10016x64xf32>
    %select_n3A_151 = arith.select %gt3A_146, %broadcast_in_dim3A_149, %broadcast_in_dim3A_150 : vector<10016x64xi1>, vector<10016x64xf32>
    %reduce_max3A_152 = arith.constant dense<0xFF800000> : vector<64xf32>
    %reduce_max3A_153 = vector.multi_reduction <maximumf>, %select_n3A_151, %reduce_max3A_152 [0] : vector<10016x64xf32> to vector<64xf32>
    %broadcast_in_dim3A_154 = vector.shape_cast %reduce_max3A_153 : vector<64xf32> to vector<1x64xf32>
    %mul3A_155 = vector.broadcast %broadcast_in_dim3A_154 : vector<1x64xf32> to vector<10016x64xf32>
    %mul3A_156 = arith.mulf %convert_element_type3A_6, %mul3A_155 : vector<10016x64xf32>
    %reduce_sum3A_157 = arith.constant dense<0.000000e+00> : vector<10016xf32>
    %reduce_sum3A_158 = vector.multi_reduction <add>, %mul3A_156, %reduce_sum3A_157 [1] : vector<10016x64xf32> to vector<10016xf32>
    %broadcast_in_dim3A_159 = vector.shape_cast %reduce_sum3A_158 : vector<10016xf32> to vector<10016x1xf32>
    %sub3A_160 = arith.subf %broadcast_in_dim3A_143, %broadcast_in_dim3A_159 : vector<10016x1xf32>
    %exp3A_161 = math.exp %sub3A_160 : vector<10016x1xf32>
    %mul3A_162 = vector.broadcast %exp3A_161 : vector<10016x1xf32> to vector<10016x64xf32>
    %mul3A_163 = arith.mulf %convert_element_type3A_6, %mul3A_162 : vector<10016x64xf32>
    %reduce_sum3A_164 = arith.constant dense<0.000000e+00> : vector<64xf32>
    %reduce_sum3A_165 = vector.multi_reduction <add>, %mul3A_163, %reduce_sum3A_164 [0] : vector<10016x64xf32> to vector<64xf32>
    %broadcast_in_dim3A_166 = vector.shape_cast %reduce_sum3A_165 : vector<64xf32> to vector<1x64xf32>
    %mul3A_167 = vector.broadcast %broadcast_in_dim3A_166 : vector<1x64xf32> to vector<10016x64xf32>
    %mul3A_168 = arith.mulf %convert_element_type3A_6, %mul3A_167 : vector<10016x64xf32>
    %reduce_sum3A_169 = arith.constant dense<0.000000e+00> : vector<10016xf32>
    %reduce_sum3A_170 = vector.multi_reduction <add>, %mul3A_168, %reduce_sum3A_169 [1] : vector<10016x64xf32> to vector<10016xf32>
    %broadcast_in_dim3A_171 = vector.shape_cast %reduce_sum3A_170 : vector<10016xf32> to vector<10016x1xf32>
    %add3A_172 = arith.constant 1.000000e-16 : f32
    %add3A_173 = vector.broadcast %add3A_172 : f32 to vector<10016x1xf32>
    %add3A_174 = arith.addf %broadcast_in_dim3A_171, %add3A_173 : vector<10016x1xf32>
    %div3A_175 = arith.divf %exp3A_161, %add3A_174 : vector<10016x1xf32>
    %mul3A_176 = vector.broadcast %div3A_175 : vector<10016x1xf32> to vector<10016x64xf32>
    %mul3A_177 = arith.mulf %convert_element_type3A_6, %mul3A_176 : vector<10016x64xf32>
    %dot_general3A_178 = arith.constant dense<0.000000e+00> : vector<64x32xf32>
    %dot_general3A_179 = tpu.matmul %mul3A_177, %get3A_1, %dot_general3A_178 {dimension_numbers = #tpu.dot_dimension_numbers<[0], [0], [1], [1], [0, 1, 1, 1], [], []>, transpose_lhs_hint = false} : vector<10016x64xf32>, vector<10016x32xf32>, vector<64x32xf32> -> vector<64x32xf32>
    %concatenate3A_180 = tpu.concatenate %mul3A_137, %dot_general3A_179 in 1 : vector<64x32xf32>, vector<64x32xf32> -> vector<64x64xf32>
    %get3A_181 = arith.constant 0 : index
    %get3A_182 = arith.constant 0 : index
    %get3A_183 = vector.load %arg2[%get3A_181, %get3A_182] : memref<64x128xf32, #tpu.memory_space<vmem>>, vector<64x128xf32>
    %dot_general3A_184 = arith.constant dense<0.000000e+00> : vector<64x128xf32>
    %dot_general3A_185 = tpu.matmul %concatenate3A_180, %get3A_183, %dot_general3A_184 {dimension_numbers = #tpu.dot_dimension_numbers<[1], [0], [0], [1], [0, 0, 1, 1], [], []>, transpose_lhs_hint = false} : vector<64x64xf32>, vector<64x128xf32>, vector<64x128xf32> -> vector<64x128xf32>
    %get3A_186 = arith.constant 0 : index
    %get3A_187 = arith.constant 0 : index
    %get3A_188 = vector.load %arg4[%get3A_186, %get3A_187] : memref<1x128xf32, #tpu.memory_space<vmem>>, vector<1x128xf32>
    %add3A_189 = vector.broadcast %get3A_188 : vector<1x128xf32> to vector<64x128xf32>
    %add3A_190 = arith.addf %dot_general3A_185, %add3A_189 : vector<64x128xf32>
    %get3A_191 = arith.constant 0 : index
    %get3A_192 = arith.constant 0 : index
    %get3A_193 = vector.load %arg3[%get3A_191, %get3A_192] : memref<32x128xf32, #tpu.memory_space<vmem>>, vector<32x128xf32>
    %dot_general3A_194 = arith.constant dense<0.000000e+00> : vector<64x128xf32>
    %dot_general3A_195 = tpu.matmul %mul3A_137, %get3A_193, %dot_general3A_194 {dimension_numbers = #tpu.dot_dimension_numbers<[1], [0], [0], [1], [0, 0, 1, 1], [], []>, transpose_lhs_hint = false} : vector<64x32xf32>, vector<32x128xf32>, vector<64x128xf32> -> vector<64x128xf32>
    %add3A_196 = arith.addf %add3A_190, %dot_general3A_195 : vector<64x128xf32>
    %get3A_197 = arith.constant 0 : index
    %get3A_198 = arith.constant 0 : index
    %get3A_199 = vector.load %arg5[%get3A_197, %get3A_198] : memref<1x128xf32, #tpu.memory_space<vmem>>, vector<1x128xf32>
    %add3A_200 = vector.broadcast %get3A_199 : vector<1x128xf32> to vector<64x128xf32>
    %add3A_201 = arith.addf %add3A_196, %add3A_200 : vector<64x128xf32>
    %slice3A_202 = vector.extract_strided_slice %add3A_201 {offsets = [0, 0], sizes = [64, 32], strides = [1, 1]} : vector<64x128xf32> to vector<64x32xf32>
    %logistic3A_203 = arith.negf %slice3A_202 : vector<64x32xf32>
    %logistic3A_204 = math.exp %logistic3A_203 : vector<64x32xf32>
    %logistic3A_205 = arith.constant 1.000000e+00 : f32
    %logistic3A_206 = vector.broadcast %logistic3A_205 : f32 to vector<64x32xf32>
    %logistic3A_207 = arith.addf %logistic3A_206, %logistic3A_204 : vector<64x32xf32>
    %logistic3A_208 = arith.divf %logistic3A_206, %logistic3A_207 : vector<64x32xf32>
    %slice3A_209 = vector.extract_strided_slice %add3A_201 {offsets = [0, 32], sizes = [64, 32], strides = [1, 1]} : vector<64x128xf32> to vector<64x32xf32>
    %logistic3A_210 = arith.negf %slice3A_209 : vector<64x32xf32>
    %logistic3A_211 = math.exp %logistic3A_210 : vector<64x32xf32>
    %logistic3A_212 = arith.constant 1.000000e+00 : f32
    %logistic3A_213 = vector.broadcast %logistic3A_212 : f32 to vector<64x32xf32>
    %logistic3A_214 = arith.addf %logistic3A_213, %logistic3A_211 : vector<64x32xf32>
    %logistic3A_215 = arith.divf %logistic3A_213, %logistic3A_214 : vector<64x32xf32>
    %slice3A_216 = vector.extract_strided_slice %add3A_201 {offsets = [0, 64], sizes = [64, 32], strides = [1, 1]} : vector<64x128xf32> to vector<64x32xf32>
    %tanh3A_217 = math.tanh %slice3A_216 : vector<64x32xf32>
    %slice3A_218 = vector.extract_strided_slice %add3A_201 {offsets = [0, 96], sizes = [64, 32], strides = [1, 1]} : vector<64x128xf32> to vector<64x32xf32>
    %logistic3A_219 = arith.negf %slice3A_218 : vector<64x32xf32>
    %logistic3A_220 = math.exp %logistic3A_219 : vector<64x32xf32>
    %logistic3A_221 = arith.constant 1.000000e+00 : f32
    %logistic3A_222 = vector.broadcast %logistic3A_221 : f32 to vector<64x32xf32>
    %logistic3A_223 = arith.addf %logistic3A_222, %logistic3A_220 : vector<64x32xf32>
    %logistic3A_224 = arith.divf %logistic3A_222, %logistic3A_223 : vector<64x32xf32>
    %mul3A_225 = arith.mulf %logistic3A_215, %add3A_135 : vector<64x32xf32>
    %mul3A_226 = arith.mulf %logistic3A_208, %tanh3A_217 : vector<64x32xf32>
    %add3A_227 = arith.addf %mul3A_225, %mul3A_226 : vector<64x32xf32>
    %tanh3A_228 = math.tanh %add3A_227 : vector<64x32xf32>
    %mul3A_229 = arith.mulf %logistic3A_224, %tanh3A_228 : vector<64x32xf32>
    %dot_general3A_230 = arith.constant dense<0.000000e+00> : vector<10016x32xf32>
    %dot_general3A_231 = tpu.matmul %convert_element_type3A_6, %mul3A_229, %dot_general3A_230 {dimension_numbers = #tpu.dot_dimension_numbers<[1], [0], [0], [1], [0, 0, 1, 1], [], []>, transpose_lhs_hint = false} : vector<10016x64xf32>, vector<64x32xf32>, vector<10016x32xf32> -> vector<10016x32xf32>
    %mul3A_232 = arith.mulf %get3A_1, %dot_general3A_231 : vector<10016x32xf32>
    %reduce_sum3A_233 = arith.constant dense<0.000000e+00> : vector<10016xf32>
    %reduce_sum3A_234 = vector.multi_reduction <add>, %mul3A_232, %reduce_sum3A_233 [1] : vector<10016x32xf32> to vector<10016xf32>
    %broadcast_in_dim3A_235 = vector.shape_cast %reduce_sum3A_234 : vector<10016xf32> to vector<10016x1xf32>
    %gt3A_236 = arith.constant 0.000000e+00 : f32
    %gt3A_237 = vector.broadcast %gt3A_236 : f32 to vector<10016x64xf32>
    %gt3A_238 = arith.cmpf ogt, %convert_element_type3A_6, %gt3A_237 : vector<10016x64xf32>
    %jit3A_239 = arith.constant -1.000000e+30 : f32
    %broadcast_in_dim3A_240 = vector.shape_cast %broadcast_in_dim3A_235 : vector<10016x1xf32> to vector<10016x1xf32>
    %broadcast_in_dim3A_241 = vector.broadcast %broadcast_in_dim3A_240 : vector<10016x1xf32> to vector<10016x64xf32>
    %broadcast_in_dim3A_242 = vector.broadcast %jit3A_239 : f32 to vector<10016x64xf32>
    %select_n3A_243 = arith.select %gt3A_238, %broadcast_in_dim3A_241, %broadcast_in_dim3A_242 : vector<10016x64xi1>, vector<10016x64xf32>
    %reduce_max3A_244 = arith.constant dense<0xFF800000> : vector<64xf32>
    %reduce_max3A_245 = vector.multi_reduction <maximumf>, %select_n3A_243, %reduce_max3A_244 [0] : vector<10016x64xf32> to vector<64xf32>
    %broadcast_in_dim3A_246 = vector.shape_cast %reduce_max3A_245 : vector<64xf32> to vector<1x64xf32>
    %mul3A_247 = vector.broadcast %broadcast_in_dim3A_246 : vector<1x64xf32> to vector<10016x64xf32>
    %mul3A_248 = arith.mulf %convert_element_type3A_6, %mul3A_247 : vector<10016x64xf32>
    %reduce_sum3A_249 = arith.constant dense<0.000000e+00> : vector<10016xf32>
    %reduce_sum3A_250 = vector.multi_reduction <add>, %mul3A_248, %reduce_sum3A_249 [1] : vector<10016x64xf32> to vector<10016xf32>
    %broadcast_in_dim3A_251 = vector.shape_cast %reduce_sum3A_250 : vector<10016xf32> to vector<10016x1xf32>
    %sub3A_252 = arith.subf %broadcast_in_dim3A_235, %broadcast_in_dim3A_251 : vector<10016x1xf32>
    %exp3A_253 = math.exp %sub3A_252 : vector<10016x1xf32>
    %mul3A_254 = vector.broadcast %exp3A_253 : vector<10016x1xf32> to vector<10016x64xf32>
    %mul3A_255 = arith.mulf %convert_element_type3A_6, %mul3A_254 : vector<10016x64xf32>
    %reduce_sum3A_256 = arith.constant dense<0.000000e+00> : vector<64xf32>
    %reduce_sum3A_257 = vector.multi_reduction <add>, %mul3A_255, %reduce_sum3A_256 [0] : vector<10016x64xf32> to vector<64xf32>
    %broadcast_in_dim3A_258 = vector.shape_cast %reduce_sum3A_257 : vector<64xf32> to vector<1x64xf32>
    %mul3A_259 = vector.broadcast %broadcast_in_dim3A_258 : vector<1x64xf32> to vector<10016x64xf32>
    %mul3A_260 = arith.mulf %convert_element_type3A_6, %mul3A_259 : vector<10016x64xf32>
    %reduce_sum3A_261 = arith.constant dense<0.000000e+00> : vector<10016xf32>
    %reduce_sum3A_262 = vector.multi_reduction <add>, %mul3A_260, %reduce_sum3A_261 [1] : vector<10016x64xf32> to vector<10016xf32>
    %broadcast_in_dim3A_263 = vector.shape_cast %reduce_sum3A_262 : vector<10016xf32> to vector<10016x1xf32>
    %add3A_264 = arith.constant 1.000000e-16 : f32
    %add3A_265 = vector.broadcast %add3A_264 : f32 to vector<10016x1xf32>
    %add3A_266 = arith.addf %broadcast_in_dim3A_263, %add3A_265 : vector<10016x1xf32>
    %div3A_267 = arith.divf %exp3A_253, %add3A_266 : vector<10016x1xf32>
    %mul3A_268 = vector.broadcast %div3A_267 : vector<10016x1xf32> to vector<10016x64xf32>
    %mul3A_269 = arith.mulf %convert_element_type3A_6, %mul3A_268 : vector<10016x64xf32>
    %dot_general3A_270 = arith.constant dense<0.000000e+00> : vector<64x32xf32>
    %dot_general3A_271 = tpu.matmul %mul3A_269, %get3A_1, %dot_general3A_270 {dimension_numbers = #tpu.dot_dimension_numbers<[0], [0], [1], [1], [0, 1, 1, 1], [], []>, transpose_lhs_hint = false} : vector<10016x64xf32>, vector<10016x32xf32>, vector<64x32xf32> -> vector<64x32xf32>
    %concatenate3A_272 = tpu.concatenate %mul3A_229, %dot_general3A_271 in 1 : vector<64x32xf32>, vector<64x32xf32> -> vector<64x64xf32>
    %get3A_273 = arith.constant 0 : index
    %get3A_274 = arith.constant 0 : index
    %get3A_275 = vector.load %arg6[%get3A_273, %get3A_274] : memref<64x32xf32, #tpu.memory_space<vmem>>, vector<64x32xf32>
    %dot_general3A_276 = arith.constant dense<0.000000e+00> : vector<64x32xf32>
    %dot_general3A_277 = tpu.matmul %concatenate3A_272, %get3A_275, %dot_general3A_276 {dimension_numbers = #tpu.dot_dimension_numbers<[1], [0], [0], [1], [0, 0, 1, 1], [], []>, transpose_lhs_hint = false} : vector<64x64xf32>, vector<64x32xf32>, vector<64x32xf32> -> vector<64x32xf32>
    %get3A_278 = arith.constant 0 : index
    %get3A_279 = arith.constant 0 : index
    %get3A_280 = vector.load %arg7[%get3A_278, %get3A_279] : memref<1x32xf32, #tpu.memory_space<vmem>>, vector<1x32xf32>
    %add3A_281 = vector.broadcast %get3A_280 : vector<1x32xf32> to vector<64x32xf32>
    %add3A_282 = arith.addf %dot_general3A_277, %add3A_281 : vector<64x32xf32>
    %max3A = arith.constant 0.000000e+00 : f32
    %max3A_283 = vector.broadcast %max3A : f32 to vector<64x32xf32>
    %max3A_284 = arith.maximumf %add3A_282, %max3A_283 : vector<64x32xf32>
    %get3A_285 = arith.constant 0 : index
    %get3A_286 = arith.constant 0 : index
    %get3A_287 = vector.load %arg8[%get3A_285, %get3A_286] : memref<32x1xf32, #tpu.memory_space<vmem>>, vector<32x1xf32>
    %dot_general3A_288 = arith.constant dense<0.000000e+00> : vector<64x1xf32>
    %dot_general3A_289 = tpu.matmul %max3A_284, %get3A_287, %dot_general3A_288 {dimension_numbers = #tpu.dot_dimension_numbers<[1], [0], [0], [1], [0, 0, 1, 1], [], []>, transpose_lhs_hint = false} : vector<64x32xf32>, vector<32x1xf32>, vector<64x1xf32> -> vector<64x1xf32>
    %get3A_290 = arith.constant 0 : index
    %get3A_291 = arith.constant 0 : index
    %get3A_292 = vector.load %arg9[%get3A_290, %get3A_291] : memref<1x1xf32, #tpu.memory_space<vmem>>, vector<1x1xf32>
    %add3A_293 = vector.broadcast %get3A_292 : vector<1x1xf32> to vector<64x1xf32>
    %add3A_294 = arith.addf %dot_general3A_289, %add3A_293 : vector<64x1xf32>
    %swap3A = arith.constant 0 : index
    %swap3A_295 = arith.constant 0 : index
    %swap3A_296 = vector.load %arg10[%swap3A, %swap3A_295] : memref<64x1xf32, #tpu.memory_space<vmem>>, vector<64x1xf32>
    tpu.vector_store %arg10[%swap3A, %swap3A_295], %add3A_294 {strides = array<i32>} : memref<64x1xf32, #tpu.memory_space<vmem>>, vector<64x1xf32>,
    return
  }
}

</mosaic_0001>

<sc_bundles>
// kernel: kernel.17.cloned.1.call-start
scs
__scs_entry_jumppad:
0x0: {  	(pc) =	sbr.rel $0x88, $3  }
0x1: {  	(tag) =	ssettag $0x0;
	lr =	simm.s32 $0x1  }
0x2: {  	[smem:$0x3F89] =	sst lr;
	_ =	strace $0xD0000000  }
0x3: {  	_ = 	snop  }
0x4: {  	_ = 	snop  }
0x5: {  	_ = 	snop  }
0x6: {  	_ = 	snop  }
0x7: {  	_ = 	snop  }
__scs_overlays_trampoline_lowered:
0x8: {  	[smem:$0x3F98] =	sst s0  }
0x9: {  	[smem:$0x3F99] =	sst s1  }
0xa: {  	[smem:$0x3F9A] =	sst s2  }
0xb: {  	[smem:$0x3F9B] =	sst s3  }
0xc: {  	[smem:$0x3F9C] =	sst s4  }
0xd: {  	[smem:$0x3F9D] =	sst s5  }
0xe: {  	[smem:$0x3F9E] =	sst s6  }
0xf: {  	[smem:$0x3F9F] =	sst s7  }
0x10: {  	[smem:$0x3FA0] =	sst s8  }
0x11: {  	[smem:$0x3FA1] =	sst s9;
	s0 =	simm.s32 @!p0 $0x0  }
0x12: {  	s1 =	sld [smem:$0x3F87];
	s0 =	simm.s32 @p0 $0x1  }
0x13: {  	[smem:$0x3FA2] =	sst s0;
	s0 =	simm.s32 @!p1 $0x0  }
0x14: {  	s2 =	sld [smem:$0x3F86];
	s0 =	simm.s32 @p1 $0x1  }
0x15: {  	[smem:$0x3FA3] =	sst s0;
	s0 =	simm.s32 @!p2 $0x0  }
0x16: {  	s3 =	sld [smem:$0x3FDB];
	s0 =	simm.s32 @p2 $0x1  }
0x17: {  	s4 =	simm.s32 $0x1BF5;
	[smem:$0x3FA5] =	sst s0  }
0x18: {  	s0 =	sld [smem:$0x3F88];
	_ =	swait.ge [sflag:s4], $0x0  }
0x19: {  	s7 =	sld [smem:$0x3F89]  }
0x1a: {  	s8 =	sadd.s32 $0xFFFFE003, lr  }
0x1b: {  	s9 =	sadd.s32 $0xFFFFFEF7, lr;
	s5 =	simm.s32 $0xFFFFFFFF;
	p2 =	slt.u32 s8, $0xFFFFF086  }
0x1c: {  	p1 =	slt.u32 s9, $0xF7A;
	s5 =	simm.s32 @!p2 $0x0  }
0x1d: {  	s5 =	simm.s32 @p1 $0x1;
	p0 =	seq.s32 s7, s2  }
0x1e: {  	s7 =	smul.u32 @!p0 $0xF7A, s2;
	p2 =	seq.s32 @!p0 s5, $0x0  }
0x1f: {  	s9 =	smul.u32 $0xF7A, s1;
	s8 =	simm.s32 @!p0 $0x1BF5;
	p2 =	por !p2, p0  }
0x20: {  	[sflag:s8] =	ssyncset.s32 @!p0 $0xFFFFF086;
	s6 =	sadd.s32 @!p0 s3, s7;
	s7 =	simm.s32 @!p0 $0x108  }
0x21: {  	s3 =	sadd.s32 s3, s9;
	s6 =	sadd.s32 @!p0 $0x88, s6;
	s7 =	simm.s32 @p2 $0x1082  }
0x22: {  	[simem:s7], [sflag:s8] =	dma.local @!p0 [hbm:s6], $0xF7A  }
0x23: {  	s9 =	sor.u32 $0xD0000000, s2;
	s6 =	simm.s32 $0x108;
	_ =	swait.ge @!p0 [sflag:s8], $0x0  }
0x24: {  	s3 =	sadd.s32 $0x88, s3;
	s6 =	simm.s32 @!p1 $0x1082;
	[sflag:s4] =	ssyncset.s32 $0xFFFFF086  }
0x25: {  	[simem:s6], [sflag:s4] =	dma.local [hbm:s3], $0xF7A  }
0x26: {  	[smem:$0x3F89] =	sst s1;
	(tag) =	ssettag s2;
	_ =	strace s9  }
0x27: {  	s1 =	sld [smem:$0x3F99]  }
0x28: {  	s2 =	sld [smem:$0x3F9A]  }
0x29: {  	s4 =	sld [smem:$0x3F9C]  }
0x2a: {  	p0 =	seq.s32 s5, $0x0;
	s5 =	sld [smem:$0x3F9D]  }
0x2b: {  	s6 =	sld [smem:$0x3F9E]  }
0x2c: {  	s7 =	sld [smem:$0x3F9F]  }
0x2d: {  	s3 =	simm.s32 $0x108;
	s8 =	sld [smem:$0x3FA0]  }
0x2e: {  	s3 =	simm.s32 @!p0 $0x1082;
	s9 =	sld [smem:$0x3FA1]  }
0x2f: {  	lr =	sadd.s32 s0, s3;
	s0 =	sld [smem:$0x3F98]  }
0x30: {  	s3 =	sld [smem:$0x3F9B]  }
0x31: {  	[smem:$0x3FA4] =	sst s10  }
0x32: {  	s10 =	sld [smem:$0x3FA2];
	_ =	sdelay $0x3  }
0x33: {  	p0 =	seq.s32 s10, $0x1;
	s10 =	sld [smem:$0x3FA4];
	_ =	sdelay $0x3  }
0x34: {  	[smem:$0x3FA4] =	sst s10  }
0x35: {  	s10 =	sld [smem:$0x3FA3];
	_ =	sdelay $0x3  }
0x36: {  	p1 =	seq.s32 s10, $0x1;
	s10 =	sld [smem:$0x3FA4];
	_ =	sdelay $0x3  }
0x37: {  	[smem:$0x3FA4] =	sst s10  }
0x38: {  	s10 =	sld [smem:$0x3FA5]  }
0x39: {  	_ = 	snop;
	(pc) =	sbr.ind lr, $3  }
0x3a: {  	_ = 	snop  }
0x3b: {  	_ = 	snop  }
0x3c: {  	p2 =	seq.s32 s10, $0x1;
	s10 =	sld [smem:$0x3FA4]  }
0x3d: {  	_ =	shalt  }
0x3e: {  	_ =	shalt  }
0x3f: {  	_ =	shalt  }
0x40: {  	_ =	shalt  }
0x41: {  	_ =	shalt  }
0x42: {  	_ =	shalt  }
0x43: {  	_ =	shalt  }
0x44: {  	_ =	shalt  }
0x45: {  	_ =	shalt  }
0x46: {  	_ =	shalt  }
0x47: {  	_ =	shalt  }
0x48: {  	_ =	shalt  }
0x49: {  	_ =	shalt  }
0x4a: {  	_ =	shalt  }
0x4b: {  	_ =	shalt  }
0x4c: {  	_ =	shalt  }
0x4d: {  	_ =	shalt  }
0x4e: {  	_ =	shalt  }
0x4f: {  	_ =	shalt  }
0x50: {  	_ =	shalt  }
0x51: {  	_ =	shalt  }
0x52: {  	_ =	shalt  }
0x53: {  	_ =	shalt  }
0x54: {  	_ =	shalt  }
0x55: {  	_ =	shalt  }
0x56: {  	_ =	shalt  }
0x57: {  	_ =	shalt  }
0x58: {  	_ =	shalt  }
0x59: {  	_ =	shalt  }
0x5a: {  	_ =	shalt  }
0x5b: {  	_ =	shalt  }
0x5c: {  	_ =	shalt  }
0x5d: {  	_ =	shalt  }
0x5e: {  	_ =	shalt  }
0x5f: {  	_ =	shalt  }
0x60: {  	_ =	shalt  }
0x61: {  	_ =	shalt  }
0x62: {  	_ =	shalt  }
0x63: {  	_ =	shalt  }
0x64: {  	_ =	shalt  }
0x65: {  	_ =	shalt  }
0x66: {  	_ =	shalt  }
0x67: {  	_ =	shalt  }
0x68: {  	_ =	shalt  }
0x69: {  	_ =	shalt  }
0x6a: {  	_ =	shalt  }
0x6b: {  	_ =	shalt  }
0x6c: {  	_ =	shalt  }
0x6d: {  	_ =	shalt  }
0x6e: {  	_ =	shalt  }
0x6f: {  	_ =	shalt  }
0x70: {  	_ =	shalt  }
0x71: {  	_ =	shalt  }
0x72: {  	_ =	shalt  }
0x73: {  	_ =	shalt  }
0x74: {  	_ =	shalt  }
0x75: {  	_ =	shalt  }
0x76: {  	_ =	shalt  }
0x77: {  	_ =	shalt  }
0x78: {  	_ =	shalt  }
0x79: {  	_ =	shalt  }
0x7a: {  	_ =	shalt  }
0x7b: {  	_ =	shalt  }
0x7c: {  	_ =	shalt  }
0x7d: {  	_ =	shalt  }
0x7e: {  	_ =	shalt  }
0x7f: {  	_ =	shalt  }
0x80: {  	_ =	shalt  }
0x81: {  	_ =	shalt  }
0x82: {  	_ =	shalt  }
0x83: {  	_ =	shalt  }
0x84: {  	_ =	shalt  }
0x85: {  	_ =	shalt  }
0x86: {  	_ =	shalt  }
0x87: {  	_ =	shalt  }
.Lfunc_end0:
.L_simem_size_0:
called_computation_lowered:
.L_overlay_start_0:
0x88: {  	s2 =	sld [smem:$0x3FD9]  }
0x89: {  	s3 =	sld [smem:$0x3FFE];
	_ =	sdelay $0x1  }
0x8a: {  	s1 =	srdreg.scid  }
0x8b: {  	s0 =	sand.u32 $0x1, s1  }
0x8c: {  	s17 =	sshll.u32 s0, $0xA;
	s2 =	sadd.s32 s3, s2  }
0x8d: {  	s2 =	sadd.s32 s2, s17  }
0x8e: {  	[smem:$0x3FB0] =	sst s2  }
0x8f: {  	_ = 	snop  }
0x90: {  	(tm) =	ssettm $0x1  }
0x91: {  	s18 =	sld [smem:$0x3FFB];
	_ =	sdelay $0x3  }
0x92: {  	_ =	strace s18  }
0x93: {  	s2 =	sld [smem:$0x3FFC];
	_ =	sdelay $0x3  }
0x94: {  	_ =	strace s2  }
0x95: {  	s2 =	sld [smem:$0x3FFD];
	_ =	sdelay $0x3  }
0x96: {  	_ =	strace s2  }
0x97: {  	_ =	strace $0x8FFFFFFF  }
0x98: {  	s19 =	sld [smem:$0x3FDB];
	_ =	sdelay $0x1  }
0x99: {  	s20 =	simm.s32 $_scs_section_size  }
0x9a: {  	s4 =	simm.s32 $_size__tile_overlayer_lowered;
	s5 =	simm.s32 $_tile_overlayer_lowered  }
0x9b: {  	s6 =	simm.s32 $0x1BFF;
	s21 =	sshll.u32 s5, $0x1;
	s3 =	sadd.s32 s20, s19  }
0x9c: {  	s22 =	simm.s32 $0x0;
	s4 =	sshll.u32 s4, $0x1;
	s5 =	sadd.s32 s21, s3  }
0x9d: {  	[timem:s22], [sflag:s6] =	dma.local [hbm:s5], s4  }
0x9e: {  	_ =	swait.ge [sflag:s6], s4  }
0x9f: {  	s4 =	ssub.s32 $0x0, s4;
	[sflag:s6] =	ssyncset.done $0x0  }
0xa0: {  	[sflag:s6] =	ssyncadd.s32 s4;
	_ =	sdelay $0x1  }
0xa1: {  	s23 =	simm.s32 $0x1B8B  }
0xa2: {  	_ =	swait.ge [sflag:s23], $0x1  }
0xa3: {  	[sflag:s23] =	ssyncset.done $0x0  }
0xa4: {  	[sflag:s23] =	ssyncadd.s32 $0xFFFFFFFF  }
0xa5: {  	s4 =	sld [smem:$0x0]  }
0xa6: {  	s5 =	sand.u32 $0xFFFFFFFE, s1  }
0xa7: {  	p0 =	sne.s32 s1, s5  }
0xa8: {  	s5 =	sshll.u32 @p0 s5, $0xE  }
0xa9: {  	s5 =	sadd.s32 @p0 $0x11B8D, s5;
	s6 =	sshll.u32 @p0 s4, $0x11  }
0xaa: {  	s5 =	sor.u32 @p0 s6, s5  }
0xab: {  	[sflag:s5] =	ssyncadd.remote.s32 @p0 $0x1;
	_ =	sdelay $0x1  }
0xac: {  	s5 =	simm.s32 @p0 $0x1B8D  }
0xad: {  	_ =	swait.eq @p0 [sflag:s5], $0x1  }
0xae: {  	[sflag:s5] =	ssyncadd.s32 @p0 $0xFFFFFFFF  }
0xaf: {  	s6 =	sshll.u32 @!p0 s1, $0xE  }
0xb0: {  	s6 =	sor.u32 @!p0 $0x4000, s6;
	s5 =	simm.s32 @!p0 $0x1B8D  }
0xb1: {  	s4 =	sshll.u32 @!p0 s4, $0x11;
	s6 =	sadd.s32 @!p0 $0x11B8D, s6;
	_ =	swait.eq @!p0 [sflag:s5], $0x1  }
0xb2: {  	s4 =	sor.u32 @!p0 s4, s6;
	[sflag:s5] =	ssyncadd.s32 @!p0 $0xFFFFFFFF  }
0xb3: {  	s25 =	simm.s32 $0x1B8E;
	s24 =	sld [smem:$0x3FFE];
	[sflag:s4] =	ssyncadd.remote.s32 @!p0 $0x1  }
0xb4: {  	s26 =	simm.s32 $execute0_lowered;
	[smem:$0x3FD2] =	sst s25  }
0xb5: {  	s5 =	sshll.u32 s26, $0x1;
	_ =	strace $0x80000049;
	[dreg:$0x1] =	wrdreg $0xFFFFFFFF  }
0xb6: {  	s28 =	simm.s32 $_size_execute0_lowered;
	s3 =	sadd.s32 s3, s5;
	[dreg:$0x0] =	wrdreg $0x0  }
0xb7: {  	s5 =	sshll.u32 s28, $0x1;
	[dreg:$0x2] =	wrdreg s3  }
0xb8: {  	[dreg:$0x3] =	wrdreg s5  }
0xb9: {  	[dreg:$0x4] =	wrdreg $0xC0  }
0xba: {  	_ =	task [dreg:s22], $0x5FFFF  }
0xbb: {  	[dreg:$0x1] =	wrdreg $0xFFFFFFFF  }
0xbc: {  	[dreg:$0x0] =	wrdreg $0x60  }
0xbd: {  	[dreg:$0x2] =	wrdreg s24  }
0xbe: {  	[dreg:$0x3] =	wrdreg $0x1C000  }
0xbf: {  	[dreg:$0x4] =	wrdreg $0x9  }
0xc0: {  	_ =	task.clear_ibuf [dreg:s22], $0x5FFFF;
	_ =	strace $0x90000049  }
0xc1: {  	s29 =	simm.s32 $0x9;
	_ =	strace $0x8000004B  }
0xc2: {  	_ =	swait.ge [sflag:s29], $0x1  }
0xc3: {  	[sflag:s29] =	ssyncadd.s32 $0xFFFFFFFF  }
0xc4: {  	_ =	strace $0x9000004B  }
0xc5: {  	_ =	sfence  }
0xc6: {  	s30 =	sld [smem:$0x0];
	_ =	sdelay $0x2  }
0xc7: {  	s31 =	sshll.u32 s1, $0xD;
	s1 =	sshrl.u32 s1, $0x2  }
0xc8: {  	s4 =	sand.u32 $0x4000, s31;
	s1 =	sadd.s32 s1, s30  }
0xc9: {  	s0 =	sor.u32 s4, s0;
	s1 =	sshll.u32 s1, $0x11  }
0xca: {  	s0 =	sor.u32 s1, s0  }
0xcb: {  	s0 =	sadd.s32 $0x8F2B, s0  }
0xcc: {  	[sflag:s0] =	ssyncadd.remote.s32 $0x1  }
0xcd: {  	_ =	sfence.sel $0xFFFF  }
0xce: {  	[dreg:$0x0] =	wrdreg $0xFFFFFFFF;
	(pc) =	sbr.abs _section_cstart, $3  }
0xcf: {  	[dreg:$0x1] =	wrdreg $0xFFFFFFFF  }
0xd0: {  	_ =	task.clear_ibuf [dreg:s22], $0x2FFFF;
	_ =	strace $0x9FFFFFFF  }
0xd1: {  	(tm) =	ssettm $0x7FFFFFFF  }
tec
execute0_lowered:
.L_overlay_start_1:
0x0: {  	(tag) =	ssettag $0x1  }
0x1: {  	s1 =	srdreg.scid  }
0x2: {  	s0 =	stileid.u32;
	s6 =	rddreg [dreg:$0x0]  }
0x3: {  	s2 =	rddreg [dreg:$0x1];
	s3 =	simm.s32 $0x0;
	s13 =	simm.s32 $0x80  }
0x4: {  	s14 =	simm.s32 $0x0;
	s5 =	sand.u32 $0x1, s1;
	s29 =	sshll.u32 s0, $0x1  }
0x5: {  	s8 =	smul.u32 $0x2720, s0;
	[smem:$0x7FF] =	sst s3;
	s4 =	sadd.s32 $0x2C9400, s6  }
0x6: {  	s11 =	sshll.u32 s0, $0x6;
	s1 =	sor.u32 s5, s29;
	s9 =	smul.u32 $0x27200, s5  }
0x7: {  	s5 =	ssub.s32 $0x2, s5;
	s7 =	smul.u32 $0x280, s1;
	s1 =	rddreg [dreg:$0x2]  }
0x8: {  	_ =	strace $0x8000004A;
	s10 =	sshrl.u32 s8, $0x3;
	s30 =	sshrl.u32 s5, $0x1  }
0x9: {  	s31 =	sadd.s32 s8, s2;
	s9 =	sadd.s32 s8, s9;
	s10 =	sadd.s32 s10, s6  }
0xa: {  	s12 =	ssub.s32 s5, s30;
	s7 =	sadd.s32 s7, s6;
	s9 =	sshrl.u32 s9, $0x3  }
0xb: {  	s5 =	sadd.s32 $0x2C4400, s10;
	s10 =	sshrl.u32 s31, $0x3;
	s9 =	sadd.s32 s9, s6  }
0xc: {  	s6 =	sor.u32 $0x1C01, s11;
	s7 =	sadd.s32 $0x2BF400, s7;
	s11 =	simm.s32 $0x1  }
0xd: {  	s8 =	sadd.s32 $0x2C9600, s9;
	s9 =	smax.u32 s12, $0x1;
	s12 =	simm.s32 $0x1400  }
.LBB2_1:
0xe: {  	[spmem:s10], [sflag:s6] =	dma.local [hbm:s5], $0x4E4  }
0xf: {  	_ =	swait.ge [sflag:s11], $0x4E4  }
0x10: {  	[sflag:s11] =	ssyncset.done $0x0  }
0x11: {  	[sflag:s11] =	ssyncadd.s32 $0xFFFFFB1C  }
0x12: {  	[tilespmem:s3], [sflag:$0x1] =	stream.linear.gather [hbm4b:s7+s3], $0x1400, $0x38;
	[tilespmem:$0x4320] =	vst v63  }
0x13: {  	_ =	swait.ge [sflag:s11], $0x1400  }
0x14: {  	[sflag:s11] =	ssyncset.done $0x0  }
0x15: {  	[sflag:s11] =	ssyncadd.s32 $0xFFFFEC00  }
0x16: {  	[tilespmem:s12], [sflag:$0x1] =	stream.linear.gather [hbm4b:s4+s3], $0x800, $0x38;
	[tilespmem:$0x4320] =	vst v63  }
0x17: {  	_ =	swait.ge [sflag:s11], $0x800  }
0x18: {  	[sflag:s11] =	ssyncset.done $0x0  }
0x19: {  	[sflag:s11] =	ssyncadd.s32 $0xFFFFF800  }
0x1a: {  	s15 =	simm.s32 $0x0;
	[bflag:$0x0] =	sbarrier.arrive $0xFFFF  }
0x1b: {  	[spmem:s2] =	stream.indirect.scatter.add.f32 [tilespmem:s12], [sflag:$0x1], $0x10, s15, s13, $0xb8;
	[tilespmem:$0x4320] =	vst v63  }
0x1c: {  	_ =	swait.ge [sflag:s11], $0x800  }
0x1d: {  	s15 =	simm.s32 $0x200;
	[sflag:s11] =	ssyncset.done $0x0  }
.LBB2_2:
0x1e: {  	s16 =	sshra.s32 s15, $0x2;
	[sflag:s11] =	ssyncadd.s32 $0xFFFFF800;
	p0 =	sne.s32 s15, $0x4E00  }
0x1f: {  	[spmem:s2] =	stream.indirect.scatter.add.f32 [tilespmem:s12], [sflag:$0x1], $0x10, s16, s13, $0xb8;
	[tilespmem:$0x4320] =	vst v63  }
.Ltmp0:
0x20: {  	_ = 	snop;
	(pc) =	sbr.rel @p0 .LBB2_2-.Ltmp0, $4  }
0x21: {  	_ = 	snop  }
0x22: {  	s15 =	sadd.s32 $0x200, s15  }
0x23: {  	_ =	swait.ge [sflag:s11], $0x800  }
0x24: {  	[sflag:s11] =	ssyncset.done $0x0  }
0x25: {  	s14 =	sadd.s32 $0x1, s14  }
0x26: {  	[sflag:s11] =	ssyncadd.s32 $0xFFFFF800;
	p0 =	sne.s32 s14, s9  }
.Ltmp1:
0x27: {  	[bflag:$0x0] =	sbarrier.arrive $0xFFFF;
	(pc) =	sbr.rel @p0 .LBB2_1-.Ltmp1, $4  }
0x28: {  	[hbm:s8], [sflag:s6] =	dma.local [spmem:s10], $0x4E4  }
0x29: {  	_ =	swait.ge [sflag:s11], $0x4E4  }
0x2a: {  	[sflag:s11] =	ssyncset.done $0x0  }
0x2b: {  	[sflag:s11] =	ssyncadd.s32 $0xFFFFFB1C  }
0x2c: {  	_ =	sfence.sel $0x180000  }
0x2d: {  	[bflag:$0x0] =	sbarrier.arrive $0xFFFF  }
0x2e: {  	p0 =	sne.s32 s0, $0x0;
	_ =	strace $0x9000004A  }
0x2f: {  	s0 =	sadd.s32 @!p0 $0x100000, s1;
	[bflag:$0x2] =	sbarrier.arrive $0xFFFF  }
0x30: {  	[sflag:s0] =	ssyncadd.tile.s32 @!p0 $0x1;
	_ =	shalt  }
.Lfunc_end2:
_tile_overlayer_lowered:
.L_overlay_start_2:
0x31: {  	(tag) =	ssettag $0x2  }
0x32: {  	s0 =	rddreg [dreg:$0x0];
	s2 =	stileid.u32  }
0x33: {  	s1 =	rddreg [dreg:$0x1];
	p0 =	sne.s32 s2, $0x0  }
0x34: {  	s3 =	rddreg [dreg:$0x2];
	[bflag:$0x3] =	sbarrier.arrive $0xFFFF;
	s2 =	simm.s32 @!p0 $0x1C01  }
0x35: {  	[timem:s3], [sflag:s2] =	dma.local @!p0 [hbm:s0], s1  }
0x36: {  	s0 =	simm.s32 @!p0 $0x1  }
0x37: {  	_ =	swait.ge @!p0 [sflag:s0], s1  }
0x38: {  	s1 =	ssub.s32 @!p0 $0x0, s1;
	[sflag:s0] =	ssyncset.done @!p0 $0x0  }
0x39: {  	[sflag:s0] =	ssyncadd.s32 @!p0 s1  }
0x3a: {  	[bflag:$0x3] =	sbarrier.arrive $0xFFFF  }
0x3b: {  	_ =	shalt  }

// kernel: kernel.20.cloned.1.call-start
scs
__scs_entry_jumppad:
0x0: {  	(pc) =	sbr.rel $0x88, $3  }
0x1: {  	(tag) =	ssettag $0x0;
	lr =	simm.s32 $0x1  }
0x2: {  	[smem:$0x3F89] =	sst lr;
	_ =	strace $0xD0000000  }
0x3: {  	_ = 	snop  }
0x4: {  	_ = 	snop  }
0x5: {  	_ = 	snop  }
0x6: {  	_ = 	snop  }
0x7: {  	_ = 	snop  }
__scs_overlays_trampoline_lowered:
0x8: {  	[smem:$0x3F98] =	sst s0  }
0x9: {  	[smem:$0x3F99] =	sst s1  }
0xa: {  	[smem:$0x3F9A] =	sst s2  }
0xb: {  	[smem:$0x3F9B] =	sst s3  }
0xc: {  	[smem:$0x3F9C] =	sst s4  }
0xd: {  	[smem:$0x3F9D] =	sst s5  }
0xe: {  	[smem:$0x3F9E] =	sst s6  }
0xf: {  	[smem:$0x3F9F] =	sst s7  }
0x10: {  	[smem:$0x3FA0] =	sst s8  }
0x11: {  	[smem:$0x3FA1] =	sst s9;
	s0 =	simm.s32 @!p0 $0x0  }
0x12: {  	s1 =	sld [smem:$0x3F87];
	s0 =	simm.s32 @p0 $0x1  }
0x13: {  	[smem:$0x3FA2] =	sst s0;
	s0 =	simm.s32 @!p1 $0x0  }
0x14: {  	s2 =	sld [smem:$0x3F86];
	s0 =	simm.s32 @p1 $0x1  }
0x15: {  	[smem:$0x3FA3] =	sst s0;
	s0 =	simm.s32 @!p2 $0x0  }
0x16: {  	s3 =	sld [smem:$0x3FDB];
	s0 =	simm.s32 @p2 $0x1  }
0x17: {  	s4 =	simm.s32 $0x1BF5;
	[smem:$0x3FA5] =	sst s0  }
0x18: {  	s0 =	sld [smem:$0x3F88];
	_ =	swait.ge [sflag:s4], $0x0  }
0x19: {  	s7 =	sld [smem:$0x3F89]  }
0x1a: {  	s8 =	sadd.s32 $0xFFFFE003, lr  }
0x1b: {  	s9 =	sadd.s32 $0xFFFFFEF7, lr;
	s5 =	simm.s32 $0xFFFFFFFF;
	p2 =	slt.u32 s8, $0xFFFFF086  }
0x1c: {  	p1 =	slt.u32 s9, $0xF7A;
	s5 =	simm.s32 @!p2 $0x0  }
0x1d: {  	s5 =	simm.s32 @p1 $0x1;
	p0 =	seq.s32 s7, s2  }
0x1e: {  	s7 =	smul.u32 @!p0 $0xF7A, s2;
	p2 =	seq.s32 @!p0 s5, $0x0  }
0x1f: {  	s9 =	smul.u32 $0xF7A, s1;
	s8 =	simm.s32 @!p0 $0x1BF5;
	p2 =	por !p2, p0  }
0x20: {  	[sflag:s8] =	ssyncset.s32 @!p0 $0xFFFFF086;
	s6 =	sadd.s32 @!p0 s3, s7;
	s7 =	simm.s32 @!p0 $0x108  }
0x21: {  	s3 =	sadd.s32 s3, s9;
	s6 =	sadd.s32 @!p0 $0x88, s6;
	s7 =	simm.s32 @p2 $0x1082  }
0x22: {  	[simem:s7], [sflag:s8] =	dma.local @!p0 [hbm:s6], $0xF7A  }
0x23: {  	s9 =	sor.u32 $0xD0000000, s2;
	s6 =	simm.s32 $0x108;
	_ =	swait.ge @!p0 [sflag:s8], $0x0  }
0x24: {  	s3 =	sadd.s32 $0x88, s3;
	s6 =	simm.s32 @!p1 $0x1082;
	[sflag:s4] =	ssyncset.s32 $0xFFFFF086  }
0x25: {  	[simem:s6], [sflag:s4] =	dma.local [hbm:s3], $0xF7A  }
0x26: {  	[smem:$0x3F89] =	sst s1;
	(tag) =	ssettag s2;
	_ =	strace s9  }
0x27: {  	s1 =	sld [smem:$0x3F99]  }
0x28: {  	s2 =	sld [smem:$0x3F9A]  }
0x29: {  	s4 =	sld [smem:$0x3F9C]  }
0x2a: {  	p0 =	seq.s32 s5, $0x0;
	s5 =	sld [smem:$0x3F9D]  }
0x2b: {  	s6 =	sld [smem:$0x3F9E]  }
0x2c: {  	s7 =	sld [smem:$0x3F9F]  }
0x2d: {  	s3 =	simm.s32 $0x108;
	s8 =	sld [smem:$0x3FA0]  }
0x2e: {  	s3 =	simm.s32 @!p0 $0x1082;
	s9 =	sld [smem:$0x3FA1]  }
0x2f: {  	lr =	sadd.s32 s0, s3;
	s0 =	sld [smem:$0x3F98]  }
0x30: {  	s3 =	sld [smem:$0x3F9B]  }
0x31: {  	[smem:$0x3FA4] =	sst s10  }
0x32: {  	s10 =	sld [smem:$0x3FA2];
	_ =	sdelay $0x3  }
0x33: {  	p0 =	seq.s32 s10, $0x1;
	s10 =	sld [smem:$0x3FA4];
	_ =	sdelay $0x3  }
0x34: {  	[smem:$0x3FA4] =	sst s10  }
0x35: {  	s10 =	sld [smem:$0x3FA3];
	_ =	sdelay $0x3  }
0x36: {  	p1 =	seq.s32 s10, $0x1;
	s10 =	sld [smem:$0x3FA4];
	_ =	sdelay $0x3  }
0x37: {  	[smem:$0x3FA4] =	sst s10  }
0x38: {  	s10 =	sld [smem:$0x3FA5]  }
0x39: {  	_ = 	snop;
	(pc) =	sbr.ind lr, $3  }
0x3a: {  	_ = 	snop  }
0x3b: {  	_ = 	snop  }
0x3c: {  	p2 =	seq.s32 s10, $0x1;
	s10 =	sld [smem:$0x3FA4]  }
0x3d: {  	_ =	shalt  }
0x3e: {  	_ =	shalt  }
0x3f: {  	_ =	shalt  }
0x40: {  	_ =	shalt  }
0x41: {  	_ =	shalt  }
0x42: {  	_ =	shalt  }
0x43: {  	_ =	shalt  }
0x44: {  	_ =	shalt  }
0x45: {  	_ =	shalt  }
0x46: {  	_ =	shalt  }
0x47: {  	_ =	shalt  }
0x48: {  	_ =	shalt  }
0x49: {  	_ =	shalt  }
0x4a: {  	_ =	shalt  }
0x4b: {  	_ =	shalt  }
0x4c: {  	_ =	shalt  }
0x4d: {  	_ =	shalt  }
0x4e: {  	_ =	shalt  }
0x4f: {  	_ =	shalt  }
0x50: {  	_ =	shalt  }
0x51: {  	_ =	shalt  }
0x52: {  	_ =	shalt  }
0x53: {  	_ =	shalt  }
0x54: {  	_ =	shalt  }
0x55: {  	_ =	shalt  }
0x56: {  	_ =	shalt  }
0x57: {  	_ =	shalt  }
0x58: {  	_ =	shalt  }
0x59: {  	_ =	shalt  }
0x5a: {  	_ =	shalt  }
0x5b: {  	_ =	shalt  }
0x5c: {  	_ =	shalt  }
0x5d: {  	_ =	shalt  }
0x5e: {  	_ =	shalt  }
0x5f: {  	_ =	shalt  }
0x60: {  	_ =	shalt  }
0x61: {  	_ =	shalt  }
0x62: {  	_ =	shalt  }
0x63: {  	_ =	shalt  }
0x64: {  	_ =	shalt  }
0x65: {  	_ =	shalt  }
0x66: {  	_ =	shalt  }
0x67: {  	_ =	shalt  }
0x68: {  	_ =	shalt  }
0x69: {  	_ =	shalt  }
0x6a: {  	_ =	shalt  }
0x6b: {  	_ =	shalt  }
0x6c: {  	_ =	shalt  }
0x6d: {  	_ =	shalt  }
0x6e: {  	_ =	shalt  }
0x6f: {  	_ =	shalt  }
0x70: {  	_ =	shalt  }
0x71: {  	_ =	shalt  }
0x72: {  	_ =	shalt  }
0x73: {  	_ =	shalt  }
0x74: {  	_ =	shalt  }
0x75: {  	_ =	shalt  }
0x76: {  	_ =	shalt  }
0x77: {  	_ =	shalt  }
0x78: {  	_ =	shalt  }
0x79: {  	_ =	shalt  }
0x7a: {  	_ =	shalt  }
0x7b: {  	_ =	shalt  }
0x7c: {  	_ =	shalt  }
0x7d: {  	_ =	shalt  }
0x7e: {  	_ =	shalt  }
0x7f: {  	_ =	shalt  }
0x80: {  	_ =	shalt  }
0x81: {  	_ =	shalt  }
0x82: {  	_ =	shalt  }
0x83: {  	_ =	shalt  }
0x84: {  	_ =	shalt  }
0x85: {  	_ =	shalt  }
0x86: {  	_ =	shalt  }
0x87: {  	_ =	shalt  }
.Lfunc_end0:
.L_simem_size_0:
called_computation.1_lowered:
.L_overlay_start_0:
0x88: {  	s2 =	sld [smem:$0x3FD9]  }
0x89: {  	s3 =	sld [smem:$0x3FFE];
	_ =	sdelay $0x1  }
0x8a: {  	s1 =	srdreg.scid  }
0x8b: {  	s0 =	sand.u32 $0x1, s1  }
0x8c: {  	s16 =	sshll.u32 s0, $0xA;
	s2 =	sadd.s32 s3, s2  }
0x8d: {  	s2 =	sadd.s32 s2, s16  }
0x8e: {  	[smem:$0x3FB0] =	sst s2  }
0x8f: {  	_ = 	snop  }
0x90: {  	(tm) =	ssettm $0x1  }
0x91: {  	s17 =	sld [smem:$0x3FFB];
	_ =	sdelay $0x3  }
0x92: {  	_ =	strace s17  }
0x93: {  	s2 =	sld [smem:$0x3FFC];
	_ =	sdelay $0x3  }
0x94: {  	_ =	strace s2  }
0x95: {  	s2 =	sld [smem:$0x3FFD];
	_ =	sdelay $0x3  }
0x96: {  	_ =	strace s2  }
0x97: {  	_ =	strace $0x8FFFFFFF  }
0x98: {  	s18 =	sld [smem:$0x3FDB];
	_ =	sdelay $0x1  }
0x99: {  	s19 =	simm.s32 $_scs_section_size  }
0x9a: {  	s4 =	simm.s32 $_size__tile_overlayer_lowered;
	s5 =	simm.s32 $_tile_overlayer_lowered  }
0x9b: {  	s22 =	simm.s32 $0x1BFF;
	s21 =	sshll.u32 s5, $0x1;
	s2 =	sadd.s32 s19, s18  }
0x9c: {  	s6 =	simm.s32 $0x0;
	s20 =	sshll.u32 s4, $0x1;
	s4 =	sadd.s32 s21, s2  }
0x9d: {  	[timem:s6], [sflag:s22] =	dma.local [hbm:s4], s20  }
0x9e: {  	_ =	swait.ge [sflag:s22], s20  }
0x9f: {  	s3 =	ssub.s32 $0x0, s20;
	[sflag:s22] =	ssyncset.done $0x0  }
0xa0: {  	[sflag:s22] =	ssyncadd.s32 s3;
	_ =	sdelay $0x1  }
0xa1: {  	s23 =	simm.s32 $0x1B8B  }
0xa2: {  	_ =	swait.ge [sflag:s23], $0x1  }
0xa3: {  	[sflag:s23] =	ssyncset.done $0x0  }
0xa4: {  	s25 =	simm.s32 $0x1B8E;
	s24 =	sld [smem:$0x3FFE];
	[sflag:s23] =	ssyncadd.s32 $0xFFFFFFFF  }
0xa5: {  	s26 =	simm.s32 $execute0_lowered;
	[smem:$0x3FD2] =	sst s25  }
0xa6: {  	s4 =	sshll.u32 s26, $0x1;
	_ =	strace $0x80000046;
	[dreg:$0x1] =	wrdreg $0xFFFFFFFF  }
0xa7: {  	s28 =	simm.s32 $_size_execute0_lowered;
	s2 =	sadd.s32 s2, s4;
	[dreg:$0x0] =	wrdreg $0x0  }
0xa8: {  	s4 =	sshll.u32 s28, $0x1;
	[dreg:$0x2] =	wrdreg s2  }
0xa9: {  	[dreg:$0x3] =	wrdreg s4  }
0xaa: {  	[dreg:$0x4] =	wrdreg $0xC0  }
0xab: {  	_ =	task [dreg:s6], $0x5FFFF  }
0xac: {  	[dreg:$0x1] =	wrdreg $0xFFFFFFFF  }
0xad: {  	[dreg:$0x0] =	wrdreg $0x60  }
0xae: {  	[dreg:$0x2] =	wrdreg s24  }
0xaf: {  	[dreg:$0x3] =	wrdreg $0xA  }
0xb0: {  	_ =	task.clear_ibuf [dreg:s6], $0x4FFFF;
	_ =	strace $0x90000046  }
0xb1: {  	s29 =	simm.s32 $0xA;
	_ =	strace $0x80000048  }
0xb2: {  	_ =	swait.ge [sflag:s29], $0x1  }
0xb3: {  	[sflag:s29] =	ssyncadd.s32 $0xFFFFFFFF  }
0xb4: {  	_ =	strace $0x90000048  }
0xb5: {  	_ =	sfence  }
0xb6: {  	s30 =	sld [smem:$0x0];
	_ =	sdelay $0x2  }
0xb7: {  	s31 =	sshll.u32 s1, $0xD;
	s1 =	sshrl.u32 s1, $0x2  }
0xb8: {  	s3 =	sand.u32 $0x4000, s31;
	s1 =	sadd.s32 s1, s30  }
0xb9: {  	s0 =	sor.u32 s3, s0;
	s1 =	sshll.u32 s1, $0x11  }
0xba: {  	s0 =	sor.u32 s1, s0  }
0xbb: {  	s0 =	sadd.s32 $0x8F2B, s0  }
0xbc: {  	[sflag:s0] =	ssyncadd.remote.s32 $0x1  }
0xbd: {  	_ =	sfence.sel $0xFFFF  }
0xbe: {  	[dreg:$0x0] =	wrdreg $0xFFFFFFFF;
	(pc) =	sbr.abs _section_cstart, $3  }
0xbf: {  	[dreg:$0x1] =	wrdreg $0xFFFFFFFF  }
0xc0: {  	_ =	task.clear_ibuf [dreg:s6], $0x2FFFF;
	_ =	strace $0x9FFFFFFF  }
0xc1: {  	(tm) =	ssettm $0x7FFFFFFF  }
tec
execute0_lowered:
.L_overlay_start_1:
0x0: {  	(tag) =	ssettag $0x1  }
0x1: {  	s1 =	srdreg.scid;
	s0 =	stileid.u32  }
0x2: {  	s4 =	rddreg [dreg:$0x0];
	s2 =	simm.s32 $0x0;
	s10 =	simm.s32 $0x1  }
0x3: {  	s11 =	simm.s32 $0x20;
	s3 =	sand.u32 $0x1, s1;
	s1 =	rddreg [dreg:$0x1]  }
0x4: {  	s12 =	simm.s32 $0x0;
	s30 =	sshll.u32 s0, $0x1;
	[smem:$0x7FF] =	sst s2  }
0x5: {  	s6 =	smul.u32 $0x28000, s0;
	s5 =	sor.u32 s3, s30;
	_ =	strace $0x80000047  }
0x6: {  	s7 =	ssub.s32 $0x2, s3;
	s8 =	smul.u32 $0x14000, s3;
	s3 =	sadd.s32 $0x30600, s4  }
0x7: {  	s5 =	smul.u32 $0x280, s5;
	s6 =	sadd.s32 s6, s4;
	s9 =	sshrl.u32 s7, $0x1  }
0x8: {  	s31 =	ssub.s32 s7, s9;
	s6 =	sadd.s32 s8, s6;
	s7 =	simm.s32 $0x2  }
0x9: {  	s8 =	simm.s32 $0x80;
	s9 =	simm.s32 $0x1400;
	s4 =	sadd.s32 s5, s4  }
0xa: {  	s5 =	smax.u32 s31, $0x1;
	s6 =	sadd.s32 $0x3F400, s6;
	s4 =	sadd.s32 $0x3A400, s4  }
.LBB2_1:
0xb: {  	[tilespmem:s2], [sflag:$0x2] =	stream.linear.gather [hbm4b:s4+s2], $0x1400, $0x38;
	[tilespmem:$0x9400] =	vst v63  }
0xc: {  	_ =	swait.ge [sflag:s7], $0x1400  }
0xd: {  	[sflag:s7] =	ssyncset.done $0x0  }
0xe: {  	s13 =	simm.s32 $0x0;
	[sflag:s7] =	ssyncadd.s32 $0xFFFFEC00  }
0xf: {  	[tilespmem:s9], [sflag:$0x1] =	stream.indirect.gather [hbm4b:s3+s8], $0x20, s13, s8, $0xb8;
	[tilespmem:$0x9400] =	vst v63  }
0x10: {  	_ =	swait.ge [sflag:s10], $0x1000  }
0x11: {  	[sflag:s10] =	ssyncset.done $0x0  }
0x12: {  	[sflag:s10] =	ssyncadd.s32 $0xFFFFF000  }
0x13: {  	[hbm4b:s6+s11] =	stream.strided.scatter [tilespmem:s9], [sflag:$0x2], $0x1000, s8, s11, $0x38;
	[tilespmem:$0x9400] =	vst v63  }
0x14: {  	s14 =	simm.s32 $0x200;
	_ =	swait.ge [sflag:s7], $0x1000  }
0x15: {  	s15 =	simm.s32 $0x400;
	s13 =	sadd.s32 $0x800, s6;
	[sflag:s7] =	ssyncset.done $0x0  }
.LBB2_2:
0x16: {  	s16 =	sshra.s32 s14, $0x2  }
0x17: {  	[sflag:s7] =	ssyncadd.s32 $0xFFFFF000;
	s14 =	smov.u32 s15;
	s17 =	sadd.s32 $0x200, s15  }
0x18: {  	[tilespmem:s9], [sflag:$0x1] =	stream.indirect.gather [hbm4b:s3+s8], $0x20, s16, s8, $0xb8;
	[tilespmem:$0x9400] =	vst v63  }
0x19: {  	p0 =	sne.s32 s15, $0x4E00;
	_ =	swait.ge [sflag:s10], $0x1000  }
.Ltmp0:
0x1a: {  	[sflag:s10] =	ssyncset.done $0x0;
	(pc) =	sbr.rel @p0 .LBB2_2-.Ltmp0, $4  }
0x1b: {  	[sflag:s10] =	ssyncadd.s32 $0xFFFFF000  }
0x1c: {  	[hbm4b:s13+s11] =	stream.strided.scatter [tilespmem:s9], [sflag:$0x2], $0x1000, s8, s11, $0x38;
	[tilespmem:$0x9400] =	vst v63  }
0x1d: {  	_ =	swait.ge [sflag:s7], $0x1000  }
0x1e: {  	s15 =	smov.u32 s17;
	s13 =	sadd.s32 $0x800, s13;
	[sflag:s7] =	ssyncset.done $0x0  }
0x1f: {  	s14 =	sshra.s32 s14, $0x2;
	[sflag:s7] =	ssyncadd.s32 $0xFFFFF000  }
0x20: {  	[tilespmem:s9], [sflag:$0x1] =	stream.indirect.gather [hbm4b:s3+s8], $0x20, s14, s8, $0xb8;
	[tilespmem:$0x9400] =	vst v63  }
0x21: {  	s12 =	sadd.s32 $0x1, s12;
	_ =	swait.ge [sflag:s10], $0x1000  }
0x22: {  	p0 =	sne.s32 s12, s5;
	[sflag:s10] =	ssyncset.done $0x0  }
.Ltmp1:
0x23: {  	[sflag:s10] =	ssyncadd.s32 $0xFFFFF000;
	(pc) =	sbr.rel @p0 .LBB2_1-.Ltmp1, $4  }
0x24: {  	[hbm4b:s13+s11] =	stream.strided.scatter [tilespmem:s9], [sflag:$0x2], $0x1000, s8, s11, $0x38;
	[tilespmem:$0x9400] =	vst v63  }
0x25: {  	_ =	swait.ge [sflag:s7], $0x1000  }
0x26: {  	[sflag:s7] =	ssyncset.done $0x0  }
0x27: {  	[sflag:s7] =	ssyncadd.s32 $0xFFFFF000  }
0x28: {  	_ =	sfence.sel $0x180000  }
0x29: {  	[bflag:$0x0] =	sbarrier.arrive $0xFFFF  }
0x2a: {  	p0 =	sne.s32 s0, $0x0;
	_ =	strace $0x90000047  }
0x2b: {  	s0 =	sadd.s32 @!p0 $0x100000, s1;
	[bflag:$0x2] =	sbarrier.arrive $0xFFFF  }
0x2c: {  	[sflag:s0] =	ssyncadd.tile.s32 @!p0 $0x1;
	_ =	shalt  }
.Lfunc_end2:
_tile_overlayer_lowered:
.L_overlay_start_2:
0x2d: {  	(tag) =	ssettag $0x2  }
0x2e: {  	s0 =	rddreg [dreg:$0x0];
	s2 =	stileid.u32  }
0x2f: {  	s1 =	rddreg [dreg:$0x1];
	p0 =	sne.s32 s2, $0x0  }
0x30: {  	s3 =	rddreg [dreg:$0x2];
	[bflag:$0x3] =	sbarrier.arrive $0xFFFF;
	s2 =	simm.s32 @!p0 $0x1C02  }
0x31: {  	[timem:s3], [sflag:s2] =	dma.local @!p0 [hbm:s0], s1  }
0x32: {  	s0 =	simm.s32 @!p0 $0x2  }
0x33: {  	_ =	swait.ge @!p0 [sflag:s0], s1  }
0x34: {  	s1 =	ssub.s32 @!p0 $0x0, s1;
	[sflag:s0] =	ssyncset.done @!p0 $0x0  }
0x35: {  	[sflag:s0] =	ssyncadd.s32 @!p0 s1  }
0x36: {  	[bflag:$0x3] =	sbarrier.arrive $0xFFFF  }
0x37: {  	_ =	shalt  }

// kernel: kernel.23.cloned.1.call-start
scs
__scs_entry_jumppad:
0x0: {  	(pc) =	sbr.rel $0x88, $3  }
0x1: {  	(tag) =	ssettag $0x0;
	lr =	simm.s32 $0x1  }
0x2: {  	[smem:$0x3F89] =	sst lr;
	_ =	strace $0xD0000000  }
0x3: {  	_ = 	snop  }
0x4: {  	_ = 	snop  }
0x5: {  	_ = 	snop  }
0x6: {  	_ = 	snop  }
0x7: {  	_ = 	snop  }
__scs_overlays_trampoline_lowered:
0x8: {  	[smem:$0x3F98] =	sst s0  }
0x9: {  	[smem:$0x3F99] =	sst s1  }
0xa: {  	[smem:$0x3F9A] =	sst s2  }
0xb: {  	[smem:$0x3F9B] =	sst s3  }
0xc: {  	[smem:$0x3F9C] =	sst s4  }
0xd: {  	[smem:$0x3F9D] =	sst s5  }
0xe: {  	[smem:$0x3F9E] =	sst s6  }
0xf: {  	[smem:$0x3F9F] =	sst s7  }
0x10: {  	[smem:$0x3FA0] =	sst s8  }
0x11: {  	[smem:$0x3FA1] =	sst s9;
	s0 =	simm.s32 @!p0 $0x0  }
0x12: {  	s1 =	sld [smem:$0x3F87];
	s0 =	simm.s32 @p0 $0x1  }
0x13: {  	[smem:$0x3FA2] =	sst s0;
	s0 =	simm.s32 @!p1 $0x0  }
0x14: {  	s2 =	sld [smem:$0x3F86];
	s0 =	simm.s32 @p1 $0x1  }
0x15: {  	[smem:$0x3FA3] =	sst s0;
	s0 =	simm.s32 @!p2 $0x0  }
0x16: {  	s3 =	sld [smem:$0x3FDB];
	s0 =	simm.s32 @p2 $0x1  }
0x17: {  	s4 =	simm.s32 $0x1BF5;
	[smem:$0x3FA5] =	sst s0  }
0x18: {  	s0 =	sld [smem:$0x3F88];
	_ =	swait.ge [sflag:s4], $0x0  }
0x19: {  	s7 =	sld [smem:$0x3F89]  }
0x1a: {  	s8 =	sadd.s32 $0xFFFFE003, lr  }
0x1b: {  	s9 =	sadd.s32 $0xFFFFFEF7, lr;
	s5 =	simm.s32 $0xFFFFFFFF;
	p2 =	slt.u32 s8, $0xFFFFF086  }
0x1c: {  	p1 =	slt.u32 s9, $0xF7A;
	s5 =	simm.s32 @!p2 $0x0  }
0x1d: {  	s5 =	simm.s32 @p1 $0x1;
	p0 =	seq.s32 s7, s2  }
0x1e: {  	s7 =	smul.u32 @!p0 $0xF7A, s2;
	p2 =	seq.s32 @!p0 s5, $0x0  }
0x1f: {  	s9 =	smul.u32 $0xF7A, s1;
	s8 =	simm.s32 @!p0 $0x1BF5;
	p2 =	por !p2, p0  }
0x20: {  	[sflag:s8] =	ssyncset.s32 @!p0 $0xFFFFF086;
	s6 =	sadd.s32 @!p0 s3, s7;
	s7 =	simm.s32 @!p0 $0x108  }
0x21: {  	s3 =	sadd.s32 s3, s9;
	s6 =	sadd.s32 @!p0 $0x88, s6;
	s7 =	simm.s32 @p2 $0x1082  }
0x22: {  	[simem:s7], [sflag:s8] =	dma.local @!p0 [hbm:s6], $0xF7A  }
0x23: {  	s9 =	sor.u32 $0xD0000000, s2;
	s6 =	simm.s32 $0x108;
	_ =	swait.ge @!p0 [sflag:s8], $0x0  }
0x24: {  	s3 =	sadd.s32 $0x88, s3;
	s6 =	simm.s32 @!p1 $0x1082;
	[sflag:s4] =	ssyncset.s32 $0xFFFFF086  }
0x25: {  	[simem:s6], [sflag:s4] =	dma.local [hbm:s3], $0xF7A  }
0x26: {  	[smem:$0x3F89] =	sst s1;
	(tag) =	ssettag s2;
	_ =	strace s9  }
0x27: {  	s1 =	sld [smem:$0x3F99]  }
0x28: {  	s2 =	sld [smem:$0x3F9A]  }
0x29: {  	s4 =	sld [smem:$0x3F9C]  }
0x2a: {  	p0 =	seq.s32 s5, $0x0;
	s5 =	sld [smem:$0x3F9D]  }
0x2b: {  	s6 =	sld [smem:$0x3F9E]  }
0x2c: {  	s7 =	sld [smem:$0x3F9F]  }
0x2d: {  	s3 =	simm.s32 $0x108;
	s8 =	sld [smem:$0x3FA0]  }
0x2e: {  	s3 =	simm.s32 @!p0 $0x1082;
	s9 =	sld [smem:$0x3FA1]  }
0x2f: {  	lr =	sadd.s32 s0, s3;
	s0 =	sld [smem:$0x3F98]  }
0x30: {  	s3 =	sld [smem:$0x3F9B]  }
0x31: {  	[smem:$0x3FA4] =	sst s10  }
0x32: {  	s10 =	sld [smem:$0x3FA2];
	_ =	sdelay $0x3  }
0x33: {  	p0 =	seq.s32 s10, $0x1;
	s10 =	sld [smem:$0x3FA4];
	_ =	sdelay $0x3  }
0x34: {  	[smem:$0x3FA4] =	sst s10  }
0x35: {  	s10 =	sld [smem:$0x3FA3];
	_ =	sdelay $0x3  }
0x36: {  	p1 =	seq.s32 s10, $0x1;
	s10 =	sld [smem:$0x3FA4];
	_ =	sdelay $0x3  }
0x37: {  	[smem:$0x3FA4] =	sst s10  }
0x38: {  	s10 =	sld [smem:$0x3FA5]  }
0x39: {  	_ = 	snop;
	(pc) =	sbr.ind lr, $3  }
0x3a: {  	_ = 	snop  }
0x3b: {  	_ = 	snop  }
0x3c: {  	p2 =	seq.s32 s10, $0x1;
	s10 =	sld [smem:$0x3FA4]  }
0x3d: {  	_ =	shalt  }
0x3e: {  	_ =	shalt  }
0x3f: {  	_ =	shalt  }
0x40: {  	_ =	shalt  }
0x41: {  	_ =	shalt  }
0x42: {  	_ =	shalt  }
0x43: {  	_ =	shalt  }
0x44: {  	_ =	shalt  }
0x45: {  	_ =	shalt  }
0x46: {  	_ =	shalt  }
0x47: {  	_ =	shalt  }
0x48: {  	_ =	shalt  }
0x49: {  	_ =	shalt  }
0x4a: {  	_ =	shalt  }
0x4b: {  	_ =	shalt  }
0x4c: {  	_ =	shalt  }
0x4d: {  	_ =	shalt  }
0x4e: {  	_ =	shalt  }
0x4f: {  	_ =	shalt  }
0x50: {  	_ =	shalt  }
0x51: {  	_ =	shalt  }
0x52: {  	_ =	shalt  }
0x53: {  	_ =	shalt  }
0x54: {  	_ =	shalt  }
0x55: {  	_ =	shalt  }
0x56: {  	_ =	shalt  }
0x57: {  	_ =	shalt  }
0x58: {  	_ =	shalt  }
0x59: {  	_ =	shalt  }
0x5a: {  	_ =	shalt  }
0x5b: {  	_ =	shalt  }
0x5c: {  	_ =	shalt  }
0x5d: {  	_ =	shalt  }
0x5e: {  	_ =	shalt  }
0x5f: {  	_ =	shalt  }
0x60: {  	_ =	shalt  }
0x61: {  	_ =	shalt  }
0x62: {  	_ =	shalt  }
0x63: {  	_ =	shalt  }
0x64: {  	_ =	shalt  }
0x65: {  	_ =	shalt  }
0x66: {  	_ =	shalt  }
0x67: {  	_ =	shalt  }
0x68: {  	_ =	shalt  }
0x69: {  	_ =	shalt  }
0x6a: {  	_ =	shalt  }
0x6b: {  	_ =	shalt  }
0x6c: {  	_ =	shalt  }
0x6d: {  	_ =	shalt  }
0x6e: {  	_ =	shalt  }
0x6f: {  	_ =	shalt  }
0x70: {  	_ =	shalt  }
0x71: {  	_ =	shalt  }
0x72: {  	_ =	shalt  }
0x73: {  	_ =	shalt  }
0x74: {  	_ =	shalt  }
0x75: {  	_ =	shalt  }
0x76: {  	_ =	shalt  }
0x77: {  	_ =	shalt  }
0x78: {  	_ =	shalt  }
0x79: {  	_ =	shalt  }
0x7a: {  	_ =	shalt  }
0x7b: {  	_ =	shalt  }
0x7c: {  	_ =	shalt  }
0x7d: {  	_ =	shalt  }
0x7e: {  	_ =	shalt  }
0x7f: {  	_ =	shalt  }
0x80: {  	_ =	shalt  }
0x81: {  	_ =	shalt  }
0x82: {  	_ =	shalt  }
0x83: {  	_ =	shalt  }
0x84: {  	_ =	shalt  }
0x85: {  	_ =	shalt  }
0x86: {  	_ =	shalt  }
0x87: {  	_ =	shalt  }
.Lfunc_end0:
.L_simem_size_0:
called_computation.2_lowered:
.L_overlay_start_0:
0x88: {  	s2 =	sld [smem:$0x3FD9]  }
0x89: {  	s3 =	sld [smem:$0x3FFE];
	_ =	sdelay $0x1  }
0x8a: {  	s1 =	srdreg.scid  }
0x8b: {  	s0 =	sand.u32 $0x1, s1  }
0x8c: {  	s17 =	sshll.u32 s0, $0xA;
	s2 =	sadd.s32 s3, s2  }
0x8d: {  	s2 =	sadd.s32 s2, s17  }
0x8e: {  	[smem:$0x3FB0] =	sst s2  }
0x8f: {  	_ = 	snop  }
0x90: {  	(tm) =	ssettm $0x1  }
0x91: {  	s18 =	sld [smem:$0x3FFB];
	_ =	sdelay $0x3  }
0x92: {  	_ =	strace s18  }
0x93: {  	s2 =	sld [smem:$0x3FFC];
	_ =	sdelay $0x3  }
0x94: {  	_ =	strace s2  }
0x95: {  	s2 =	sld [smem:$0x3FFD];
	_ =	sdelay $0x3  }
0x96: {  	_ =	strace s2  }
0x97: {  	_ =	strace $0x8FFFFFFF  }
0x98: {  	s19 =	sld [smem:$0x3FDB];
	_ =	sdelay $0x1  }
0x99: {  	s20 =	simm.s32 $_scs_section_size  }
0x9a: {  	s4 =	simm.s32 $_size__tile_overlayer_lowered;
	s5 =	simm.s32 $_tile_overlayer_lowered  }
0x9b: {  	s6 =	simm.s32 $0x1BFF;
	s21 =	sshll.u32 s5, $0x1;
	s3 =	sadd.s32 s20, s19  }
0x9c: {  	s22 =	simm.s32 $0x0;
	s4 =	sshll.u32 s4, $0x1;
	s5 =	sadd.s32 s21, s3  }
0x9d: {  	[timem:s22], [sflag:s6] =	dma.local [hbm:s5], s4  }
0x9e: {  	_ =	swait.ge [sflag:s6], s4  }
0x9f: {  	s4 =	ssub.s32 $0x0, s4;
	[sflag:s6] =	ssyncset.done $0x0  }
0xa0: {  	[sflag:s6] =	ssyncadd.s32 s4;
	_ =	sdelay $0x1  }
0xa1: {  	s23 =	simm.s32 $0x1B8B  }
0xa2: {  	_ =	swait.ge [sflag:s23], $0x1  }
0xa3: {  	[sflag:s23] =	ssyncset.done $0x0  }
0xa4: {  	[sflag:s23] =	ssyncadd.s32 $0xFFFFFFFF  }
0xa5: {  	s4 =	sld [smem:$0x0]  }
0xa6: {  	s5 =	sand.u32 $0xFFFFFFFE, s1  }
0xa7: {  	p0 =	sne.s32 s1, s5  }
0xa8: {  	s5 =	sshll.u32 @p0 s5, $0xE  }
0xa9: {  	s5 =	sadd.s32 @p0 $0x11B8D, s5;
	s6 =	sshll.u32 @p0 s4, $0x11  }
0xaa: {  	s5 =	sor.u32 @p0 s6, s5  }
0xab: {  	[sflag:s5] =	ssyncadd.remote.s32 @p0 $0x1;
	_ =	sdelay $0x1  }
0xac: {  	s5 =	simm.s32 @p0 $0x1B8D  }
0xad: {  	_ =	swait.eq @p0 [sflag:s5], $0x1  }
0xae: {  	[sflag:s5] =	ssyncadd.s32 @p0 $0xFFFFFFFF  }
0xaf: {  	s6 =	sshll.u32 @!p0 s1, $0xE  }
0xb0: {  	s6 =	sor.u32 @!p0 $0x4000, s6;
	s5 =	simm.s32 @!p0 $0x1B8D  }
0xb1: {  	s4 =	sshll.u32 @!p0 s4, $0x11;
	s6 =	sadd.s32 @!p0 $0x11B8D, s6;
	_ =	swait.eq @!p0 [sflag:s5], $0x1  }
0xb2: {  	s4 =	sor.u32 @!p0 s4, s6;
	[sflag:s5] =	ssyncadd.s32 @!p0 $0xFFFFFFFF  }
0xb3: {  	s25 =	simm.s32 $0x1B8E;
	s24 =	sld [smem:$0x3FFE];
	[sflag:s4] =	ssyncadd.remote.s32 @!p0 $0x1  }
0xb4: {  	s26 =	simm.s32 $execute0_lowered;
	[smem:$0x3FD2] =	sst s25  }
0xb5: {  	s5 =	sshll.u32 s26, $0x1;
	_ =	strace $0x8000004C;
	[dreg:$0x1] =	wrdreg $0xFFFFFFFF  }
0xb6: {  	s28 =	simm.s32 $_size_execute0_lowered;
	s3 =	sadd.s32 s3, s5;
	[dreg:$0x0] =	wrdreg $0x0  }
0xb7: {  	s5 =	sshll.u32 s28, $0x1;
	[dreg:$0x2] =	wrdreg s3  }
0xb8: {  	[dreg:$0x3] =	wrdreg s5  }
0xb9: {  	[dreg:$0x4] =	wrdreg $0xC0  }
0xba: {  	_ =	task [dreg:s22], $0x5FFFF  }
0xbb: {  	[dreg:$0x1] =	wrdreg $0xFFFFFFFF  }
0xbc: {  	[dreg:$0x0] =	wrdreg $0x60  }
0xbd: {  	[dreg:$0x2] =	wrdreg s24  }
0xbe: {  	[dreg:$0x3] =	wrdreg $0x94000  }
0xbf: {  	[dreg:$0x4] =	wrdreg $0xA  }
0xc0: {  	_ =	task.clear_ibuf [dreg:s22], $0x5FFFF;
	_ =	strace $0x9000004C  }
0xc1: {  	s29 =	simm.s32 $0xA;
	_ =	strace $0x8000004E  }
0xc2: {  	_ =	swait.ge [sflag:s29], $0x1  }
0xc3: {  	[sflag:s29] =	ssyncadd.s32 $0xFFFFFFFF  }
0xc4: {  	_ =	strace $0x9000004E  }
0xc5: {  	_ =	sfence  }
0xc6: {  	s30 =	sld [smem:$0x0];
	_ =	sdelay $0x2  }
0xc7: {  	s31 =	sshll.u32 s1, $0xD;
	s1 =	sshrl.u32 s1, $0x2  }
0xc8: {  	s4 =	sand.u32 $0x4000, s31;
	s1 =	sadd.s32 s1, s30  }
0xc9: {  	s0 =	sor.u32 s4, s0;
	s1 =	sshll.u32 s1, $0x11  }
0xca: {  	s0 =	sor.u32 s1, s0  }
0xcb: {  	s0 =	sadd.s32 $0x8F2B, s0  }
0xcc: {  	[sflag:s0] =	ssyncadd.remote.s32 $0x1  }
0xcd: {  	_ =	sfence.sel $0xFFFF  }
0xce: {  	[dreg:$0x0] =	wrdreg $0xFFFFFFFF;
	(pc) =	sbr.abs _section_cstart, $3  }
0xcf: {  	[dreg:$0x1] =	wrdreg $0xFFFFFFFF  }
0xd0: {  	_ =	task.clear_ibuf [dreg:s22], $0x2FFFF;
	_ =	strace $0x9FFFFFFF  }
0xd1: {  	(tm) =	ssettm $0x7FFFFFFF  }
tec
execute0_lowered:
.L_overlay_start_1:
0x0: {  	(tag) =	ssettag $0x1  }
0x1: {  	s0 =	stileid.u32;
	s5 =	rddreg [dreg:$0x0]  }
0x2: {  	s1 =	srdreg.scid;
	s2 =	rddreg [dreg:$0x1];
	s3 =	simm.s32 $0x0  }
0x3: {  	s14 =	simm.s32 $0x1400;
	s15 =	simm.s32 $0x0;
	s6 =	smul.u32 $0x28000, s0  }
0x4: {  	s4 =	sand.u32 $0x1, s1;
	s26 =	sshll.u32 s0, $0x1;
	s8 =	smul.u32 $0x4E40, s0  }
0x5: {  	[smem:$0x7FF] =	sst s3;
	s31 =	sshll.u32 s0, $0x6;
	s9 =	smul.u32 $0x4E400, s4  }
0x6: {  	s1 =	sor.u32 s4, s26;
	s11 =	ssub.s32 $0x2, s4;
	s30 =	smul.u32 $0x14000, s4  }
0x7: {  	s7 =	smul.u32 $0x280, s1;
	s1 =	rddreg [dreg:$0x2];
	_ =	strace $0x8000004D  }
0x8: {  	s10 =	sadd.s32 s6, s5;
	s29 =	sshrl.u32 s8, $0x3;
	s12 =	sshrl.u32 s11, $0x1  }
0x9: {  	s13 =	sadd.s32 s8, s2;
	s9 =	sadd.s32 s8, s9;
	s11 =	ssub.s32 s11, s12  }
0xa: {  	s10 =	sadd.s32 s30, s10;
	s12 =	simm.s32 $0x20;
	s28 =	sadd.s32 s7, s5  }
0xb: {  	s7 =	sadd.s32 s29, s5;
	s9 =	sshrl.u32 s9, $0x3;
	s8 =	smax.u32 s11, $0x1  }
0xc: {  	s11 =	simm.s32 $0x1;
	s9 =	sadd.s32 s9, s5;
	s4 =	sadd.s32 $0x30600, s7  }
0xd: {  	s5 =	sor.u32 $0x1C01, s31;
	s6 =	sadd.s32 $0x2BF400, s28;
	s7 =	sadd.s32 $0x3F400, s9  }
0xe: {  	s9 =	sadd.s32 $0x2E1E00, s10;
	s10 =	sshrl.u32 s13, $0x3;
	s13 =	simm.s32 $0x80  }
.LBB2_1:
0xf: {  	[spmem:s10], [sflag:s5] =	dma.local [hbm:s4], $0x9C8  }
0x10: {  	_ =	swait.ge [sflag:s11], $0x9C8  }
0x11: {  	[sflag:s11] =	ssyncset.done $0x0  }
0x12: {  	[sflag:s11] =	ssyncadd.s32 $0xFFFFF638  }
0x13: {  	[tilespmem:s3], [sflag:$0x1] =	stream.linear.gather [hbm4b:s6+s3], $0x1400, $0x38;
	[tilespmem:$0xE240] =	vst v63  }
0x14: {  	_ =	swait.ge [sflag:s11], $0x1400  }
0x15: {  	[sflag:s11] =	ssyncset.done $0x0  }
0x16: {  	[sflag:s11] =	ssyncadd.s32 $0xFFFFEC00  }
0x17: {  	[bflag:$0x0] =	sbarrier.arrive $0xFFFF  }
0x18: {  	[tilespmem:s14], [sflag:$0x1] =	stream.strided.gather [hbm4b:s9+s12], $0x1000, s13, s12, $0x38;
	[tilespmem:$0xE240] =	vst v63  }
0x19: {  	_ =	swait.ge [sflag:s11], $0x1000  }
0x1a: {  	[sflag:s11] =	ssyncset.done $0x0  }
0x1b: {  	s16 =	simm.s32 $0x0;
	[sflag:s11] =	ssyncadd.s32 $0xFFFFF000  }
0x1c: {  	[spmem:s2] =	stream.indirect.scatter.add.f32 [tilespmem:s14], [sflag:$0x1], $0x20, s16, s13, $0xb8;
	[tilespmem:$0xE240] =	vst v63  }
0x1d: {  	_ =	swait.ge [sflag:s11], $0x1000  }
0x1e: {  	s17 =	smov.u32 s9;
	s16 =	simm.s32 $0x200;
	[sflag:s11] =	ssyncset.done $0x0  }
.LBB2_2:
0x1f: {  	p0 =	sne.s32 s16, $0x4E00;
	[sflag:s11] =	ssyncadd.s32 $0xFFFFF000;
	s17 =	sadd.s32 $0x800, s17  }
0x20: {  	[tilespmem:s14], [sflag:$0x1] =	stream.strided.gather [hbm4b:s17+s12], $0x1000, s13, s12, $0x38;
	[tilespmem:$0xE240] =	vst v63  }
0x21: {  	s18 =	smov.u32 s16;
	s16 =	sadd.s32 $0x200, s16;
	_ =	swait.ge [sflag:s11], $0x1000  }
.Ltmp0:
0x22: {  	[sflag:s11] =	ssyncset.done $0x0;
	(pc) =	sbr.rel @p0 .LBB2_2-.Ltmp0, $4  }
0x23: {  	s18 =	sshra.s32 s18, $0x2;
	[sflag:s11] =	ssyncadd.s32 $0xFFFFF000  }
0x24: {  	[spmem:s2] =	stream.indirect.scatter.add.f32 [tilespmem:s14], [sflag:$0x1], $0x20, s18, s13, $0xb8;
	[tilespmem:$0xE240] =	vst v63  }
0x25: {  	_ =	swait.ge [sflag:s11], $0x1000  }
0x26: {  	[sflag:s11] =	ssyncset.done $0x0  }
0x27: {  	s15 =	sadd.s32 $0x1, s15  }
0x28: {  	[sflag:s11] =	ssyncadd.s32 $0xFFFFF000;
	p0 =	sne.s32 s15, s8  }
.Ltmp1:
0x29: {  	[bflag:$0x0] =	sbarrier.arrive $0xFFFF;
	(pc) =	sbr.rel @p0 .LBB2_1-.Ltmp1, $4  }
0x2a: {  	[hbm:s7], [sflag:s5] =	dma.local [spmem:s10], $0x9C8  }
0x2b: {  	_ =	swait.ge [sflag:s11], $0x9C8  }
0x2c: {  	[sflag:s11] =	ssyncset.done $0x0  }
0x2d: {  	[sflag:s11] =	ssyncadd.s32 $0xFFFFF638  }
0x2e: {  	_ =	sfence.sel $0x180000  }
0x2f: {  	[bflag:$0x0] =	sbarrier.arrive $0xFFFF  }
0x30: {  	p0 =	sne.s32 s0, $0x0;
	_ =	strace $0x9000004D  }
0x31: {  	s0 =	sadd.s32 @!p0 $0x100000, s1;
	[bflag:$0x2] =	sbarrier.arrive $0xFFFF  }
0x32: {  	[sflag:s0] =	ssyncadd.tile.s32 @!p0 $0x1;
	_ =	shalt  }
.Lfunc_end2:
_tile_overlayer_lowered:
.L_overlay_start_2:
0x33: {  	(tag) =	ssettag $0x2  }
0x34: {  	s0 =	rddreg [dreg:$0x0];
	s2 =	stileid.u32  }
0x35: {  	s1 =	rddreg [dreg:$0x1];
	p0 =	sne.s32 s2, $0x0  }
0x36: {  	s3 =	rddreg [dreg:$0x2];
	[bflag:$0x3] =	sbarrier.arrive $0xFFFF;
	s2 =	simm.s32 @!p0 $0x1C01  }
0x37: {  	[timem:s3], [sflag:s2] =	dma.local @!p0 [hbm:s0], s1  }
0x38: {  	s0 =	simm.s32 @!p0 $0x1  }
0x39: {  	_ =	swait.ge @!p0 [sflag:s0], s1  }
0x3a: {  	s1 =	ssub.s32 @!p0 $0x0, s1;
	[sflag:s0] =	ssyncset.done @!p0 $0x0  }
0x3b: {  	[sflag:s0] =	ssyncadd.s32 @!p0 s1  }
0x3c: {  	[bflag:$0x3] =	sbarrier.arrive $0xFFFF  }
0x3d: {  	_ =	shalt  }

// kernel: kernel.26.cloned.1.call-start
scs
__scs_entry_jumppad:
0x0: {  	(pc) =	sbr.rel $0x88, $3  }
0x1: {  	(tag) =	ssettag $0x0;
	lr =	simm.s32 $0x1  }
0x2: {  	[smem:$0x3F89] =	sst lr;
	_ =	strace $0xD0000000  }
0x3: {  	_ = 	snop  }
0x4: {  	_ = 	snop  }
0x5: {  	_ = 	snop  }
0x6: {  	_ = 	snop  }
0x7: {  	_ = 	snop  }
__scs_overlays_trampoline_lowered:
0x8: {  	[smem:$0x3F98] =	sst s0  }
0x9: {  	[smem:$0x3F99] =	sst s1  }
0xa: {  	[smem:$0x3F9A] =	sst s2  }
0xb: {  	[smem:$0x3F9B] =	sst s3  }
0xc: {  	[smem:$0x3F9C] =	sst s4  }
0xd: {  	[smem:$0x3F9D] =	sst s5  }
0xe: {  	[smem:$0x3F9E] =	sst s6  }
0xf: {  	[smem:$0x3F9F] =	sst s7  }
0x10: {  	[smem:$0x3FA0] =	sst s8  }
0x11: {  	[smem:$0x3FA1] =	sst s9;
	s0 =	simm.s32 @!p0 $0x0  }
0x12: {  	s1 =	sld [smem:$0x3F87];
	s0 =	simm.s32 @p0 $0x1  }
0x13: {  	[smem:$0x3FA2] =	sst s0;
	s0 =	simm.s32 @!p1 $0x0  }
0x14: {  	s2 =	sld [smem:$0x3F86];
	s0 =	simm.s32 @p1 $0x1  }
0x15: {  	[smem:$0x3FA3] =	sst s0;
	s0 =	simm.s32 @!p2 $0x0  }
0x16: {  	s3 =	sld [smem:$0x3FDB];
	s0 =	simm.s32 @p2 $0x1  }
0x17: {  	s4 =	simm.s32 $0x1BF5;
	[smem:$0x3FA5] =	sst s0  }
0x18: {  	s0 =	sld [smem:$0x3F88];
	_ =	swait.ge [sflag:s4], $0x0  }
0x19: {  	s7 =	sld [smem:$0x3F89]  }
0x1a: {  	s8 =	sadd.s32 $0xFFFFE003, lr  }
0x1b: {  	s9 =	sadd.s32 $0xFFFFFEF7, lr;
	s5 =	simm.s32 $0xFFFFFFFF;
	p2 =	slt.u32 s8, $0xFFFFF086  }
0x1c: {  	p1 =	slt.u32 s9, $0xF7A;
	s5 =	simm.s32 @!p2 $0x0  }
0x1d: {  	s5 =	simm.s32 @p1 $0x1;
	p0 =	seq.s32 s7, s2  }
0x1e: {  	s7 =	smul.u32 @!p0 $0xF7A, s2;
	p2 =	seq.s32 @!p0 s5, $0x0  }
0x1f: {  	s9 =	smul.u32 $0xF7A, s1;
	s8 =	simm.s32 @!p0 $0x1BF5;
	p2 =	por !p2, p0  }
0x20: {  	[sflag:s8] =	ssyncset.s32 @!p0 $0xFFFFF086;
	s6 =	sadd.s32 @!p0 s3, s7;
	s7 =	simm.s32 @!p0 $0x108  }
0x21: {  	s3 =	sadd.s32 s3, s9;
	s6 =	sadd.s32 @!p0 $0x88, s6;
	s7 =	simm.s32 @p2 $0x1082  }
0x22: {  	[simem:s7], [sflag:s8] =	dma.local @!p0 [hbm:s6], $0xF7A  }
0x23: {  	s9 =	sor.u32 $0xD0000000, s2;
	s6 =	simm.s32 $0x108;
	_ =	swait.ge @!p0 [sflag:s8], $0x0  }
0x24: {  	s3 =	sadd.s32 $0x88, s3;
	s6 =	simm.s32 @!p1 $0x1082;
	[sflag:s4] =	ssyncset.s32 $0xFFFFF086  }
0x25: {  	[simem:s6], [sflag:s4] =	dma.local [hbm:s3], $0xF7A  }
0x26: {  	[smem:$0x3F89] =	sst s1;
	(tag) =	ssettag s2;
	_ =	strace s9  }
0x27: {  	s1 =	sld [smem:$0x3F99]  }
0x28: {  	s2 =	sld [smem:$0x3F9A]  }
0x29: {  	s4 =	sld [smem:$0x3F9C]  }
0x2a: {  	p0 =	seq.s32 s5, $0x0;
	s5 =	sld [smem:$0x3F9D]  }
0x2b: {  	s6 =	sld [smem:$0x3F9E]  }
0x2c: {  	s7 =	sld [smem:$0x3F9F]  }
0x2d: {  	s3 =	simm.s32 $0x108;
	s8 =	sld [smem:$0x3FA0]  }
0x2e: {  	s3 =	simm.s32 @!p0 $0x1082;
	s9 =	sld [smem:$0x3FA1]  }
0x2f: {  	lr =	sadd.s32 s0, s3;
	s0 =	sld [smem:$0x3F98]  }
0x30: {  	s3 =	sld [smem:$0x3F9B]  }
0x31: {  	[smem:$0x3FA4] =	sst s10  }
0x32: {  	s10 =	sld [smem:$0x3FA2];
	_ =	sdelay $0x3  }
0x33: {  	p0 =	seq.s32 s10, $0x1;
	s10 =	sld [smem:$0x3FA4];
	_ =	sdelay $0x3  }
0x34: {  	[smem:$0x3FA4] =	sst s10  }
0x35: {  	s10 =	sld [smem:$0x3FA3];
	_ =	sdelay $0x3  }
0x36: {  	p1 =	seq.s32 s10, $0x1;
	s10 =	sld [smem:$0x3FA4];
	_ =	sdelay $0x3  }
0x37: {  	[smem:$0x3FA4] =	sst s10  }
0x38: {  	s10 =	sld [smem:$0x3FA5]  }
0x39: {  	_ = 	snop;
	(pc) =	sbr.ind lr, $3  }
0x3a: {  	_ = 	snop  }
0x3b: {  	_ = 	snop  }
0x3c: {  	p2 =	seq.s32 s10, $0x1;
	s10 =	sld [smem:$0x3FA4]  }
0x3d: {  	_ =	shalt  }
0x3e: {  	_ =	shalt  }
0x3f: {  	_ =	shalt  }
0x40: {  	_ =	shalt  }
0x41: {  	_ =	shalt  }
0x42: {  	_ =	shalt  }
0x43: {  	_ =	shalt  }
0x44: {  	_ =	shalt  }
0x45: {  	_ =	shalt  }
0x46: {  	_ =	shalt  }
0x47: {  	_ =	shalt  }
0x48: {  	_ =	shalt  }
0x49: {  	_ =	shalt  }
0x4a: {  	_ =	shalt  }
0x4b: {  	_ =	shalt  }
0x4c: {  	_ =	shalt  }
0x4d: {  	_ =	shalt  }
0x4e: {  	_ =	shalt  }
0x4f: {  	_ =	shalt  }
0x50: {  	_ =	shalt  }
0x51: {  	_ =	shalt  }
0x52: {  	_ =	shalt  }
0x53: {  	_ =	shalt  }
0x54: {  	_ =	shalt  }
0x55: {  	_ =	shalt  }
0x56: {  	_ =	shalt  }
0x57: {  	_ =	shalt  }
0x58: {  	_ =	shalt  }
0x59: {  	_ =	shalt  }
0x5a: {  	_ =	shalt  }
0x5b: {  	_ =	shalt  }
0x5c: {  	_ =	shalt  }
0x5d: {  	_ =	shalt  }
0x5e: {  	_ =	shalt  }
0x5f: {  	_ =	shalt  }
0x60: {  	_ =	shalt  }
0x61: {  	_ =	shalt  }
0x62: {  	_ =	shalt  }
0x63: {  	_ =	shalt  }
0x64: {  	_ =	shalt  }
0x65: {  	_ =	shalt  }
0x66: {  	_ =	shalt  }
0x67: {  	_ =	shalt  }
0x68: {  	_ =	shalt  }
0x69: {  	_ =	shalt  }
0x6a: {  	_ =	shalt  }
0x6b: {  	_ =	shalt  }
0x6c: {  	_ =	shalt  }
0x6d: {  	_ =	shalt  }
0x6e: {  	_ =	shalt  }
0x6f: {  	_ =	shalt  }
0x70: {  	_ =	shalt  }
0x71: {  	_ =	shalt  }
0x72: {  	_ =	shalt  }
0x73: {  	_ =	shalt  }
0x74: {  	_ =	shalt  }
0x75: {  	_ =	shalt  }
0x76: {  	_ =	shalt  }
0x77: {  	_ =	shalt  }
0x78: {  	_ =	shalt  }
0x79: {  	_ =	shalt  }
0x7a: {  	_ =	shalt  }
0x7b: {  	_ =	shalt  }
0x7c: {  	_ =	shalt  }
0x7d: {  	_ =	shalt  }
0x7e: {  	_ =	shalt  }
0x7f: {  	_ =	shalt  }
0x80: {  	_ =	shalt  }
0x81: {  	_ =	shalt  }
0x82: {  	_ =	shalt  }
0x83: {  	_ =	shalt  }
0x84: {  	_ =	shalt  }
0x85: {  	_ =	shalt  }
0x86: {  	_ =	shalt  }
0x87: {  	_ =	shalt  }
.Lfunc_end0:
.L_simem_size_0:
called_computation.3_lowered:
.L_overlay_start_0:
0x88: {  	s2 =	sld [smem:$0x3FD9]  }
0x89: {  	s3 =	sld [smem:$0x3FFE];
	_ =	sdelay $0x1  }
0x8a: {  	s1 =	srdreg.scid  }
0x8b: {  	s0 =	sand.u32 $0x1, s1  }
0x8c: {  	s16 =	sshll.u32 s0, $0xA;
	s2 =	sadd.s32 s3, s2  }
0x8d: {  	s2 =	sadd.s32 s2, s16  }
0x8e: {  	[smem:$0x3FB0] =	sst s2  }
0x8f: {  	_ = 	snop  }
0x90: {  	(tm) =	ssettm $0x1  }
0x91: {  	s17 =	sld [smem:$0x3FFB];
	_ =	sdelay $0x3  }
0x92: {  	_ =	strace s17  }
0x93: {  	s2 =	sld [smem:$0x3FFC];
	_ =	sdelay $0x3  }
0x94: {  	_ =	strace s2  }
0x95: {  	s2 =	sld [smem:$0x3FFD];
	_ =	sdelay $0x3  }
0x96: {  	_ =	strace s2  }
0x97: {  	_ =	strace $0x8FFFFFFF  }
0x98: {  	s18 =	sld [smem:$0x3FDB];
	_ =	sdelay $0x1  }
0x99: {  	s19 =	simm.s32 $_scs_section_size  }
0x9a: {  	s4 =	simm.s32 $_size__tile_overlayer_lowered;
	s5 =	simm.s32 $_tile_overlayer_lowered  }
0x9b: {  	s22 =	simm.s32 $0x1BFF;
	s21 =	sshll.u32 s5, $0x1;
	s2 =	sadd.s32 s19, s18  }
0x9c: {  	s6 =	simm.s32 $0x0;
	s20 =	sshll.u32 s4, $0x1;
	s4 =	sadd.s32 s21, s2  }
0x9d: {  	[timem:s6], [sflag:s22] =	dma.local [hbm:s4], s20  }
0x9e: {  	_ =	swait.ge [sflag:s22], s20  }
0x9f: {  	s3 =	ssub.s32 $0x0, s20;
	[sflag:s22] =	ssyncset.done $0x0  }
0xa0: {  	[sflag:s22] =	ssyncadd.s32 s3;
	_ =	sdelay $0x1  }
0xa1: {  	s23 =	simm.s32 $0x1B8B  }
0xa2: {  	_ =	swait.ge [sflag:s23], $0x1  }
0xa3: {  	[sflag:s23] =	ssyncset.done $0x0  }
0xa4: {  	s25 =	simm.s32 $0x1B8E;
	s24 =	sld [smem:$0x3FFE];
	[sflag:s23] =	ssyncadd.s32 $0xFFFFFFFF  }
0xa5: {  	s26 =	simm.s32 $execute0_lowered;
	[smem:$0x3FD2] =	sst s25  }
0xa6: {  	s4 =	sshll.u32 s26, $0x1;
	_ =	strace $0x8000004F;
	[dreg:$0x1] =	wrdreg $0xFFFFFFFF  }
0xa7: {  	s28 =	simm.s32 $_size_execute0_lowered;
	s2 =	sadd.s32 s2, s4;
	[dreg:$0x0] =	wrdreg $0x0  }
0xa8: {  	s4 =	sshll.u32 s28, $0x1;
	[dreg:$0x2] =	wrdreg s2  }
0xa9: {  	[dreg:$0x3] =	wrdreg s4  }
0xaa: {  	[dreg:$0x4] =	wrdreg $0xC0  }
0xab: {  	_ =	task [dreg:s6], $0x5FFFF  }
0xac: {  	[dreg:$0x1] =	wrdreg $0xFFFFFFFF  }
0xad: {  	[dreg:$0x0] =	wrdreg $0x60  }
0xae: {  	[dreg:$0x2] =	wrdreg s24  }
0xaf: {  	[dreg:$0x3] =	wrdreg $0x9  }
0xb0: {  	_ =	task.clear_ibuf [dreg:s6], $0x4FFFF;
	_ =	strace $0x9000004F  }
0xb1: {  	s29 =	simm.s32 $0x9;
	_ =	strace $0x80000051  }
0xb2: {  	_ =	swait.ge [sflag:s29], $0x1  }
0xb3: {  	[sflag:s29] =	ssyncadd.s32 $0xFFFFFFFF  }
0xb4: {  	_ =	strace $0x90000051  }
0xb5: {  	_ =	sfence  }
0xb6: {  	s30 =	sld [smem:$0x0];
	_ =	sdelay $0x2  }
0xb7: {  	s31 =	sshll.u32 s1, $0xD;
	s1 =	sshrl.u32 s1, $0x2  }
0xb8: {  	s3 =	sand.u32 $0x4000, s31;
	s1 =	sadd.s32 s1, s30  }
0xb9: {  	s0 =	sor.u32 s3, s0;
	s1 =	sshll.u32 s1, $0x11  }
0xba: {  	s0 =	sor.u32 s1, s0  }
0xbb: {  	s0 =	sadd.s32 $0x8F2B, s0  }
0xbc: {  	[sflag:s0] =	ssyncadd.remote.s32 $0x1  }
0xbd: {  	_ =	sfence.sel $0xFFFF  }
0xbe: {  	[dreg:$0x0] =	wrdreg $0xFFFFFFFF;
	(pc) =	sbr.abs _section_cstart, $3  }
0xbf: {  	[dreg:$0x1] =	wrdreg $0xFFFFFFFF  }
0xc0: {  	_ =	task.clear_ibuf [dreg:s6], $0x2FFFF;
	_ =	strace $0x9FFFFFFF  }
0xc1: {  	(tm) =	ssettm $0x7FFFFFFF  }
tec
execute0_lowered:
.L_overlay_start_1:
0x0: {  	(tag) =	ssettag $0x1  }
0x1: {  	s1 =	srdreg.scid;
	s0 =	stileid.u32  }
0x2: {  	s4 =	rddreg [dreg:$0x0];
	s2 =	simm.s32 $0x0;
	s10 =	simm.s32 $0x1  }
0x3: {  	s11 =	simm.s32 $0x20;
	s3 =	sand.u32 $0x1, s1;
	s1 =	rddreg [dreg:$0x1]  }
0x4: {  	s12 =	simm.s32 $0x0;
	s30 =	sshll.u32 s0, $0x1;
	[smem:$0x7FF] =	sst s2  }
0x5: {  	s6 =	smul.u32 $0x28000, s0;
	s5 =	sor.u32 s3, s30;
	_ =	strace $0x80000050  }
0x6: {  	s7 =	ssub.s32 $0x2, s3;
	s8 =	smul.u32 $0x14000, s3;
	s3 =	sadd.s32 $0x2C4400, s4  }
0x7: {  	s5 =	smul.u32 $0x280, s5;
	s6 =	sadd.s32 s6, s4;
	s9 =	sshrl.u32 s7, $0x1  }
0x8: {  	s31 =	ssub.s32 s7, s9;
	s6 =	sadd.s32 s8, s6;
	s7 =	simm.s32 $0x2  }
0x9: {  	s8 =	simm.s32 $0x80;
	s9 =	simm.s32 $0x1400;
	s4 =	sadd.s32 s5, s4  }
0xa: {  	s5 =	smax.u32 s31, $0x1;
	s6 =	sadd.s32 $0x2E1E00, s6;
	s4 =	sadd.s32 $0x3A400, s4  }
.LBB2_1:
0xb: {  	[tilespmem:s2], [sflag:$0x2] =	stream.linear.gather [hbm4b:s4+s2], $0x1400, $0x38;
	[tilespmem:$0x9400] =	vst v63  }
0xc: {  	_ =	swait.ge [sflag:s7], $0x1400  }
0xd: {  	[sflag:s7] =	ssyncset.done $0x0  }
0xe: {  	s13 =	simm.s32 $0x0;
	[sflag:s7] =	ssyncadd.s32 $0xFFFFEC00  }
0xf: {  	[tilespmem:s9], [sflag:$0x1] =	stream.indirect.gather [hbm4b:s3+s8], $0x20, s13, s8, $0xb8;
	[tilespmem:$0x9400] =	vst v63  }
0x10: {  	_ =	swait.ge [sflag:s10], $0x1000  }
0x11: {  	[sflag:s10] =	ssyncset.done $0x0  }
0x12: {  	[sflag:s10] =	ssyncadd.s32 $0xFFFFF000  }
0x13: {  	[hbm4b:s6+s11] =	stream.strided.scatter [tilespmem:s9], [sflag:$0x2], $0x1000, s8, s11, $0x38;
	[tilespmem:$0x9400] =	vst v63  }
0x14: {  	s14 =	simm.s32 $0x200;
	_ =	swait.ge [sflag:s7], $0x1000  }
0x15: {  	s15 =	simm.s32 $0x400;
	s13 =	sadd.s32 $0x800, s6;
	[sflag:s7] =	ssyncset.done $0x0  }
.LBB2_2:
0x16: {  	s16 =	sshra.s32 s14, $0x2  }
0x17: {  	[sflag:s7] =	ssyncadd.s32 $0xFFFFF000;
	s14 =	smov.u32 s15;
	s17 =	sadd.s32 $0x200, s15  }
0x18: {  	[tilespmem:s9], [sflag:$0x1] =	stream.indirect.gather [hbm4b:s3+s8], $0x20, s16, s8, $0xb8;
	[tilespmem:$0x9400] =	vst v63  }
0x19: {  	p0 =	sne.s32 s15, $0x4E00;
	_ =	swait.ge [sflag:s10], $0x1000  }
.Ltmp0:
0x1a: {  	[sflag:s10] =	ssyncset.done $0x0;
	(pc) =	sbr.rel @p0 .LBB2_2-.Ltmp0, $4  }
0x1b: {  	[sflag:s10] =	ssyncadd.s32 $0xFFFFF000  }
0x1c: {  	[hbm4b:s13+s11] =	stream.strided.scatter [tilespmem:s9], [sflag:$0x2], $0x1000, s8, s11, $0x38;
	[tilespmem:$0x9400] =	vst v63  }
0x1d: {  	_ =	swait.ge [sflag:s7], $0x1000  }
0x1e: {  	s15 =	smov.u32 s17;
	s13 =	sadd.s32 $0x800, s13;
	[sflag:s7] =	ssyncset.done $0x0  }
0x1f: {  	s14 =	sshra.s32 s14, $0x2;
	[sflag:s7] =	ssyncadd.s32 $0xFFFFF000  }
0x20: {  	[tilespmem:s9], [sflag:$0x1] =	stream.indirect.gather [hbm4b:s3+s8], $0x20, s14, s8, $0xb8;
	[tilespmem:$0x9400] =	vst v63  }
0x21: {  	s12 =	sadd.s32 $0x1, s12;
	_ =	swait.ge [sflag:s10], $0x1000  }
0x22: {  	p0 =	sne.s32 s12, s5;
	[sflag:s10] =	ssyncset.done $0x0  }
.Ltmp1:
0x23: {  	[sflag:s10] =	ssyncadd.s32 $0xFFFFF000;
	(pc) =	sbr.rel @p0 .LBB2_1-.Ltmp1, $4  }
0x24: {  	[hbm4b:s13+s11] =	stream.strided.scatter [tilespmem:s9], [sflag:$0x2], $0x1000, s8, s11, $0x38;
	[tilespmem:$0x9400] =	vst v63  }
0x25: {  	_ =	swait.ge [sflag:s7], $0x1000  }
0x26: {  	[sflag:s7] =	ssyncset.done $0x0  }
0x27: {  	[sflag:s7] =	ssyncadd.s32 $0xFFFFF000  }
0x28: {  	_ =	sfence.sel $0x180000  }
0x29: {  	[bflag:$0x0] =	sbarrier.arrive $0xFFFF  }
0x2a: {  	p0 =	sne.s32 s0, $0x0;
	_ =	strace $0x90000050  }
0x2b: {  	s0 =	sadd.s32 @!p0 $0x100000, s1;
	[bflag:$0x2] =	sbarrier.arrive $0xFFFF  }
0x2c: {  	[sflag:s0] =	ssyncadd.tile.s32 @!p0 $0x1;
	_ =	shalt  }
.Lfunc_end2:
_tile_overlayer_lowered:
.L_overlay_start_2:
0x2d: {  	(tag) =	ssettag $0x2  }
0x2e: {  	s0 =	rddreg [dreg:$0x0];
	s2 =	stileid.u32  }
0x2f: {  	s1 =	rddreg [dreg:$0x1];
	p0 =	sne.s32 s2, $0x0  }
0x30: {  	s3 =	rddreg [dreg:$0x2];
	[bflag:$0x3] =	sbarrier.arrive $0xFFFF;
	s2 =	simm.s32 @!p0 $0x1C02  }
0x31: {  	[timem:s3], [sflag:s2] =	dma.local @!p0 [hbm:s0], s1  }
0x32: {  	s0 =	simm.s32 @!p0 $0x2  }
0x33: {  	_ =	swait.ge @!p0 [sflag:s0], s1  }
0x34: {  	s1 =	ssub.s32 @!p0 $0x0, s1;
	[sflag:s0] =	ssyncset.done @!p0 $0x0  }
0x35: {  	[sflag:s0] =	ssyncadd.s32 @!p0 s1  }
0x36: {  	[bflag:$0x3] =	sbarrier.arrive $0xFFFF  }
0x37: {  	_ =	shalt  }

// kernel: kernel.29.cloned.1.call-start
scs
__scs_entry_jumppad:
0x0: {  	(pc) =	sbr.rel $0x88, $3  }
0x1: {  	(tag) =	ssettag $0x0;
	lr =	simm.s32 $0x1  }
0x2: {  	[smem:$0x3F89] =	sst lr;
	_ =	strace $0xD0000000  }
0x3: {  	_ = 	snop  }
0x4: {  	_ = 	snop  }
0x5: {  	_ = 	snop  }
0x6: {  	_ = 	snop  }
0x7: {  	_ = 	snop  }
__scs_overlays_trampoline_lowered:
0x8: {  	[smem:$0x3F98] =	sst s0  }
0x9: {  	[smem:$0x3F99] =	sst s1  }
0xa: {  	[smem:$0x3F9A] =	sst s2  }
0xb: {  	[smem:$0x3F9B] =	sst s3  }
0xc: {  	[smem:$0x3F9C] =	sst s4  }
0xd: {  	[smem:$0x3F9D] =	sst s5  }
0xe: {  	[smem:$0x3F9E] =	sst s6  }
0xf: {  	[smem:$0x3F9F] =	sst s7  }
0x10: {  	[smem:$0x3FA0] =	sst s8  }
0x11: {  	[smem:$0x3FA1] =	sst s9;
	s0 =	simm.s32 @!p0 $0x0  }
0x12: {  	s1 =	sld [smem:$0x3F87];
	s0 =	simm.s32 @p0 $0x1  }
0x13: {  	[smem:$0x3FA2] =	sst s0;
	s0 =	simm.s32 @!p1 $0x0  }
0x14: {  	s2 =	sld [smem:$0x3F86];
	s0 =	simm.s32 @p1 $0x1  }
0x15: {  	[smem:$0x3FA3] =	sst s0;
	s0 =	simm.s32 @!p2 $0x0  }
0x16: {  	s3 =	sld [smem:$0x3FDB];
	s0 =	simm.s32 @p2 $0x1  }
0x17: {  	s4 =	simm.s32 $0x1BF5;
	[smem:$0x3FA5] =	sst s0  }
0x18: {  	s0 =	sld [smem:$0x3F88];
	_ =	swait.ge [sflag:s4], $0x0  }
0x19: {  	s7 =	sld [smem:$0x3F89]  }
0x1a: {  	s8 =	sadd.s32 $0xFFFFE003, lr  }
0x1b: {  	s9 =	sadd.s32 $0xFFFFFEF7, lr;
	s5 =	simm.s32 $0xFFFFFFFF;
	p2 =	slt.u32 s8, $0xFFFFF086  }
0x1c: {  	p1 =	slt.u32 s9, $0xF7A;
	s5 =	simm.s32 @!p2 $0x0  }
0x1d: {  	s5 =	simm.s32 @p1 $0x1;
	p0 =	seq.s32 s7, s2  }
0x1e: {  	s7 =	smul.u32 @!p0 $0xF7A, s2;
	p2 =	seq.s32 @!p0 s5, $0x0  }
0x1f: {  	s9 =	smul.u32 $0xF7A, s1;
	s8 =	simm.s32 @!p0 $0x1BF5;
	p2 =	por !p2, p0  }
0x20: {  	[sflag:s8] =	ssyncset.s32 @!p0 $0xFFFFF086;
	s6 =	sadd.s32 @!p0 s3, s7;
	s7 =	simm.s32 @!p0 $0x108  }
0x21: {  	s3 =	sadd.s32 s3, s9;
	s6 =	sadd.s32 @!p0 $0x88, s6;
	s7 =	simm.s32 @p2 $0x1082  }
0x22: {  	[simem:s7], [sflag:s8] =	dma.local @!p0 [hbm:s6], $0xF7A  }
0x23: {  	s9 =	sor.u32 $0xD0000000, s2;
	s6 =	simm.s32 $0x108;
	_ =	swait.ge @!p0 [sflag:s8], $0x0  }
0x24: {  	s3 =	sadd.s32 $0x88, s3;
	s6 =	simm.s32 @!p1 $0x1082;
	[sflag:s4] =	ssyncset.s32 $0xFFFFF086  }
0x25: {  	[simem:s6], [sflag:s4] =	dma.local [hbm:s3], $0xF7A  }
0x26: {  	[smem:$0x3F89] =	sst s1;
	(tag) =	ssettag s2;
	_ =	strace s9  }
0x27: {  	s1 =	sld [smem:$0x3F99]  }
0x28: {  	s2 =	sld [smem:$0x3F9A]  }
0x29: {  	s4 =	sld [smem:$0x3F9C]  }
0x2a: {  	p0 =	seq.s32 s5, $0x0;
	s5 =	sld [smem:$0x3F9D]  }
0x2b: {  	s6 =	sld [smem:$0x3F9E]  }
0x2c: {  	s7 =	sld [smem:$0x3F9F]  }
0x2d: {  	s3 =	simm.s32 $0x108;
	s8 =	sld [smem:$0x3FA0]  }
0x2e: {  	s3 =	simm.s32 @!p0 $0x1082;
	s9 =	sld [smem:$0x3FA1]  }
0x2f: {  	lr =	sadd.s32 s0, s3;
	s0 =	sld [smem:$0x3F98]  }
0x30: {  	s3 =	sld [smem:$0x3F9B]  }
0x31: {  	[smem:$0x3FA4] =	sst s10  }
0x32: {  	s10 =	sld [smem:$0x3FA2];
	_ =	sdelay $0x3  }
0x33: {  	p0 =	seq.s32 s10, $0x1;
	s10 =	sld [smem:$0x3FA4];
	_ =	sdelay $0x3  }
0x34: {  	[smem:$0x3FA4] =	sst s10  }
0x35: {  	s10 =	sld [smem:$0x3FA3];
	_ =	sdelay $0x3  }
0x36: {  	p1 =	seq.s32 s10, $0x1;
	s10 =	sld [smem:$0x3FA4];
	_ =	sdelay $0x3  }
0x37: {  	[smem:$0x3FA4] =	sst s10  }
0x38: {  	s10 =	sld [smem:$0x3FA5]  }
0x39: {  	_ = 	snop;
	(pc) =	sbr.ind lr, $3  }
0x3a: {  	_ = 	snop  }
0x3b: {  	_ = 	snop  }
0x3c: {  	p2 =	seq.s32 s10, $0x1;
	s10 =	sld [smem:$0x3FA4]  }
0x3d: {  	_ =	shalt  }
0x3e: {  	_ =	shalt  }
0x3f: {  	_ =	shalt  }
0x40: {  	_ =	shalt  }
0x41: {  	_ =	shalt  }
0x42: {  	_ =	shalt  }
0x43: {  	_ =	shalt  }
0x44: {  	_ =	shalt  }
0x45: {  	_ =	shalt  }
0x46: {  	_ =	shalt  }
0x47: {  	_ =	shalt  }
0x48: {  	_ =	shalt  }
0x49: {  	_ =	shalt  }
0x4a: {  	_ =	shalt  }
0x4b: {  	_ =	shalt  }
0x4c: {  	_ =	shalt  }
0x4d: {  	_ =	shalt  }
0x4e: {  	_ =	shalt  }
0x4f: {  	_ =	shalt  }
0x50: {  	_ =	shalt  }
0x51: {  	_ =	shalt  }
0x52: {  	_ =	shalt  }
0x53: {  	_ =	shalt  }
0x54: {  	_ =	shalt  }
0x55: {  	_ =	shalt  }
0x56: {  	_ =	shalt  }
0x57: {  	_ =	shalt  }
0x58: {  	_ =	shalt  }
0x59: {  	_ =	shalt  }
0x5a: {  	_ =	shalt  }
0x5b: {  	_ =	shalt  }
0x5c: {  	_ =	shalt  }
0x5d: {  	_ =	shalt  }
0x5e: {  	_ =	shalt  }
0x5f: {  	_ =	shalt  }
0x60: {  	_ =	shalt  }
0x61: {  	_ =	shalt  }
0x62: {  	_ =	shalt  }
0x63: {  	_ =	shalt  }
0x64: {  	_ =	shalt  }
0x65: {  	_ =	shalt  }
0x66: {  	_ =	shalt  }
0x67: {  	_ =	shalt  }
0x68: {  	_ =	shalt  }
0x69: {  	_ =	shalt  }
0x6a: {  	_ =	shalt  }
0x6b: {  	_ =	shalt  }
0x6c: {  	_ =	shalt  }
0x6d: {  	_ =	shalt  }
0x6e: {  	_ =	shalt  }
0x6f: {  	_ =	shalt  }
0x70: {  	_ =	shalt  }
0x71: {  	_ =	shalt  }
0x72: {  	_ =	shalt  }
0x73: {  	_ =	shalt  }
0x74: {  	_ =	shalt  }
0x75: {  	_ =	shalt  }
0x76: {  	_ =	shalt  }
0x77: {  	_ =	shalt  }
0x78: {  	_ =	shalt  }
0x79: {  	_ =	shalt  }
0x7a: {  	_ =	shalt  }
0x7b: {  	_ =	shalt  }
0x7c: {  	_ =	shalt  }
0x7d: {  	_ =	shalt  }
0x7e: {  	_ =	shalt  }
0x7f: {  	_ =	shalt  }
0x80: {  	_ =	shalt  }
0x81: {  	_ =	shalt  }
0x82: {  	_ =	shalt  }
0x83: {  	_ =	shalt  }
0x84: {  	_ =	shalt  }
0x85: {  	_ =	shalt  }
0x86: {  	_ =	shalt  }
0x87: {  	_ =	shalt  }
.Lfunc_end0:
.L_simem_size_0:
called_computation.4_lowered:
.L_overlay_start_0:
0x88: {  	s2 =	sld [smem:$0x3FD9]  }
0x89: {  	s3 =	sld [smem:$0x3FFE];
	_ =	sdelay $0x1  }
0x8a: {  	s1 =	srdreg.scid  }
0x8b: {  	s0 =	sand.u32 $0x1, s1  }
0x8c: {  	s16 =	sshll.u32 s0, $0xA;
	s2 =	sadd.s32 s3, s2  }
0x8d: {  	s2 =	sadd.s32 s2, s16  }
0x8e: {  	[smem:$0x3FB0] =	sst s2  }
0x8f: {  	_ = 	snop  }
0x90: {  	(tm) =	ssettm $0x1  }
0x91: {  	s17 =	sld [smem:$0x3FFB];
	_ =	sdelay $0x3  }
0x92: {  	_ =	strace s17  }
0x93: {  	s2 =	sld [smem:$0x3FFC];
	_ =	sdelay $0x3  }
0x94: {  	_ =	strace s2  }
0x95: {  	s2 =	sld [smem:$0x3FFD];
	_ =	sdelay $0x3  }
0x96: {  	_ =	strace s2  }
0x97: {  	_ =	strace $0x8FFFFFFF  }
0x98: {  	s18 =	sld [smem:$0x3FDB];
	_ =	sdelay $0x1  }
0x99: {  	s19 =	simm.s32 $_scs_section_size  }
0x9a: {  	s4 =	simm.s32 $_size__tile_overlayer_lowered;
	s5 =	simm.s32 $_tile_overlayer_lowered  }
0x9b: {  	s22 =	simm.s32 $0x1BFF;
	s21 =	sshll.u32 s5, $0x1;
	s2 =	sadd.s32 s19, s18  }
0x9c: {  	s6 =	simm.s32 $0x0;
	s20 =	sshll.u32 s4, $0x1;
	s4 =	sadd.s32 s21, s2  }
0x9d: {  	[timem:s6], [sflag:s22] =	dma.local [hbm:s4], s20  }
0x9e: {  	_ =	swait.ge [sflag:s22], s20  }
0x9f: {  	s3 =	ssub.s32 $0x0, s20;
	[sflag:s22] =	ssyncset.done $0x0  }
0xa0: {  	[sflag:s22] =	ssyncadd.s32 s3;
	_ =	sdelay $0x1  }
0xa1: {  	s23 =	simm.s32 $0x1B8B  }
0xa2: {  	_ =	swait.ge [sflag:s23], $0x1  }
0xa3: {  	[sflag:s23] =	ssyncset.done $0x0  }
0xa4: {  	s25 =	simm.s32 $0x1B8E;
	s24 =	sld [smem:$0x3FFE];
	[sflag:s23] =	ssyncadd.s32 $0xFFFFFFFF  }
0xa5: {  	s26 =	simm.s32 $execute0_lowered;
	[smem:$0x3FD2] =	sst s25  }
0xa6: {  	s4 =	sshll.u32 s26, $0x1;
	_ =	strace $0x80000052;
	[dreg:$0x1] =	wrdreg $0xFFFFFFFF  }
0xa7: {  	s28 =	simm.s32 $_size_execute0_lowered;
	s2 =	sadd.s32 s2, s4;
	[dreg:$0x0] =	wrdreg $0x0  }
0xa8: {  	s4 =	sshll.u32 s28, $0x1;
	[dreg:$0x2] =	wrdreg s2  }
0xa9: {  	[dreg:$0x3] =	wrdreg s4  }
0xaa: {  	[dreg:$0x4] =	wrdreg $0xC0  }
0xab: {  	_ =	task [dreg:s6], $0x5FFFF  }
0xac: {  	[dreg:$0x1] =	wrdreg $0xFFFFFFFF  }
0xad: {  	[dreg:$0x0] =	wrdreg $0x60  }
0xae: {  	[dreg:$0x2] =	wrdreg s24  }
0xaf: {  	[dreg:$0x3] =	wrdreg $0x94000  }
0xb0: {  	[dreg:$0x4] =	wrdreg $0x9  }
0xb1: {  	_ =	task.clear_ibuf [dreg:s6], $0x5FFFF;
	_ =	strace $0x90000052  }
0xb2: {  	s29 =	simm.s32 $0x9;
	_ =	strace $0x80000054  }
0xb3: {  	_ =	swait.ge [sflag:s29], $0x1  }
0xb4: {  	[sflag:s29] =	ssyncadd.s32 $0xFFFFFFFF  }
0xb5: {  	_ =	strace $0x90000054  }
0xb6: {  	_ =	sfence  }
0xb7: {  	s30 =	sld [smem:$0x0];
	_ =	sdelay $0x2  }
0xb8: {  	s31 =	sshll.u32 s1, $0xD;
	s1 =	sshrl.u32 s1, $0x2  }
0xb9: {  	s3 =	sand.u32 $0x4000, s31;
	s1 =	sadd.s32 s1, s30  }
0xba: {  	s0 =	sor.u32 s3, s0;
	s1 =	sshll.u32 s1, $0x11  }
0xbb: {  	s0 =	sor.u32 s1, s0  }
0xbc: {  	s0 =	sadd.s32 $0x8F2B, s0  }
0xbd: {  	[sflag:s0] =	ssyncadd.remote.s32 $0x1  }
0xbe: {  	_ =	sfence.sel $0xFFFF  }
0xbf: {  	[dreg:$0x0] =	wrdreg $0xFFFFFFFF;
	(pc) =	sbr.abs _section_cstart, $3  }
0xc0: {  	[dreg:$0x1] =	wrdreg $0xFFFFFFFF  }
0xc1: {  	_ =	task.clear_ibuf [dreg:s6], $0x2FFFF;
	_ =	strace $0x9FFFFFFF  }
0xc2: {  	(tm) =	ssettm $0x7FFFFFFF  }
0xc3: {  	_ =	shalt  }
tec
execute0_lowered:
.L_overlay_start_1:
0x0: {  	(tag) =	ssettag $0x1  }
0x1: {  	s0 =	stileid.u32;
	s5 =	rddreg [dreg:$0x0]  }
0x2: {  	s1 =	srdreg.scid;
	s2 =	rddreg [dreg:$0x1];
	s3 =	simm.s32 $0x0  }
0x3: {  	s14 =	simm.s32 $0x1400;
	s15 =	simm.s32 $0x0;
	s6 =	smul.u32 $0x28000, s0  }
0x4: {  	s4 =	sand.u32 $0x1, s1;
	s26 =	sshll.u32 s0, $0x1;
	s8 =	smul.u32 $0x4E40, s0  }
0x5: {  	[smem:$0x7FF] =	sst s3;
	s31 =	sshll.u32 s0, $0x6;
	s9 =	smul.u32 $0x4E400, s4  }
0x6: {  	s1 =	sor.u32 s4, s26;
	s11 =	ssub.s32 $0x2, s4;
	s30 =	smul.u32 $0x14000, s4  }
0x7: {  	s7 =	smul.u32 $0x280, s1;
	s1 =	rddreg [dreg:$0x2];
	_ =	strace $0x80000053  }
0x8: {  	s10 =	sadd.s32 s6, s5;
	s29 =	sshrl.u32 s8, $0x3;
	s12 =	sshrl.u32 s11, $0x1  }
0x9: {  	s13 =	sadd.s32 s8, s2;
	s9 =	sadd.s32 s8, s9;
	s11 =	ssub.s32 s11, s12  }
0xa: {  	s10 =	sadd.s32 s30, s10;
	s12 =	simm.s32 $0x20;
	s28 =	sadd.s32 s7, s5  }
0xb: {  	s7 =	sadd.s32 s29, s5;
	s9 =	sshrl.u32 s9, $0x3;
	s8 =	smax.u32 s11, $0x1  }
0xc: {  	s11 =	simm.s32 $0x1;
	s9 =	sadd.s32 s9, s5;
	s4 =	sadd.s32 $0x30600, s7  }
0xd: {  	s5 =	sor.u32 $0x1C01, s31;
	s6 =	sadd.s32 $0x2BF400, s28;
	s7 =	sadd.s32 $0x3F400, s9  }
0xe: {  	s9 =	sadd.s32 $0x561E00, s10;
	s10 =	sshrl.u32 s13, $0x3;
	s13 =	simm.s32 $0x80  }
.LBB2_1:
0xf: {  	[spmem:s10], [sflag:s5] =	dma.local [hbm:s4], $0x9C8  }
0x10: {  	_ =	swait.ge [sflag:s11], $0x9C8  }
0x11: {  	[sflag:s11] =	ssyncset.done $0x0  }
0x12: {  	[sflag:s11] =	ssyncadd.s32 $0xFFFFF638  }
0x13: {  	[tilespmem:s3], [sflag:$0x1] =	stream.linear.gather [hbm4b:s6+s3], $0x1400, $0x38;
	[tilespmem:$0xE240] =	vst v63  }
0x14: {  	_ =	swait.ge [sflag:s11], $0x1400  }
0x15: {  	[sflag:s11] =	ssyncset.done $0x0  }
0x16: {  	[sflag:s11] =	ssyncadd.s32 $0xFFFFEC00  }
0x17: {  	[bflag:$0x0] =	sbarrier.arrive $0xFFFF  }
0x18: {  	[tilespmem:s14], [sflag:$0x1] =	stream.strided.gather [hbm4b:s9+s12], $0x1000, s13, s12, $0x38;
	[tilespmem:$0xE240] =	vst v63  }
0x19: {  	_ =	swait.ge [sflag:s11], $0x1000  }
0x1a: {  	[sflag:s11] =	ssyncset.done $0x0  }
0x1b: {  	s16 =	simm.s32 $0x0;
	[sflag:s11] =	ssyncadd.s32 $0xFFFFF000  }
0x1c: {  	[spmem:s2] =	stream.indirect.scatter.add.f32 [tilespmem:s14], [sflag:$0x1], $0x20, s16, s13, $0xb8;
	[tilespmem:$0xE240] =	vst v63  }
0x1d: {  	_ =	swait.ge [sflag:s11], $0x1000  }
0x1e: {  	s17 =	smov.u32 s9;
	s16 =	simm.s32 $0x200;
	[sflag:s11] =	ssyncset.done $0x0  }
.LBB2_2:
0x1f: {  	p0 =	sne.s32 s16, $0x4E00;
	[sflag:s11] =	ssyncadd.s32 $0xFFFFF000;
	s17 =	sadd.s32 $0x800, s17  }
0x20: {  	[tilespmem:s14], [sflag:$0x1] =	stream.strided.gather [hbm4b:s17+s12], $0x1000, s13, s12, $0x38;
	[tilespmem:$0xE240] =	vst v63  }
0x21: {  	s18 =	smov.u32 s16;
	s16 =	sadd.s32 $0x200, s16;
	_ =	swait.ge [sflag:s11], $0x1000  }
.Ltmp0:
0x22: {  	[sflag:s11] =	ssyncset.done $0x0;
	(pc) =	sbr.rel @p0 .LBB2_2-.Ltmp0, $4  }
0x23: {  	s18 =	sshra.s32 s18, $0x2;
	[sflag:s11] =	ssyncadd.s32 $0xFFFFF000  }
0x24: {  	[spmem:s2] =	stream.indirect.scatter.add.f32 [tilespmem:s14], [sflag:$0x1], $0x20, s18, s13, $0xb8;
	[tilespmem:$0xE240] =	vst v63  }
0x25: {  	_ =	swait.ge [sflag:s11], $0x1000  }
0x26: {  	[sflag:s11] =	ssyncset.done $0x0  }
0x27: {  	s15 =	sadd.s32 $0x1, s15  }
0x28: {  	[sflag:s11] =	ssyncadd.s32 $0xFFFFF000;
	p0 =	sne.s32 s15, s8  }
.Ltmp1:
0x29: {  	[bflag:$0x0] =	sbarrier.arrive $0xFFFF;
	(pc) =	sbr.rel @p0 .LBB2_1-.Ltmp1, $4  }
0x2a: {  	[hbm:s7], [sflag:s5] =	dma.local [spmem:s10], $0x9C8  }
0x2b: {  	_ =	swait.ge [sflag:s11], $0x9C8  }
0x2c: {  	[sflag:s11] =	ssyncset.done $0x0  }
0x2d: {  	[sflag:s11] =	ssyncadd.s32 $0xFFFFF638  }
0x2e: {  	_ =	sfence.sel $0x180000  }
0x2f: {  	[bflag:$0x0] =	sbarrier.arrive $0xFFFF  }
0x30: {  	p0 =	sne.s32 s0, $0x0;
	_ =	strace $0x90000053  }
0x31: {  	s0 =	sadd.s32 @!p0 $0x100000, s1;
	[bflag:$0x2] =	sbarrier.arrive $0xFFFF  }
0x32: {  	[sflag:s0] =	ssyncadd.tile.s32 @!p0 $0x1;
	_ =	shalt  }
.Lfunc_end2:
_tile_overlayer_lowered:
.L_overlay_start_2:
0x33: {  	(tag) =	ssettag $0x2  }
0x34: {  	s0 =	rddreg [dreg:$0x0];
	s2 =	stileid.u32  }
0x35: {  	s1 =	rddreg [dreg:$0x1];
	p0 =	sne.s32 s2, $0x0  }
0x36: {  	s3 =	rddreg [dreg:$0x2];
	[bflag:$0x3] =	sbarrier.arrive $0xFFFF;
	s2 =	simm.s32 @!p0 $0x1C01  }
0x37: {  	[timem:s3], [sflag:s2] =	dma.local @!p0 [hbm:s0], s1  }
0x38: {  	s0 =	simm.s32 @!p0 $0x1  }
0x39: {  	_ =	swait.ge @!p0 [sflag:s0], s1  }
0x3a: {  	s1 =	ssub.s32 @!p0 $0x0, s1;
	[sflag:s0] =	ssyncset.done @!p0 $0x0  }
0x3b: {  	[sflag:s0] =	ssyncadd.s32 @!p0 s1  }
0x3c: {  	[bflag:$0x3] =	sbarrier.arrive $0xFFFF  }
0x3d: {  	_ =	shalt  }

// kernel: kernel.32.cloned.1.call-start
scs
__scs_entry_jumppad:
0x0: {  	(pc) =	sbr.rel $0x88, $3  }
0x1: {  	(tag) =	ssettag $0x0;
	lr =	simm.s32 $0x1  }
0x2: {  	[smem:$0x3F89] =	sst lr;
	_ =	strace $0xD0000000  }
0x3: {  	_ = 	snop  }
0x4: {  	_ = 	snop  }
0x5: {  	_ = 	snop  }
0x6: {  	_ = 	snop  }
0x7: {  	_ = 	snop  }
__scs_overlays_trampoline_lowered:
0x8: {  	[smem:$0x3F98] =	sst s0  }
0x9: {  	[smem:$0x3F99] =	sst s1  }
0xa: {  	[smem:$0x3F9A] =	sst s2  }
0xb: {  	[smem:$0x3F9B] =	sst s3  }
0xc: {  	[smem:$0x3F9C] =	sst s4  }
0xd: {  	[smem:$0x3F9D] =	sst s5  }
0xe: {  	[smem:$0x3F9E] =	sst s6  }
0xf: {  	[smem:$0x3F9F] =	sst s7  }
0x10: {  	[smem:$0x3FA0] =	sst s8  }
0x11: {  	[smem:$0x3FA1] =	sst s9;
	s0 =	simm.s32 @!p0 $0x0  }
0x12: {  	s1 =	sld [smem:$0x3F87];
	s0 =	simm.s32 @p0 $0x1  }
0x13: {  	[smem:$0x3FA2] =	sst s0;
	s0 =	simm.s32 @!p1 $0x0  }
0x14: {  	s2 =	sld [smem:$0x3F86];
	s0 =	simm.s32 @p1 $0x1  }
0x15: {  	[smem:$0x3FA3] =	sst s0;
	s0 =	simm.s32 @!p2 $0x0  }
0x16: {  	s3 =	sld [smem:$0x3FDB];
	s0 =	simm.s32 @p2 $0x1  }
0x17: {  	s4 =	simm.s32 $0x1BF5;
	[smem:$0x3FA5] =	sst s0  }
0x18: {  	s0 =	sld [smem:$0x3F88];
	_ =	swait.ge [sflag:s4], $0x0  }
0x19: {  	s7 =	sld [smem:$0x3F89]  }
0x1a: {  	s8 =	sadd.s32 $0xFFFFE003, lr  }
0x1b: {  	s9 =	sadd.s32 $0xFFFFFEF7, lr;
	s5 =	simm.s32 $0xFFFFFFFF;
	p2 =	slt.u32 s8, $0xFFFFF086  }
0x1c: {  	p1 =	slt.u32 s9, $0xF7A;
	s5 =	simm.s32 @!p2 $0x0  }
0x1d: {  	s5 =	simm.s32 @p1 $0x1;
	p0 =	seq.s32 s7, s2  }
0x1e: {  	s7 =	smul.u32 @!p0 $0xF7A, s2;
	p2 =	seq.s32 @!p0 s5, $0x0  }
0x1f: {  	s9 =	smul.u32 $0xF7A, s1;
	s8 =	simm.s32 @!p0 $0x1BF5;
	p2 =	por !p2, p0  }
0x20: {  	[sflag:s8] =	ssyncset.s32 @!p0 $0xFFFFF086;
	s6 =	sadd.s32 @!p0 s3, s7;
	s7 =	simm.s32 @!p0 $0x108  }
0x21: {  	s3 =	sadd.s32 s3, s9;
	s6 =	sadd.s32 @!p0 $0x88, s6;
	s7 =	simm.s32 @p2 $0x1082  }
0x22: {  	[simem:s7], [sflag:s8] =	dma.local @!p0 [hbm:s6], $0xF7A  }
0x23: {  	s9 =	sor.u32 $0xD0000000, s2;
	s6 =	simm.s32 $0x108;
	_ =	swait.ge @!p0 [sflag:s8], $0x0  }
0x24: {  	s3 =	sadd.s32 $0x88, s3;
	s6 =	simm.s32 @!p1 $0x1082;
	[sflag:s4] =	ssyncset.s32 $0xFFFFF086  }
0x25: {  	[simem:s6], [sflag:s4] =	dma.local [hbm:s3], $0xF7A  }
0x26: {  	[smem:$0x3F89] =	sst s1;
	(tag) =	ssettag s2;
	_ =	strace s9  }
0x27: {  	s1 =	sld [smem:$0x3F99]  }
0x28: {  	s2 =	sld [smem:$0x3F9A]  }
0x29: {  	s4 =	sld [smem:$0x3F9C]  }
0x2a: {  	p0 =	seq.s32 s5, $0x0;
	s5 =	sld [smem:$0x3F9D]  }
0x2b: {  	s6 =	sld [smem:$0x3F9E]  }
0x2c: {  	s7 =	sld [smem:$0x3F9F]  }
0x2d: {  	s3 =	simm.s32 $0x108;
	s8 =	sld [smem:$0x3FA0]  }
0x2e: {  	s3 =	simm.s32 @!p0 $0x1082;
	s9 =	sld [smem:$0x3FA1]  }
0x2f: {  	lr =	sadd.s32 s0, s3;
	s0 =	sld [smem:$0x3F98]  }
0x30: {  	s3 =	sld [smem:$0x3F9B]  }
0x31: {  	[smem:$0x3FA4] =	sst s10  }
0x32: {  	s10 =	sld [smem:$0x3FA2];
	_ =	sdelay $0x3  }
0x33: {  	p0 =	seq.s32 s10, $0x1;
	s10 =	sld [smem:$0x3FA4];
	_ =	sdelay $0x3  }
0x34: {  	[smem:$0x3FA4] =	sst s10  }
0x35: {  	s10 =	sld [smem:$0x3FA3];
	_ =	sdelay $0x3  }
0x36: {  	p1 =	seq.s32 s10, $0x1;
	s10 =	sld [smem:$0x3FA4];
	_ =	sdelay $0x3  }
0x37: {  	[smem:$0x3FA4] =	sst s10  }
0x38: {  	s10 =	sld [smem:$0x3FA5]  }
0x39: {  	_ = 	snop;
	(pc) =	sbr.ind lr, $3  }
0x3a: {  	_ = 	snop  }
0x3b: {  	_ = 	snop  }
0x3c: {  	p2 =	seq.s32 s10, $0x1;
	s10 =	sld [smem:$0x3FA4]  }
0x3d: {  	_ =	shalt  }
0x3e: {  	_ =	shalt  }
0x3f: {  	_ =	shalt  }
0x40: {  	_ =	shalt  }
0x41: {  	_ =	shalt  }
0x42: {  	_ =	shalt  }
0x43: {  	_ =	shalt  }
0x44: {  	_ =	shalt  }
0x45: {  	_ =	shalt  }
0x46: {  	_ =	shalt  }
0x47: {  	_ =	shalt  }
0x48: {  	_ =	shalt  }
0x49: {  	_ =	shalt  }
0x4a: {  	_ =	shalt  }
0x4b: {  	_ =	shalt  }
0x4c: {  	_ =	shalt  }
0x4d: {  	_ =	shalt  }
0x4e: {  	_ =	shalt  }
0x4f: {  	_ =	shalt  }
0x50: {  	_ =	shalt  }
0x51: {  	_ =	shalt  }
0x52: {  	_ =	shalt  }
0x53: {  	_ =	shalt  }
0x54: {  	_ =	shalt  }
0x55: {  	_ =	shalt  }
0x56: {  	_ =	shalt  }
0x57: {  	_ =	shalt  }
0x58: {  	_ =	shalt  }
0x59: {  	_ =	shalt  }
0x5a: {  	_ =	shalt  }
0x5b: {  	_ =	shalt  }
0x5c: {  	_ =	shalt  }
0x5d: {  	_ =	shalt  }
0x5e: {  	_ =	shalt  }
0x5f: {  	_ =	shalt  }
0x60: {  	_ =	shalt  }
0x61: {  	_ =	shalt  }
0x62: {  	_ =	shalt  }
0x63: {  	_ =	shalt  }
0x64: {  	_ =	shalt  }
0x65: {  	_ =	shalt  }
0x66: {  	_ =	shalt  }
0x67: {  	_ =	shalt  }
0x68: {  	_ =	shalt  }
0x69: {  	_ =	shalt  }
0x6a: {  	_ =	shalt  }
0x6b: {  	_ =	shalt  }
0x6c: {  	_ =	shalt  }
0x6d: {  	_ =	shalt  }
0x6e: {  	_ =	shalt  }
0x6f: {  	_ =	shalt  }
0x70: {  	_ =	shalt  }
0x71: {  	_ =	shalt  }
0x72: {  	_ =	shalt  }
0x73: {  	_ =	shalt  }
0x74: {  	_ =	shalt  }
0x75: {  	_ =	shalt  }
0x76: {  	_ =	shalt  }
0x77: {  	_ =	shalt  }
0x78: {  	_ =	shalt  }
0x79: {  	_ =	shalt  }
0x7a: {  	_ =	shalt  }
0x7b: {  	_ =	shalt  }
0x7c: {  	_ =	shalt  }
0x7d: {  	_ =	shalt  }
0x7e: {  	_ =	shalt  }
0x7f: {  	_ =	shalt  }
0x80: {  	_ =	shalt  }
0x81: {  	_ =	shalt  }
0x82: {  	_ =	shalt  }
0x83: {  	_ =	shalt  }
0x84: {  	_ =	shalt  }
0x85: {  	_ =	shalt  }
0x86: {  	_ =	shalt  }
0x87: {  	_ =	shalt  }
.Lfunc_end0:
.L_simem_size_0:
called_computation.5_lowered:
.L_overlay_start_0:
0x88: {  	s2 =	sld [smem:$0x3FD9]  }
0x89: {  	s3 =	sld [smem:$0x3FFE];
	_ =	sdelay $0x1  }
0x8a: {  	s1 =	srdreg.scid  }
0x8b: {  	s0 =	sand.u32 $0x1, s1  }
0x8c: {  	s16 =	sshll.u32 s0, $0xA;
	s2 =	sadd.s32 s3, s2  }
0x8d: {  	s2 =	sadd.s32 s2, s16  }
0x8e: {  	[smem:$0x3FB0] =	sst s2  }
0x8f: {  	_ = 	snop  }
0x90: {  	(tm) =	ssettm $0x1  }
0x91: {  	s17 =	sld [smem:$0x3FFB];
	_ =	sdelay $0x3  }
0x92: {  	_ =	strace s17  }
0x93: {  	s2 =	sld [smem:$0x3FFC];
	_ =	sdelay $0x3  }
0x94: {  	_ =	strace s2  }
0x95: {  	s2 =	sld [smem:$0x3FFD];
	_ =	sdelay $0x3  }
0x96: {  	_ =	strace s2  }
0x97: {  	_ =	strace $0x8FFFFFFF  }
0x98: {  	s18 =	sld [smem:$0x3FDB];
	_ =	sdelay $0x1  }
0x99: {  	s19 =	simm.s32 $_scs_section_size  }
0x9a: {  	s4 =	simm.s32 $_size__tile_overlayer_lowered;
	s5 =	simm.s32 $_tile_overlayer_lowered  }
0x9b: {  	s22 =	simm.s32 $0x1BFF;
	s21 =	sshll.u32 s5, $0x1;
	s2 =	sadd.s32 s19, s18  }
0x9c: {  	s6 =	simm.s32 $0x0;
	s20 =	sshll.u32 s4, $0x1;
	s4 =	sadd.s32 s21, s2  }
0x9d: {  	[timem:s6], [sflag:s22] =	dma.local [hbm:s4], s20  }
0x9e: {  	_ =	swait.ge [sflag:s22], s20  }
0x9f: {  	s3 =	ssub.s32 $0x0, s20;
	[sflag:s22] =	ssyncset.done $0x0  }
0xa0: {  	[sflag:s22] =	ssyncadd.s32 s3;
	_ =	sdelay $0x1  }
0xa1: {  	s23 =	simm.s32 $0x1B8B  }
0xa2: {  	_ =	swait.ge [sflag:s23], $0x1  }
0xa3: {  	[sflag:s23] =	ssyncset.done $0x0  }
0xa4: {  	s25 =	simm.s32 $0x1B8E;
	s24 =	sld [smem:$0x3FFE];
	[sflag:s23] =	ssyncadd.s32 $0xFFFFFFFF  }
0xa5: {  	s26 =	simm.s32 $execute0_lowered;
	[smem:$0x3FD2] =	sst s25  }
0xa6: {  	s4 =	sshll.u32 s26, $0x1;
	_ =	strace $0x80000055;
	[dreg:$0x1] =	wrdreg $0xFFFFFFFF  }
0xa7: {  	s28 =	simm.s32 $_size_execute0_lowered;
	s2 =	sadd.s32 s2, s4;
	[dreg:$0x0] =	wrdreg $0x0  }
0xa8: {  	s4 =	sshll.u32 s28, $0x1;
	[dreg:$0x2] =	wrdreg s2  }
0xa9: {  	[dreg:$0x3] =	wrdreg s4  }
0xaa: {  	[dreg:$0x4] =	wrdreg $0xC0  }
0xab: {  	_ =	task [dreg:s6], $0x5FFFF  }
0xac: {  	[dreg:$0x1] =	wrdreg $0xFFFFFFFF  }
0xad: {  	[dreg:$0x0] =	wrdreg $0x60  }
0xae: {  	[dreg:$0x2] =	wrdreg s24  }
0xaf: {  	[dreg:$0x3] =	wrdreg $0x9  }
0xb0: {  	_ =	task.clear_ibuf [dreg:s6], $0x4FFFF;
	_ =	strace $0x90000055  }
0xb1: {  	s29 =	simm.s32 $0x9;
	_ =	strace $0x80000057  }
0xb2: {  	_ =	swait.ge [sflag:s29], $0x1  }
0xb3: {  	[sflag:s29] =	ssyncadd.s32 $0xFFFFFFFF  }
0xb4: {  	_ =	strace $0x90000057  }
0xb5: {  	_ =	sfence  }
0xb6: {  	s30 =	sld [smem:$0x0];
	_ =	sdelay $0x2  }
0xb7: {  	s31 =	sshll.u32 s1, $0xD;
	s1 =	sshrl.u32 s1, $0x2  }
0xb8: {  	s3 =	sand.u32 $0x4000, s31;
	s1 =	sadd.s32 s1, s30  }
0xb9: {  	s0 =	sor.u32 s3, s0;
	s1 =	sshll.u32 s1, $0x11  }
0xba: {  	s0 =	sor.u32 s1, s0  }
0xbb: {  	s0 =	sadd.s32 $0x8F2B, s0  }
0xbc: {  	[sflag:s0] =	ssyncadd.remote.s32 $0x1  }
0xbd: {  	_ =	sfence.sel $0xFFFF  }
0xbe: {  	[dreg:$0x0] =	wrdreg $0xFFFFFFFF;
	(pc) =	sbr.abs _section_cstart, $3  }
0xbf: {  	[dreg:$0x1] =	wrdreg $0xFFFFFFFF  }
0xc0: {  	_ =	task.clear_ibuf [dreg:s6], $0x2FFFF;
	_ =	strace $0x9FFFFFFF  }
0xc1: {  	(tm) =	ssettm $0x7FFFFFFF  }
tec
execute0_lowered:
.L_overlay_start_1:
0x0: {  	(tag) =	ssettag $0x1  }
0x1: {  	s1 =	srdreg.scid;
	s0 =	stileid.u32  }
0x2: {  	s4 =	rddreg [dreg:$0x0];
	s2 =	simm.s32 $0x0;
	s10 =	simm.s32 $0x1  }
0x3: {  	s11 =	simm.s32 $0x20;
	s3 =	sand.u32 $0x1, s1;
	s1 =	rddreg [dreg:$0x1]  }
0x4: {  	s12 =	simm.s32 $0x0;
	s30 =	sshll.u32 s0, $0x1;
	[smem:$0x7FF] =	sst s2  }
0x5: {  	s6 =	smul.u32 $0x28000, s0;
	s5 =	sor.u32 s3, s30;
	_ =	strace $0x80000056  }
0x6: {  	s7 =	ssub.s32 $0x2, s3;
	s8 =	smul.u32 $0x14000, s3;
	s3 =	sadd.s32 $0x2C4400, s4  }
0x7: {  	s5 =	smul.u32 $0x280, s5;
	s6 =	sadd.s32 s6, s4;
	s9 =	sshrl.u32 s7, $0x1  }
0x8: {  	s31 =	ssub.s32 s7, s9;
	s6 =	sadd.s32 s8, s6;
	s7 =	simm.s32 $0x2  }
0x9: {  	s8 =	simm.s32 $0x80;
	s9 =	simm.s32 $0x1400;
	s4 =	sadd.s32 s5, s4  }
0xa: {  	s5 =	smax.u32 s31, $0x1;
	s6 =	sadd.s32 $0x2E1E00, s6;
	s4 =	sadd.s32 $0x3A400, s4  }
.LBB2_1:
0xb: {  	[tilespmem:s2], [sflag:$0x2] =	stream.linear.gather [hbm4b:s4+s2], $0x1400, $0x38;
	[tilespmem:$0x9400] =	vst v63  }
0xc: {  	_ =	swait.ge [sflag:s7], $0x1400  }
0xd: {  	[sflag:s7] =	ssyncset.done $0x0  }
0xe: {  	s13 =	simm.s32 $0x0;
	[sflag:s7] =	ssyncadd.s32 $0xFFFFEC00  }
0xf: {  	[tilespmem:s9], [sflag:$0x1] =	stream.indirect.gather [hbm4b:s3+s8], $0x20, s13, s8, $0xb8;
	[tilespmem:$0x9400] =	vst v63  }
0x10: {  	_ =	swait.ge [sflag:s10], $0x1000  }
0x11: {  	[sflag:s10] =	ssyncset.done $0x0  }
0x12: {  	[sflag:s10] =	ssyncadd.s32 $0xFFFFF000  }
0x13: {  	[hbm4b:s6+s11] =	stream.strided.scatter [tilespmem:s9], [sflag:$0x2], $0x1000, s8, s11, $0x38;
	[tilespmem:$0x9400] =	vst v63  }
0x14: {  	s14 =	simm.s32 $0x200;
	_ =	swait.ge [sflag:s7], $0x1000  }
0x15: {  	s15 =	simm.s32 $0x400;
	s13 =	sadd.s32 $0x800, s6;
	[sflag:s7] =	ssyncset.done $0x0  }
.LBB2_2:
0x16: {  	s16 =	sshra.s32 s14, $0x2  }
0x17: {  	[sflag:s7] =	ssyncadd.s32 $0xFFFFF000;
	s14 =	smov.u32 s15;
	s17 =	sadd.s32 $0x200, s15  }
0x18: {  	[tilespmem:s9], [sflag:$0x1] =	stream.indirect.gather [hbm4b:s3+s8], $0x20, s16, s8, $0xb8;
	[tilespmem:$0x9400] =	vst v63  }
0x19: {  	p0 =	sne.s32 s15, $0x4E00;
	_ =	swait.ge [sflag:s10], $0x1000  }
.Ltmp0:
0x1a: {  	[sflag:s10] =	ssyncset.done $0x0;
	(pc) =	sbr.rel @p0 .LBB2_2-.Ltmp0, $4  }
0x1b: {  	[sflag:s10] =	ssyncadd.s32 $0xFFFFF000  }
0x1c: {  	[hbm4b:s13+s11] =	stream.strided.scatter [tilespmem:s9], [sflag:$0x2], $0x1000, s8, s11, $0x38;
	[tilespmem:$0x9400] =	vst v63  }
0x1d: {  	_ =	swait.ge [sflag:s7], $0x1000  }
0x1e: {  	s15 =	smov.u32 s17;
	s13 =	sadd.s32 $0x800, s13;
	[sflag:s7] =	ssyncset.done $0x0  }
0x1f: {  	s14 =	sshra.s32 s14, $0x2;
	[sflag:s7] =	ssyncadd.s32 $0xFFFFF000  }
0x20: {  	[tilespmem:s9], [sflag:$0x1] =	stream.indirect.gather [hbm4b:s3+s8], $0x20, s14, s8, $0xb8;
	[tilespmem:$0x9400] =	vst v63  }
0x21: {  	s12 =	sadd.s32 $0x1, s12;
	_ =	swait.ge [sflag:s10], $0x1000  }
0x22: {  	p0 =	sne.s32 s12, s5;
	[sflag:s10] =	ssyncset.done $0x0  }
.Ltmp1:
0x23: {  	[sflag:s10] =	ssyncadd.s32 $0xFFFFF000;
	(pc) =	sbr.rel @p0 .LBB2_1-.Ltmp1, $4  }
0x24: {  	[hbm4b:s13+s11] =	stream.strided.scatter [tilespmem:s9], [sflag:$0x2], $0x1000, s8, s11, $0x38;
	[tilespmem:$0x9400] =	vst v63  }
0x25: {  	_ =	swait.ge [sflag:s7], $0x1000  }
0x26: {  	[sflag:s7] =	ssyncset.done $0x0  }
0x27: {  	[sflag:s7] =	ssyncadd.s32 $0xFFFFF000  }
0x28: {  	_ =	sfence.sel $0x180000  }
0x29: {  	[bflag:$0x0] =	sbarrier.arrive $0xFFFF  }
0x2a: {  	p0 =	sne.s32 s0, $0x0;
	_ =	strace $0x90000056  }
0x2b: {  	s0 =	sadd.s32 @!p0 $0x100000, s1;
	[bflag:$0x2] =	sbarrier.arrive $0xFFFF  }
0x2c: {  	[sflag:s0] =	ssyncadd.tile.s32 @!p0 $0x1;
	_ =	shalt  }
.Lfunc_end2:
_tile_overlayer_lowered:
.L_overlay_start_2:
0x2d: {  	(tag) =	ssettag $0x2  }
0x2e: {  	s0 =	rddreg [dreg:$0x0];
	s2 =	stileid.u32  }
0x2f: {  	s1 =	rddreg [dreg:$0x1];
	p0 =	sne.s32 s2, $0x0  }
0x30: {  	s3 =	rddreg [dreg:$0x2];
	[bflag:$0x3] =	sbarrier.arrive $0xFFFF;
	s2 =	simm.s32 @!p0 $0x1C02  }
0x31: {  	[timem:s3], [sflag:s2] =	dma.local @!p0 [hbm:s0], s1  }
0x32: {  	s0 =	simm.s32 @!p0 $0x2  }
0x33: {  	_ =	swait.ge @!p0 [sflag:s0], s1  }
0x34: {  	s1 =	ssub.s32 @!p0 $0x0, s1;
	[sflag:s0] =	ssyncset.done @!p0 $0x0  }
0x35: {  	[sflag:s0] =	ssyncadd.s32 @!p0 s1  }
0x36: {  	[bflag:$0x3] =	sbarrier.arrive $0xFFFF  }
0x37: {  	_ =	shalt  }

// kernel: kernel.35.cloned.1.call-start
scs
__scs_entry_jumppad:
0x0: {  	(pc) =	sbr.rel $0x88, $3  }
0x1: {  	(tag) =	ssettag $0x0;
	lr =	simm.s32 $0x1  }
0x2: {  	[smem:$0x3F89] =	sst lr;
	_ =	strace $0xD0000000  }
0x3: {  	_ = 	snop  }
0x4: {  	_ = 	snop  }
0x5: {  	_ = 	snop  }
0x6: {  	_ = 	snop  }
0x7: {  	_ = 	snop  }
__scs_overlays_trampoline_lowered:
0x8: {  	[smem:$0x3F98] =	sst s0  }
0x9: {  	[smem:$0x3F99] =	sst s1  }
0xa: {  	[smem:$0x3F9A] =	sst s2  }
0xb: {  	[smem:$0x3F9B] =	sst s3  }
0xc: {  	[smem:$0x3F9C] =	sst s4  }
0xd: {  	[smem:$0x3F9D] =	sst s5  }
0xe: {  	[smem:$0x3F9E] =	sst s6  }
0xf: {  	[smem:$0x3F9F] =	sst s7  }
0x10: {  	[smem:$0x3FA0] =	sst s8  }
0x11: {  	[smem:$0x3FA1] =	sst s9;
	s0 =	simm.s32 @!p0 $0x0  }
0x12: {  	s1 =	sld [smem:$0x3F87];
	s0 =	simm.s32 @p0 $0x1  }
0x13: {  	[smem:$0x3FA2] =	sst s0;
	s0 =	simm.s32 @!p1 $0x0  }
0x14: {  	s2 =	sld [smem:$0x3F86];
	s0 =	simm.s32 @p1 $0x1  }
0x15: {  	[smem:$0x3FA3] =	sst s0;
	s0 =	simm.s32 @!p2 $0x0  }
0x16: {  	s3 =	sld [smem:$0x3FDB];
	s0 =	simm.s32 @p2 $0x1  }
0x17: {  	s4 =	simm.s32 $0x1BF5;
	[smem:$0x3FA5] =	sst s0  }
0x18: {  	s0 =	sld [smem:$0x3F88];
	_ =	swait.ge [sflag:s4], $0x0  }
0x19: {  	s7 =	sld [smem:$0x3F89]  }
0x1a: {  	s8 =	sadd.s32 $0xFFFFE003, lr  }
0x1b: {  	s9 =	sadd.s32 $0xFFFFFEF7, lr;
	s5 =	simm.s32 $0xFFFFFFFF;
	p2 =	slt.u32 s8, $0xFFFFF086  }
0x1c: {  	p1 =	slt.u32 s9, $0xF7A;
	s5 =	simm.s32 @!p2 $0x0  }
0x1d: {  	s5 =	simm.s32 @p1 $0x1;
	p0 =	seq.s32 s7, s2  }
0x1e: {  	s7 =	smul.u32 @!p0 $0xF7A, s2;
	p2 =	seq.s32 @!p0 s5, $0x0  }
0x1f: {  	s9 =	smul.u32 $0xF7A, s1;
	s8 =	simm.s32 @!p0 $0x1BF5;
	p2 =	por !p2, p0  }
0x20: {  	[sflag:s8] =	ssyncset.s32 @!p0 $0xFFFFF086;
	s6 =	sadd.s32 @!p0 s3, s7;
	s7 =	simm.s32 @!p0 $0x108  }
0x21: {  	s3 =	sadd.s32 s3, s9;
	s6 =	sadd.s32 @!p0 $0x88, s6;
	s7 =	simm.s32 @p2 $0x1082  }
0x22: {  	[simem:s7], [sflag:s8] =	dma.local @!p0 [hbm:s6], $0xF7A  }
0x23: {  	s9 =	sor.u32 $0xD0000000, s2;
	s6 =	simm.s32 $0x108;
	_ =	swait.ge @!p0 [sflag:s8], $0x0  }
0x24: {  	s3 =	sadd.s32 $0x88, s3;
	s6 =	simm.s32 @!p1 $0x1082;
	[sflag:s4] =	ssyncset.s32 $0xFFFFF086  }
0x25: {  	[simem:s6], [sflag:s4] =	dma.local [hbm:s3], $0xF7A  }
0x26: {  	[smem:$0x3F89] =	sst s1;
	(tag) =	ssettag s2;
	_ =	strace s9  }
0x27: {  	s1 =	sld [smem:$0x3F99]  }
0x28: {  	s2 =	sld [smem:$0x3F9A]  }
0x29: {  	s4 =	sld [smem:$0x3F9C]  }
0x2a: {  	p0 =	seq.s32 s5, $0x0;
	s5 =	sld [smem:$0x3F9D]  }
0x2b: {  	s6 =	sld [smem:$0x3F9E]  }
0x2c: {  	s7 =	sld [smem:$0x3F9F]  }
0x2d: {  	s3 =	simm.s32 $0x108;
	s8 =	sld [smem:$0x3FA0]  }
0x2e: {  	s3 =	simm.s32 @!p0 $0x1082;
	s9 =	sld [smem:$0x3FA1]  }
0x2f: {  	lr =	sadd.s32 s0, s3;
	s0 =	sld [smem:$0x3F98]  }
0x30: {  	s3 =	sld [smem:$0x3F9B]  }
0x31: {  	[smem:$0x3FA4] =	sst s10  }
0x32: {  	s10 =	sld [smem:$0x3FA2];
	_ =	sdelay $0x3  }
0x33: {  	p0 =	seq.s32 s10, $0x1;
	s10 =	sld [smem:$0x3FA4];
	_ =	sdelay $0x3  }
0x34: {  	[smem:$0x3FA4] =	sst s10  }
0x35: {  	s10 =	sld [smem:$0x3FA3];
	_ =	sdelay $0x3  }
0x36: {  	p1 =	seq.s32 s10, $0x1;
	s10 =	sld [smem:$0x3FA4];
	_ =	sdelay $0x3  }
0x37: {  	[smem:$0x3FA4] =	sst s10  }
0x38: {  	s10 =	sld [smem:$0x3FA5]  }
0x39: {  	_ = 	snop;
	(pc) =	sbr.ind lr, $3  }
0x3a: {  	_ = 	snop  }
0x3b: {  	_ = 	snop  }
0x3c: {  	p2 =	seq.s32 s10, $0x1;
	s10 =	sld [smem:$0x3FA4]  }
0x3d: {  	_ =	shalt  }
0x3e: {  	_ =	shalt  }
0x3f: {  	_ =	shalt  }
0x40: {  	_ =	shalt  }
0x41: {  	_ =	shalt  }
0x42: {  	_ =	shalt  }
0x43: {  	_ =	shalt  }
0x44: {  	_ =	shalt  }
0x45: {  	_ =	shalt  }
0x46: {  	_ =	shalt  }
0x47: {  	_ =	shalt  }
0x48: {  	_ =	shalt  }
0x49: {  	_ =	shalt  }
0x4a: {  	_ =	shalt  }
0x4b: {  	_ =	shalt  }
0x4c: {  	_ =	shalt  }
0x4d: {  	_ =	shalt  }
0x4e: {  	_ =	shalt  }
0x4f: {  	_ =	shalt  }
0x50: {  	_ =	shalt  }
0x51: {  	_ =	shalt  }
0x52: {  	_ =	shalt  }
0x53: {  	_ =	shalt  }
0x54: {  	_ =	shalt  }
0x55: {  	_ =	shalt  }
0x56: {  	_ =	shalt  }
0x57: {  	_ =	shalt  }
0x58: {  	_ =	shalt  }
0x59: {  	_ =	shalt  }
0x5a: {  	_ =	shalt  }
0x5b: {  	_ =	shalt  }
0x5c: {  	_ =	shalt  }
0x5d: {  	_ =	shalt  }
0x5e: {  	_ =	shalt  }
0x5f: {  	_ =	shalt  }
0x60: {  	_ =	shalt  }
0x61: {  	_ =	shalt  }
0x62: {  	_ =	shalt  }
0x63: {  	_ =	shalt  }
0x64: {  	_ =	shalt  }
0x65: {  	_ =	shalt  }
0x66: {  	_ =	shalt  }
0x67: {  	_ =	shalt  }
0x68: {  	_ =	shalt  }
0x69: {  	_ =	shalt  }
0x6a: {  	_ =	shalt  }
0x6b: {  	_ =	shalt  }
0x6c: {  	_ =	shalt  }
0x6d: {  	_ =	shalt  }
0x6e: {  	_ =	shalt  }
0x6f: {  	_ =	shalt  }
0x70: {  	_ =	shalt  }
0x71: {  	_ =	shalt  }
0x72: {  	_ =	shalt  }
0x73: {  	_ =	shalt  }
0x74: {  	_ =	shalt  }
0x75: {  	_ =	shalt  }
0x76: {  	_ =	shalt  }
0x77: {  	_ =	shalt  }
0x78: {  	_ =	shalt  }
0x79: {  	_ =	shalt  }
0x7a: {  	_ =	shalt  }
0x7b: {  	_ =	shalt  }
0x7c: {  	_ =	shalt  }
0x7d: {  	_ =	shalt  }
0x7e: {  	_ =	shalt  }
0x7f: {  	_ =	shalt  }
0x80: {  	_ =	shalt  }
0x81: {  	_ =	shalt  }
0x82: {  	_ =	shalt  }
0x83: {  	_ =	shalt  }
0x84: {  	_ =	shalt  }
0x85: {  	_ =	shalt  }
0x86: {  	_ =	shalt  }
0x87: {  	_ =	shalt  }
.Lfunc_end0:
.L_simem_size_0:
called_computation.6_lowered:
.L_overlay_start_0:
0x88: {  	s2 =	sld [smem:$0x3FD9]  }
0x89: {  	s3 =	sld [smem:$0x3FFE];
	_ =	sdelay $0x1  }
0x8a: {  	s1 =	srdreg.scid  }
0x8b: {  	s0 =	sand.u32 $0x1, s1  }
0x8c: {  	s16 =	sshll.u32 s0, $0xA;
	s2 =	sadd.s32 s3, s2  }
0x8d: {  	s2 =	sadd.s32 s2, s16  }
0x8e: {  	[smem:$0x3FB0] =	sst s2  }
0x8f: {  	_ = 	snop  }
0x90: {  	(tm) =	ssettm $0x1  }
0x91: {  	s17 =	sld [smem:$0x3FFB];
	_ =	sdelay $0x3  }
0x92: {  	_ =	strace s17  }
0x93: {  	s2 =	sld [smem:$0x3FFC];
	_ =	sdelay $0x3  }
0x94: {  	_ =	strace s2  }
0x95: {  	s2 =	sld [smem:$0x3FFD];
	_ =	sdelay $0x3  }
0x96: {  	_ =	strace s2  }
0x97: {  	_ =	strace $0x8FFFFFFF  }
0x98: {  	s18 =	sld [smem:$0x3FDB];
	_ =	sdelay $0x1  }
0x99: {  	s19 =	simm.s32 $_scs_section_size  }
0x9a: {  	s4 =	simm.s32 $_size__tile_overlayer_lowered;
	s5 =	simm.s32 $_tile_overlayer_lowered  }
0x9b: {  	s22 =	simm.s32 $0x1BFF;
	s21 =	sshll.u32 s5, $0x1;
	s2 =	sadd.s32 s19, s18  }
0x9c: {  	s6 =	simm.s32 $0x0;
	s20 =	sshll.u32 s4, $0x1;
	s4 =	sadd.s32 s21, s2  }
0x9d: {  	[timem:s6], [sflag:s22] =	dma.local [hbm:s4], s20  }
0x9e: {  	_ =	swait.ge [sflag:s22], s20  }
0x9f: {  	s3 =	ssub.s32 $0x0, s20;
	[sflag:s22] =	ssyncset.done $0x0  }
0xa0: {  	[sflag:s22] =	ssyncadd.s32 s3;
	_ =	sdelay $0x1  }
0xa1: {  	s23 =	simm.s32 $0x1B8B  }
0xa2: {  	_ =	swait.ge [sflag:s23], $0x1  }
0xa3: {  	[sflag:s23] =	ssyncset.done $0x0  }
0xa4: {  	s25 =	simm.s32 $0x1B8E;
	s24 =	sld [smem:$0x3FFE];
	[sflag:s23] =	ssyncadd.s32 $0xFFFFFFFF  }
0xa5: {  	s26 =	simm.s32 $execute0_lowered;
	[smem:$0x3FD2] =	sst s25  }
0xa6: {  	s4 =	sshll.u32 s26, $0x1;
	_ =	strace $0x80000058;
	[dreg:$0x1] =	wrdreg $0xFFFFFFFF  }
0xa7: {  	s28 =	simm.s32 $_size_execute0_lowered;
	s2 =	sadd.s32 s2, s4;
	[dreg:$0x0] =	wrdreg $0x0  }
0xa8: {  	s4 =	sshll.u32 s28, $0x1;
	[dreg:$0x2] =	wrdreg s2  }
0xa9: {  	[dreg:$0x3] =	wrdreg s4  }
0xaa: {  	[dreg:$0x4] =	wrdreg $0xC0  }
0xab: {  	_ =	task [dreg:s6], $0x5FFFF  }
0xac: {  	[dreg:$0x1] =	wrdreg $0xFFFFFFFF  }
0xad: {  	[dreg:$0x0] =	wrdreg $0x60  }
0xae: {  	[dreg:$0x2] =	wrdreg s24  }
0xaf: {  	[dreg:$0x3] =	wrdreg $0x94000  }
0xb0: {  	[dreg:$0x4] =	wrdreg $0x9  }
0xb1: {  	_ =	task.clear_ibuf [dreg:s6], $0x5FFFF;
	_ =	strace $0x90000058  }
0xb2: {  	s29 =	simm.s32 $0x9;
	_ =	strace $0x8000005A  }
0xb3: {  	_ =	swait.ge [sflag:s29], $0x1  }
0xb4: {  	[sflag:s29] =	ssyncadd.s32 $0xFFFFFFFF  }
0xb5: {  	_ =	strace $0x9000005A  }
0xb6: {  	_ =	sfence  }
0xb7: {  	s30 =	sld [smem:$0x0];
	_ =	sdelay $0x2  }
0xb8: {  	s31 =	sshll.u32 s1, $0xD;
	s1 =	sshrl.u32 s1, $0x2  }
0xb9: {  	s3 =	sand.u32 $0x4000, s31;
	s1 =	sadd.s32 s1, s30  }
0xba: {  	s0 =	sor.u32 s3, s0;
	s1 =	sshll.u32 s1, $0x11  }
0xbb: {  	s0 =	sor.u32 s1, s0  }
0xbc: {  	s0 =	sadd.s32 $0x8F2B, s0  }
0xbd: {  	[sflag:s0] =	ssyncadd.remote.s32 $0x1  }
0xbe: {  	_ =	sfence.sel $0xFFFF  }
0xbf: {  	[dreg:$0x0] =	wrdreg $0xFFFFFFFF;
	(pc) =	sbr.abs _section_cstart, $3  }
0xc0: {  	[dreg:$0x1] =	wrdreg $0xFFFFFFFF  }
0xc1: {  	_ =	task.clear_ibuf [dreg:s6], $0x2FFFF;
	_ =	strace $0x9FFFFFFF  }
0xc2: {  	(tm) =	ssettm $0x7FFFFFFF  }
0xc3: {  	_ =	shalt  }
tec
execute0_lowered:
.L_overlay_start_1:
0x0: {  	(tag) =	ssettag $0x1  }
0x1: {  	s0 =	stileid.u32;
	s5 =	rddreg [dreg:$0x0]  }
0x2: {  	s1 =	srdreg.scid;
	s2 =	rddreg [dreg:$0x1];
	s3 =	simm.s32 $0x0  }
0x3: {  	s14 =	simm.s32 $0x1400;
	s15 =	simm.s32 $0x0;
	s6 =	smul.u32 $0x28000, s0  }
0x4: {  	s4 =	sand.u32 $0x1, s1;
	s26 =	sshll.u32 s0, $0x1;
	s8 =	smul.u32 $0x4E40, s0  }
0x5: {  	[smem:$0x7FF] =	sst s3;
	s31 =	sshll.u32 s0, $0x6;
	s9 =	smul.u32 $0x4E400, s4  }
0x6: {  	s1 =	sor.u32 s4, s26;
	s11 =	ssub.s32 $0x2, s4;
	s30 =	smul.u32 $0x14000, s4  }
0x7: {  	s7 =	smul.u32 $0x280, s1;
	s1 =	rddreg [dreg:$0x2];
	_ =	strace $0x80000059  }
0x8: {  	s10 =	sadd.s32 s6, s5;
	s29 =	sshrl.u32 s8, $0x3;
	s12 =	sshrl.u32 s11, $0x1  }
0x9: {  	s13 =	sadd.s32 s8, s2;
	s9 =	sadd.s32 s8, s9;
	s11 =	ssub.s32 s11, s12  }
0xa: {  	s10 =	sadd.s32 s30, s10;
	s12 =	simm.s32 $0x20;
	s28 =	sadd.s32 s7, s5  }
0xb: {  	s7 =	sadd.s32 s29, s5;
	s9 =	sshrl.u32 s9, $0x3;
	s8 =	smax.u32 s11, $0x1  }
0xc: {  	s11 =	simm.s32 $0x1;
	s9 =	sadd.s32 s9, s5;
	s4 =	sadd.s32 $0x30600, s7  }
0xd: {  	s5 =	sor.u32 $0x1C01, s31;
	s6 =	sadd.s32 $0x2BF400, s28;
	s7 =	sadd.s32 $0x3A400, s9  }
0xe: {  	s9 =	sadd.s32 $0x561E00, s10;
	s10 =	sshrl.u32 s13, $0x3;
	s13 =	simm.s32 $0x80  }
.LBB2_1:
0xf: {  	[spmem:s10], [sflag:s5] =	dma.local [hbm:s4], $0x9C8  }
0x10: {  	_ =	swait.ge [sflag:s11], $0x9C8  }
0x11: {  	[sflag:s11] =	ssyncset.done $0x0  }
0x12: {  	[sflag:s11] =	ssyncadd.s32 $0xFFFFF638  }
0x13: {  	[tilespmem:s3], [sflag:$0x1] =	stream.linear.gather [hbm4b:s6+s3], $0x1400, $0x38;
	[tilespmem:$0xE240] =	vst v63  }
0x14: {  	_ =	swait.ge [sflag:s11], $0x1400  }
0x15: {  	[sflag:s11] =	ssyncset.done $0x0  }
0x16: {  	[sflag:s11] =	ssyncadd.s32 $0xFFFFEC00  }
0x17: {  	[bflag:$0x0] =	sbarrier.arrive $0xFFFF  }
0x18: {  	[tilespmem:s14], [sflag:$0x1] =	stream.strided.gather [hbm4b:s9+s12], $0x1000, s13, s12, $0x38;
	[tilespmem:$0xE240] =	vst v63  }
0x19: {  	_ =	swait.ge [sflag:s11], $0x1000  }
0x1a: {  	[sflag:s11] =	ssyncset.done $0x0  }
0x1b: {  	s16 =	simm.s32 $0x0;
	[sflag:s11] =	ssyncadd.s32 $0xFFFFF000  }
0x1c: {  	[spmem:s2] =	stream.indirect.scatter.add.f32 [tilespmem:s14], [sflag:$0x1], $0x20, s16, s13, $0xb8;
	[tilespmem:$0xE240] =	vst v63  }
0x1d: {  	_ =	swait.ge [sflag:s11], $0x1000  }
0x1e: {  	s17 =	smov.u32 s9;
	s16 =	simm.s32 $0x200;
	[sflag:s11] =	ssyncset.done $0x0  }
.LBB2_2:
0x1f: {  	p0 =	sne.s32 s16, $0x4E00;
	[sflag:s11] =	ssyncadd.s32 $0xFFFFF000;
	s17 =	sadd.s32 $0x800, s17  }
0x20: {  	[tilespmem:s14], [sflag:$0x1] =	stream.strided.gather [hbm4b:s17+s12], $0x1000, s13, s12, $0x38;
	[tilespmem:$0xE240] =	vst v63  }
0x21: {  	s18 =	smov.u32 s16;
	s16 =	sadd.s32 $0x200, s16;
	_ =	swait.ge [sflag:s11], $0x1000  }
.Ltmp0:
0x22: {  	[sflag:s11] =	ssyncset.done $0x0;
	(pc) =	sbr.rel @p0 .LBB2_2-.Ltmp0, $4  }
0x23: {  	s18 =	sshra.s32 s18, $0x2;
	[sflag:s11] =	ssyncadd.s32 $0xFFFFF000  }
0x24: {  	[spmem:s2] =	stream.indirect.scatter.add.f32 [tilespmem:s14], [sflag:$0x1], $0x20, s18, s13, $0xb8;
	[tilespmem:$0xE240] =	vst v63  }
0x25: {  	_ =	swait.ge [sflag:s11], $0x1000  }
0x26: {  	[sflag:s11] =	ssyncset.done $0x0  }
0x27: {  	s15 =	sadd.s32 $0x1, s15  }
0x28: {  	[sflag:s11] =	ssyncadd.s32 $0xFFFFF000;
	p0 =	sne.s32 s15, s8  }
.Ltmp1:
0x29: {  	[bflag:$0x0] =	sbarrier.arrive $0xFFFF;
	(pc) =	sbr.rel @p0 .LBB2_1-.Ltmp1, $4  }
0x2a: {  	[hbm:s7], [sflag:s5] =	dma.local [spmem:s10], $0x9C8  }
0x2b: {  	_ =	swait.ge [sflag:s11], $0x9C8  }
0x2c: {  	[sflag:s11] =	ssyncset.done $0x0  }
0x2d: {  	[sflag:s11] =	ssyncadd.s32 $0xFFFFF638  }
0x2e: {  	_ =	sfence.sel $0x180000  }
0x2f: {  	[bflag:$0x0] =	sbarrier.arrive $0xFFFF  }
0x30: {  	p0 =	sne.s32 s0, $0x0;
	_ =	strace $0x90000059  }
0x31: {  	s0 =	sadd.s32 @!p0 $0x100000, s1;
	[bflag:$0x2] =	sbarrier.arrive $0xFFFF  }
0x32: {  	[sflag:s0] =	ssyncadd.tile.s32 @!p0 $0x1;
	_ =	shalt  }
.Lfunc_end2:
_tile_overlayer_lowered:
.L_overlay_start_2:
0x33: {  	(tag) =	ssettag $0x2  }
0x34: {  	s0 =	rddreg [dreg:$0x0];
	s2 =	stileid.u32  }
0x35: {  	s1 =	rddreg [dreg:$0x1];
	p0 =	sne.s32 s2, $0x0  }
0x36: {  	s3 =	rddreg [dreg:$0x2];
	[bflag:$0x3] =	sbarrier.arrive $0xFFFF;
	s2 =	simm.s32 @!p0 $0x1C01  }
0x37: {  	[timem:s3], [sflag:s2] =	dma.local @!p0 [hbm:s0], s1  }
0x38: {  	s0 =	simm.s32 @!p0 $0x1  }
0x39: {  	_ =	swait.ge @!p0 [sflag:s0], s1  }
0x3a: {  	s1 =	ssub.s32 @!p0 $0x0, s1;
	[sflag:s0] =	ssyncset.done @!p0 $0x0  }
0x3b: {  	[sflag:s0] =	ssyncadd.s32 @!p0 s1  }
0x3c: {  	[bflag:$0x3] =	sbarrier.arrive $0xFFFF  }
0x3d: {  	_ =	shalt  }

</sc_bundles>
